<compile_context>
chip_gen: v7x
topology: tpu7x:2x2x1
jax: 0.10.2.dev20260603
libtpu: 0.0.44.dev20260713+nightly
codegen_flags: <defaults>
</compile_context>

<pallas_src>
import functools

import jax
import jax.numpy as jnp
from jax import lax
from jax.experimental import pallas as pl
from jax.experimental.pallas import tpu as pltpu
from jax.experimental.pallas import tpu_sc as plsc

N_DATA = 1000000
FEAT = 64
TEMP = 0.07
MOMENTUM = 0.5
N_NEG = 512
BATCH = 1024

NC = 2
NS = 16
NW = NC * NS
BPW = BATCH // NW
LANES = 16
GROUPS = N_NEG // LANES

_SC_PARAMS = pltpu.CompilerParams(
    needs_layout_passes=False, use_tc_tiling_on_sc=False)


@functools.cache
def _mesh():
    return plsc.VectorSubcoreMesh(
        core_axis_name="c", subcore_axis_name="s",
        num_cores=NC, num_subcores=NS)


def _prep_body(s_ref, t_ref, sn_ref, tn_ref, pos_ref):
    s = s_ref[...]
    t = t_ref[...]
    sn = s / jnp.maximum(jnp.sqrt(jnp.sum(s * s, axis=1, keepdims=True)), 1e-12)
    tn = t / jnp.maximum(jnp.sqrt(jnp.sum(t * t, axis=1, keepdims=True)), 1e-12)
    sn_ref[...] = sn
    tn_ref[...] = tn
    pos_ref[...] = jnp.sum(sn * tn, axis=1) / TEMP


_prep = pl.pallas_call(
    _prep_body,
    out_shape=(
        jax.ShapeDtypeStruct((BATCH, FEAT), jnp.float32),
        jax.ShapeDtypeStruct((BATCH, FEAT), jnp.float32),
        jax.ShapeDtypeStruct((BATCH,), jnp.float32),
    ),
)


def _sc_main_body(mb_hbm, negidx_hbm, sn_hbm, neglog_hbm,
                  idxall, rowsv, dotv, snv, semg, semo):
    w = lax.axis_index("s") * NC + lax.axis_index("c")
    base = w * BPW

    pltpu.sync_copy(sn_hbm.at[pl.ds(base, BPW)], snv)
    pltpu.sync_copy(negidx_hbm.at[pl.ds(base, BPW)], idxall)

    def issue_gathers(j, buf):
        for k in range(4):
            pltpu.async_copy(mb_hbm.at[idxall.at[j, k]],
                             rowsv.at[buf, pl.ds(k * 128, 128)], semg)

    def wait_gathers(j, buf):
        for k in range(4):
            pltpu.make_async_copy(mb_hbm.at[idxall.at[j, k]],
                                  rowsv.at[buf, pl.ds(k * 128, 128)],
                                  semg).wait()

    issue_gathers(0, 0)
    issue_gathers(1, 1)
    issue_gathers(2, 2)

    def per_b(j, carry):
        buf = lax.rem(j, 3)
        obuf = lax.rem(j, 2)
        b = base + j
        wait_gathers(j, buf)

        @pl.when(j >= 2)
        def _():
            pltpu.make_async_copy(dotv.at[obuf], neglog_hbm.at[b], semo).wait()

        srow = [snv[j, pl.ds(k * LANES, LANES)] for k in range(FEAT // LANES)]
        bufv = jnp.full((LANES,), 0, jnp.int32) + buf

        def per_group(g, carry2):
            row_ids = g * LANES + lax.iota(jnp.int32, LANES)
            acc = jnp.zeros((LANES,), jnp.float32)
            for d in range(FEAT):
                col = jnp.full((LANES,), d, jnp.int32)
                v = plsc.load_gather(rowsv, [bufv, row_ids, col])
                acc = acc + v * srow[d // LANES][d % LANES]
            dotv[obuf, pl.ds(g * LANES, LANES)] = acc * (1.0 / TEMP)
            return carry2

        lax.fori_loop(0, GROUPS, per_group, 0, unroll=False)
        pltpu.async_copy(dotv.at[obuf], neglog_hbm.at[b], semo)
        @pl.when(j + 3 < BPW)
        def _():
            issue_gathers(j + 3, buf)
        return carry

    lax.fori_loop(0, BPW, per_b, 0, unroll=False)

    for j in (BPW - 2, BPW - 1):
        pltpu.make_async_copy(dotv.at[lax.rem(j, 2)],
                              neglog_hbm.at[base + j], semo).wait()


@functools.cache
def _sc_main():
    return pl.kernel(
        _sc_main_body,
        out_type=jax.ShapeDtypeStruct((BATCH, N_NEG), jnp.float32),
        mesh=_mesh(),
        compiler_params=_SC_PARAMS,
        scratch_types=[
            pltpu.VMEM((BPW, 4, 128), jnp.int32),
            pltpu.VMEM((3, N_NEG, FEAT), jnp.float32),
            pltpu.VMEM((2, N_NEG), jnp.float32),
            pltpu.VMEM((BPW, FEAT), jnp.float32),
            pltpu.SemaphoreType.DMA,
            pltpu.SemaphoreType.DMA,
        ],
    )


def _loss_body(pos_ref, neg_ref, loss_ref):
    pos = pos_ref[...]
    neg = neg_ref[...]
    m = jnp.maximum(jnp.max(neg, axis=1), pos)
    lse = jnp.log(jnp.exp(pos - m)
                  + jnp.sum(jnp.exp(neg - m[:, None]), axis=1)) + m
    loss_ref[...] = jnp.reshape(jnp.mean(lse - pos), (1, 1))


_loss = pl.pallas_call(
    _loss_body,
    out_shape=jax.ShapeDtypeStruct((1, 1), jnp.float32),
)


_CW = 32768


def _cs_body(sidx_ref, perm_ref, tnf_ref, in_ref, out_ref):
    blk = pl.program_id(0)
    c0 = blk * _CW
    out_ref[...] = in_ref[...]

    def lower_bound(target):
        def step(i, st):
            lo, hi = st
            mid = (lo + hi) // 2
            go = sidx_ref[mid] < target
            return jnp.where(go, mid + 1, lo), jnp.where(go, hi, mid)

        lo, _ = lax.fori_loop(0, 10, step, (0, BATCH))
        return lo

    lo = lower_bound(c0)
    hi = lower_bound(c0 + _CW)
    lanes = lax.broadcasted_iota(jnp.int32, (FEAT, 128), 1)

    def apply(k, carry):
        c = sidx_ref[k] - c0
        t = c // 128
        lane = c % 128
        off = pl.multiple_of(t * 128, 128)
        msk = lanes == lane
        old = jnp.sum(jnp.where(msk, in_ref[:, pl.ds(off, 128)], 0.0), axis=1)
        tn_row = tnf_ref[perm_ref[k], 0, :]
        u = MOMENTUM * old + (1.0 - MOMENTUM) * tn_row
        u = u / jnp.maximum(jnp.sqrt(jnp.sum(u * u)), 1e-12)
        tile = out_ref[:, pl.ds(off, 128)]
        out_ref[:, pl.ds(off, 128)] = jnp.where(msk, u[:, None], tile)
        return carry

    lax.fori_loop(lo, hi, apply, 0)


_copy_scatter = pl.pallas_call(
    _cs_body,
    grid_spec=pltpu.PrefetchScalarGridSpec(
        num_scalar_prefetch=2,
        grid=((N_DATA + _CW - 1) // _CW,),
        in_specs=[
            pl.BlockSpec((BATCH, 8, FEAT), lambda i, s, p: (0, 0, 0)),
            pl.BlockSpec((FEAT, _CW), lambda i, s, p: (0, i)),
        ],
        out_specs=pl.BlockSpec((FEAT, _CW), lambda i, s, p: (0, i)),
    ),
    out_shape=jax.ShapeDtypeStruct((FEAT, N_DATA), jnp.float32),
)


def kernel(student_feat, teacher_feat, indices, memory_bank):
    idx = indices.reshape(-1).astype(jnp.int32)

    rkey = jax.random.key(42)
    r = jax.random.randint(rkey, (BATCH, N_NEG), 0, N_DATA - 1)
    neg_indices = r + (r >= idx[:, None]).astype(r.dtype)
    neg_indices = neg_indices.reshape(BATCH, 4, 128)

    sn, tn, pos = _prep(student_feat, teacher_feat)
    neg_logits = _sc_main()(memory_bank, neg_indices, sn)
    loss2d = _loss(pos, neg_logits)

    sidx, perm = lax.sort((idx, lax.iota(jnp.int32, BATCH)), num_keys=1)
    tnf = jnp.broadcast_to(tn[:, None, :], (BATCH, 8, FEAT))
    outT = _copy_scatter(sidx, perm, tnf, memory_bank.T)
    new_memory_bank = outT.T

    return loss2d[0, 0], new_memory_bank

# --- scband reference (transcript-rebuilt; emitter-appended) ---
"""Pipeline reference for scband-contrastive-loss-2576980377944 (READ-ONLY COPY).

The authoritative reference and input builder live on the scoring server;
editing this copy changes nothing except your own understanding.
"""

import jax, jax.numpy as jnp
import numpy as np

N_DATA = 1000000
FEAT_DIM = 64
TEMP = 0.07
MOMENTUM = 0.5
N_NEG = 512
BATCH = 1024


def _normalize(x, axis=-1, eps=1e-12):
    n = jnp.linalg.norm(x, axis=axis, keepdims=True)
    return x / jnp.maximum(n, eps)


def setup_inputs(seed: int = 0) -> dict:
    key = jax.random.key(seed)
    k1, k2, k3, k4 = jax.random.split(key, 4)
    student_feat = jax.random.normal(k1, (BATCH, FEAT_DIM), dtype=jnp.float32)
    teacher_feat = jax.random.normal(k2, (BATCH, FEAT_DIM), dtype=jnp.float32)
    indices = jax.random.randint(k3, (BATCH,), 0, N_DATA)
    memory_bank = _normalize(jax.random.normal(k4, (N_DATA, FEAT_DIM), dtype=jnp.float32), axis=1)
    return {"student_feat": student_feat, "teacher_feat": teacher_feat, "indices": indices, "memory_bank": memory_bank}


def reference(student_feat, teacher_feat, indices, memory_bank):
    B = student_feat.shape[0]
    s = _normalize(student_feat, axis=1)
    t = _normalize(teacher_feat, axis=1)
    pos_logits = jnp.sum(s * t, axis=1, keepdims=True) / TEMP
    idx = indices.reshape(-1)
    # negative sampling (fixed key stands in for torch.randint)
    rkey = jax.random.key(42)
    r = jax.random.randint(rkey, (B, N_NEG), 0, N_DATA - 1)
    neg_indices = r + (r >= idx[:, None]).astype(r.dtype)
    neg_feat = jnp.take(memory_bank, neg_indices, axis=0)  # [B, N_NEG, D] gather
    neg_feat = _normalize(neg_feat, axis=2)
    neg_logits = jnp.einsum('bnd,bd->bn', neg_feat, s) / TEMP
    logits = jnp.concatenate([pos_logits, neg_logits], axis=1)
    # cross entropy with labels = 0
    lse = jax.scipy.special.logsumexp(logits, axis=1)
    loss = jnp.mean(lse - logits[:, 0])
    # training-mode memory bank update (no_grad in torch)
    upd = MOMENTUM * jnp.take(memory_bank, idx, axis=0) + (1.0 - MOMENTUM) * jax.lax.stop_gradient(t)
    upd = _normalize(upd, axis=1)
    new_memory_bank = memory_bank.at[idx].set(upd)
    return (loss, new_memory_bank)

if __name__ == "__main__":
    import jax
    _d = setup_inputs()
    print(jax.jit(kernel)(*tuple(_d.values())))

</pallas_src>

<mosaic_0001>
#map = affine_map<(d0, d1) -> (0, 0)>
#map1 = affine_map<(d0, d1) -> (0, 0, 0)>
module attributes {stable_mosaic.version = 14 : i64} {
  func.func @_sc_main_body(%arg0: i32, %arg1: i32, %arg2: memref<1000000x64xf32, #tpu.memory_space<hbm>>, %arg3: memref<1024x4x128xi32, #tpu.memory_space<hbm>>, %arg4: memref<1024x64xf32, #tpu.memory_space<hbm>>, %arg5: memref<1024x512xf32, #tpu.memory_space<hbm>>, %arg6: memref<32x4x128xi32, #tpu.memory_space<vmem>>, %arg7: memref<3x512x64xf32, #tpu.memory_space<vmem>>, %arg8: memref<2x512xf32, #tpu.memory_space<vmem>>, %arg9: memref<32x64xf32, #tpu.memory_space<vmem>>, %arg10: memref<!tpu.dma_semaphore, #tpu.memory_space<semaphore_mem>>, %arg11: memref<!tpu.dma_semaphore, #tpu.memory_space<semaphore_mem>>) attributes {dimension_semantics = [#tpu.dimension_semantics<core_parallel>, #tpu.dimension_semantics<subcore_parallel>], iteration_bounds = array<i64: 2, 16>, scalar_prefetch = 0 : i64, scratch_operands = 6 : i64, tpu.core_type = #tpu.core_type<sc_vector_subcore>, window_params = [{transform_indices = #map}, {transform_indices = #map1}, {transform_indices = #map}, {transform_indices = #map}]} {
    %mul3A = arith.constant 2 : i32
    %mul3A_0 = arith.muli %arg1, %mul3A : i32
    %add3A = arith.addi %mul3A_0, %arg0 : i32
    %mul3A_1 = arith.constant 32 : i32
    %mul3A_2 = arith.muli %add3A, %mul3A_1 : i32
    "tpu.region"() ({
      %run_scoped3A = tpu.sem_alloc : memref<!tpu.dma_semaphore, #tpu.memory_space<semaphore_mem>>
      %dma_start3A_195 = arith.constant 0 : i32
      %dma_start3A_196 = tpu.memref_slice %arg4[%mul3A_2, %dma_start3A_195] : memref<1024x64xf32, #tpu.memory_space<hbm>> -> memref<32x64xf32, #tpu.memory_space<hbm>>
      %dma_start3A_197 = arith.constant 0 : i32
      %dma_start3A_198 = tpu.memref_slice %arg4[%mul3A_2, %dma_start3A_197] : memref<1024x64xf32, #tpu.memory_space<hbm>> -> memref<32x64xf32, #tpu.memory_space<hbm>>
      tpu.enqueue_dma source(%dma_start3A_198 : memref<32x64xf32, #tpu.memory_space<hbm>>) target(%arg9 : memref<32x64xf32, #tpu.memory_space<vmem>>) target_semaphore(%run_scoped3A : memref<!tpu.dma_semaphore, #tpu.memory_space<semaphore_mem>>)
      %dma_wait3A_199 = arith.constant 0 : i32
      %dma_wait3A_200 = tpu.memref_slice %arg4[%mul3A_2, %dma_wait3A_199] : memref<1024x64xf32, #tpu.memory_space<hbm>> -> memref<32x64xf32, #tpu.memory_space<hbm>>
      %dma_wait3A_201 = arith.constant 0 : i32
      %dma_wait3A_202 = tpu.memref_slice %arg4[%mul3A_2, %dma_wait3A_201] : memref<1024x64xf32, #tpu.memory_space<hbm>> -> memref<32x64xf32, #tpu.memory_space<hbm>>
      tpu.wait_dma2 semaphore(%run_scoped3A : memref<!tpu.dma_semaphore, #tpu.memory_space<semaphore_mem>>) src(%dma_wait3A_202 : memref<32x64xf32, #tpu.memory_space<hbm>>) dst(%arg9 : memref<32x64xf32, #tpu.memory_space<vmem>>)
      tpu.yield
    }) : () -> ()
    "tpu.region"() ({
      %run_scoped3A = tpu.sem_alloc : memref<!tpu.dma_semaphore, #tpu.memory_space<semaphore_mem>>
      %dma_start3A_195 = arith.constant 0 : i32
      %dma_start3A_196 = arith.constant 0 : i32
      %dma_start3A_197 = tpu.memref_slice %arg3[%mul3A_2, %dma_start3A_195, %dma_start3A_196] : memref<1024x4x128xi32, #tpu.memory_space<hbm>> -> memref<32x4x128xi32, #tpu.memory_space<hbm>>
      %dma_start3A_198 = arith.constant 0 : i32
      %dma_start3A_199 = arith.constant 0 : i32
      %dma_start3A_200 = tpu.memref_slice %arg3[%mul3A_2, %dma_start3A_198, %dma_start3A_199] : memref<1024x4x128xi32, #tpu.memory_space<hbm>> -> memref<32x4x128xi32, #tpu.memory_space<hbm>>
      tpu.enqueue_dma source(%dma_start3A_200 : memref<32x4x128xi32, #tpu.memory_space<hbm>>) target(%arg6 : memref<32x4x128xi32, #tpu.memory_space<vmem>>) target_semaphore(%run_scoped3A : memref<!tpu.dma_semaphore, #tpu.memory_space<semaphore_mem>>)
      %dma_wait3A_201 = arith.constant 0 : i32
      %dma_wait3A_202 = arith.constant 0 : i32
      %dma_wait3A_203 = tpu.memref_slice %arg3[%mul3A_2, %dma_wait3A_201, %dma_wait3A_202] : memref<1024x4x128xi32, #tpu.memory_space<hbm>> -> memref<32x4x128xi32, #tpu.memory_space<hbm>>
      %dma_wait3A_204 = arith.constant 0 : i32
      %dma_wait3A_205 = arith.constant 0 : i32
      %dma_wait3A_206 = tpu.memref_slice %arg3[%mul3A_2, %dma_wait3A_204, %dma_wait3A_205] : memref<1024x4x128xi32, #tpu.memory_space<hbm>> -> memref<32x4x128xi32, #tpu.memory_space<hbm>>
      tpu.wait_dma2 semaphore(%run_scoped3A : memref<!tpu.dma_semaphore, #tpu.memory_space<semaphore_mem>>) src(%dma_wait3A_206 : memref<32x4x128xi32, #tpu.memory_space<hbm>>) dst(%arg6 : memref<32x4x128xi32, #tpu.memory_space<vmem>>)
      tpu.yield
    }) : () -> ()
    %dma_start3A = arith.constant 0 : i32
    %dma_start3A_3 = arith.constant 0 : i32
    %dma_start3A_4 = arith.constant 0 : i32
    %dma_start3A_5 = arith.constant 0 : i32
    %dma_start3A_6 = arith.constant 0 : i32
    %dma_start3A_7 = tpu.memref_slice %arg7[%dma_start3A_4, %dma_start3A_5, %dma_start3A_6] : memref<3x512x64xf32, #tpu.memory_space<vmem>> -> memref<1x128x64xf32, #tpu.memory_space<vmem>>
    %dma_start3A_8 = tpu.memref_squeeze %dma_start3A_7 : memref<1x128x64xf32, #tpu.memory_space<vmem>> -> memref<128x64xf32, #tpu.memory_space<vmem>>
    %dma_start3A_9 = arith.constant 0 : i32
    %dma_start3A_10 = tpu.memref_slice %arg6[%dma_start3A, %dma_start3A_3, %dma_start3A_9] : memref<32x4x128xi32, #tpu.memory_space<vmem>> -> memref<1x1x128xi32, #tpu.memory_space<vmem>>
    %dma_start3A_11 = tpu.memref_squeeze %dma_start3A_10 : memref<1x1x128xi32, #tpu.memory_space<vmem>> -> memref<128xi32, #tpu.memory_space<vmem>>
    %dma_start3A_12 = arith.constant 0 : i32
    %dma_start3A_13 = arith.constant 0 : i32
    %dma_start3A_14 = tpu.memref_slice %arg2[%dma_start3A_12, %dma_start3A_13] : memref<1000000x64xf32, #tpu.memory_space<hbm>> -> memref<1000000x64xf32, #tpu.memory_space<hbm>>
    tpu.enqueue_indirect_dma source(%dma_start3A_14 : memref<1000000x64xf32, #tpu.memory_space<hbm>>) target(%dma_start3A_8 : memref<128x64xf32, #tpu.memory_space<vmem>>) offsets(%dma_start3A_11 : memref<128xi32, #tpu.memory_space<vmem>>) semaphore(%arg10 : memref<!tpu.dma_semaphore, #tpu.memory_space<semaphore_mem>>)
    %dma_start3A_15 = arith.constant 0 : i32
    %dma_start3A_16 = arith.constant 1 : i32
    %dma_start3A_17 = arith.constant 0 : i32
    %dma_start3A_18 = arith.constant 128 : i32
    %dma_start3A_19 = arith.constant 0 : i32
    %dma_start3A_20 = tpu.memref_slice %arg7[%dma_start3A_17, %dma_start3A_18, %dma_start3A_19] : memref<3x512x64xf32, #tpu.memory_space<vmem>> -> memref<1x128x64xf32, #tpu.memory_space<vmem>>
    %dma_start3A_21 = tpu.memref_squeeze %dma_start3A_20 : memref<1x128x64xf32, #tpu.memory_space<vmem>> -> memref<128x64xf32, #tpu.memory_space<vmem>>
    %dma_start3A_22 = arith.constant 0 : i32
    %dma_start3A_23 = tpu.memref_slice %arg6[%dma_start3A_15, %dma_start3A_16, %dma_start3A_22] : memref<32x4x128xi32, #tpu.memory_space<vmem>> -> memref<1x1x128xi32, #tpu.memory_space<vmem>>
    %dma_start3A_24 = tpu.memref_squeeze %dma_start3A_23 : memref<1x1x128xi32, #tpu.memory_space<vmem>> -> memref<128xi32, #tpu.memory_space<vmem>>
    %dma_start3A_25 = arith.constant 0 : i32
    %dma_start3A_26 = arith.constant 0 : i32
    %dma_start3A_27 = tpu.memref_slice %arg2[%dma_start3A_25, %dma_start3A_26] : memref<1000000x64xf32, #tpu.memory_space<hbm>> -> memref<1000000x64xf32, #tpu.memory_space<hbm>>
    tpu.enqueue_indirect_dma source(%dma_start3A_27 : memref<1000000x64xf32, #tpu.memory_space<hbm>>) target(%dma_start3A_21 : memref<128x64xf32, #tpu.memory_space<vmem>>) offsets(%dma_start3A_24 : memref<128xi32, #tpu.memory_space<vmem>>) semaphore(%arg10 : memref<!tpu.dma_semaphore, #tpu.memory_space<semaphore_mem>>)
    %dma_start3A_28 = arith.constant 0 : i32
    %dma_start3A_29 = arith.constant 2 : i32
    %dma_start3A_30 = arith.constant 0 : i32
    %dma_start3A_31 = arith.constant 256 : i32
    %dma_start3A_32 = arith.constant 0 : i32
    %dma_start3A_33 = tpu.memref_slice %arg7[%dma_start3A_30, %dma_start3A_31, %dma_start3A_32] : memref<3x512x64xf32, #tpu.memory_space<vmem>> -> memref<1x128x64xf32, #tpu.memory_space<vmem>>
    %dma_start3A_34 = tpu.memref_squeeze %dma_start3A_33 : memref<1x128x64xf32, #tpu.memory_space<vmem>> -> memref<128x64xf32, #tpu.memory_space<vmem>>
    %dma_start3A_35 = arith.constant 0 : i32
    %dma_start3A_36 = tpu.memref_slice %arg6[%dma_start3A_28, %dma_start3A_29, %dma_start3A_35] : memref<32x4x128xi32, #tpu.memory_space<vmem>> -> memref<1x1x128xi32, #tpu.memory_space<vmem>>
    %dma_start3A_37 = tpu.memref_squeeze %dma_start3A_36 : memref<1x1x128xi32, #tpu.memory_space<vmem>> -> memref<128xi32, #tpu.memory_space<vmem>>
    %dma_start3A_38 = arith.constant 0 : i32
    %dma_start3A_39 = arith.constant 0 : i32
    %dma_start3A_40 = tpu.memref_slice %arg2[%dma_start3A_38, %dma_start3A_39] : memref<1000000x64xf32, #tpu.memory_space<hbm>> -> memref<1000000x64xf32, #tpu.memory_space<hbm>>
    tpu.enqueue_indirect_dma source(%dma_start3A_40 : memref<1000000x64xf32, #tpu.memory_space<hbm>>) target(%dma_start3A_34 : memref<128x64xf32, #tpu.memory_space<vmem>>) offsets(%dma_start3A_37 : memref<128xi32, #tpu.memory_space<vmem>>) semaphore(%arg10 : memref<!tpu.dma_semaphore, #tpu.memory_space<semaphore_mem>>)
    %dma_start3A_41 = arith.constant 0 : i32
    %dma_start3A_42 = arith.constant 3 : i32
    %dma_start3A_43 = arith.constant 0 : i32
    %dma_start3A_44 = arith.constant 384 : i32
    %dma_start3A_45 = arith.constant 0 : i32
    %dma_start3A_46 = tpu.memref_slice %arg7[%dma_start3A_43, %dma_start3A_44, %dma_start3A_45] : memref<3x512x64xf32, #tpu.memory_space<vmem>> -> memref<1x128x64xf32, #tpu.memory_space<vmem>>
    %dma_start3A_47 = tpu.memref_squeeze %dma_start3A_46 : memref<1x128x64xf32, #tpu.memory_space<vmem>> -> memref<128x64xf32, #tpu.memory_space<vmem>>
    %dma_start3A_48 = arith.constant 0 : i32
    %dma_start3A_49 = tpu.memref_slice %arg6[%dma_start3A_41, %dma_start3A_42, %dma_start3A_48] : memref<32x4x128xi32, #tpu.memory_space<vmem>> -> memref<1x1x128xi32, #tpu.memory_space<vmem>>
    %dma_start3A_50 = tpu.memref_squeeze %dma_start3A_49 : memref<1x1x128xi32, #tpu.memory_space<vmem>> -> memref<128xi32, #tpu.memory_space<vmem>>
    %dma_start3A_51 = arith.constant 0 : i32
    %dma_start3A_52 = arith.constant 0 : i32
    %dma_start3A_53 = tpu.memref_slice %arg2[%dma_start3A_51, %dma_start3A_52] : memref<1000000x64xf32, #tpu.memory_space<hbm>> -> memref<1000000x64xf32, #tpu.memory_space<hbm>>
    tpu.enqueue_indirect_dma source(%dma_start3A_53 : memref<1000000x64xf32, #tpu.memory_space<hbm>>) target(%dma_start3A_47 : memref<128x64xf32, #tpu.memory_space<vmem>>) offsets(%dma_start3A_50 : memref<128xi32, #tpu.memory_space<vmem>>) semaphore(%arg10 : memref<!tpu.dma_semaphore, #tpu.memory_space<semaphore_mem>>)
    %dma_start3A_54 = arith.constant 1 : i32
    %dma_start3A_55 = arith.constant 0 : i32
    %dma_start3A_56 = arith.constant 1 : i32
    %dma_start3A_57 = arith.constant 0 : i32
    %dma_start3A_58 = arith.constant 0 : i32
    %dma_start3A_59 = tpu.memref_slice %arg7[%dma_start3A_56, %dma_start3A_57, %dma_start3A_58] : memref<3x512x64xf32, #tpu.memory_space<vmem>> -> memref<1x128x64xf32, #tpu.memory_space<vmem>>
    %dma_start3A_60 = tpu.memref_squeeze %dma_start3A_59 : memref<1x128x64xf32, #tpu.memory_space<vmem>> -> memref<128x64xf32, #tpu.memory_space<vmem>>
    %dma_start3A_61 = arith.constant 0 : i32
    %dma_start3A_62 = tpu.memref_slice %arg6[%dma_start3A_54, %dma_start3A_55, %dma_start3A_61] : memref<32x4x128xi32, #tpu.memory_space<vmem>> -> memref<1x1x128xi32, #tpu.memory_space<vmem>>
    %dma_start3A_63 = tpu.memref_squeeze %dma_start3A_62 : memref<1x1x128xi32, #tpu.memory_space<vmem>> -> memref<128xi32, #tpu.memory_space<vmem>>
    %dma_start3A_64 = arith.constant 0 : i32
    %dma_start3A_65 = arith.constant 0 : i32
    %dma_start3A_66 = tpu.memref_slice %arg2[%dma_start3A_64, %dma_start3A_65] : memref<1000000x64xf32, #tpu.memory_space<hbm>> -> memref<1000000x64xf32, #tpu.memory_space<hbm>>
    tpu.enqueue_indirect_dma source(%dma_start3A_66 : memref<1000000x64xf32, #tpu.memory_space<hbm>>) target(%dma_start3A_60 : memref<128x64xf32, #tpu.memory_space<vmem>>) offsets(%dma_start3A_63 : memref<128xi32, #tpu.memory_space<vmem>>) semaphore(%arg10 : memref<!tpu.dma_semaphore, #tpu.memory_space<semaphore_mem>>)
    %dma_start3A_67 = arith.constant 1 : i32
    %dma_start3A_68 = arith.constant 1 : i32
    %dma_start3A_69 = arith.constant 1 : i32
    %dma_start3A_70 = arith.constant 128 : i32
    %dma_start3A_71 = arith.constant 0 : i32
    %dma_start3A_72 = tpu.memref_slice %arg7[%dma_start3A_69, %dma_start3A_70, %dma_start3A_71] : memref<3x512x64xf32, #tpu.memory_space<vmem>> -> memref<1x128x64xf32, #tpu.memory_space<vmem>>
    %dma_start3A_73 = tpu.memref_squeeze %dma_start3A_72 : memref<1x128x64xf32, #tpu.memory_space<vmem>> -> memref<128x64xf32, #tpu.memory_space<vmem>>
    %dma_start3A_74 = arith.constant 0 : i32
    %dma_start3A_75 = tpu.memref_slice %arg6[%dma_start3A_67, %dma_start3A_68, %dma_start3A_74] : memref<32x4x128xi32, #tpu.memory_space<vmem>> -> memref<1x1x128xi32, #tpu.memory_space<vmem>>
    %dma_start3A_76 = tpu.memref_squeeze %dma_start3A_75 : memref<1x1x128xi32, #tpu.memory_space<vmem>> -> memref<128xi32, #tpu.memory_space<vmem>>
    %dma_start3A_77 = arith.constant 0 : i32
    %dma_start3A_78 = arith.constant 0 : i32
    %dma_start3A_79 = tpu.memref_slice %arg2[%dma_start3A_77, %dma_start3A_78] : memref<1000000x64xf32, #tpu.memory_space<hbm>> -> memref<1000000x64xf32, #tpu.memory_space<hbm>>
    tpu.enqueue_indirect_dma source(%dma_start3A_79 : memref<1000000x64xf32, #tpu.memory_space<hbm>>) target(%dma_start3A_73 : memref<128x64xf32, #tpu.memory_space<vmem>>) offsets(%dma_start3A_76 : memref<128xi32, #tpu.memory_space<vmem>>) semaphore(%arg10 : memref<!tpu.dma_semaphore, #tpu.memory_space<semaphore_mem>>)
    %dma_start3A_80 = arith.constant 1 : i32
    %dma_start3A_81 = arith.constant 2 : i32
    %dma_start3A_82 = arith.constant 1 : i32
    %dma_start3A_83 = arith.constant 256 : i32
    %dma_start3A_84 = arith.constant 0 : i32
    %dma_start3A_85 = tpu.memref_slice %arg7[%dma_start3A_82, %dma_start3A_83, %dma_start3A_84] : memref<3x512x64xf32, #tpu.memory_space<vmem>> -> memref<1x128x64xf32, #tpu.memory_space<vmem>>
    %dma_start3A_86 = tpu.memref_squeeze %dma_start3A_85 : memref<1x128x64xf32, #tpu.memory_space<vmem>> -> memref<128x64xf32, #tpu.memory_space<vmem>>
    %dma_start3A_87 = arith.constant 0 : i32
    %dma_start3A_88 = tpu.memref_slice %arg6[%dma_start3A_80, %dma_start3A_81, %dma_start3A_87] : memref<32x4x128xi32, #tpu.memory_space<vmem>> -> memref<1x1x128xi32, #tpu.memory_space<vmem>>
    %dma_start3A_89 = tpu.memref_squeeze %dma_start3A_88 : memref<1x1x128xi32, #tpu.memory_space<vmem>> -> memref<128xi32, #tpu.memory_space<vmem>>
    %dma_start3A_90 = arith.constant 0 : i32
    %dma_start3A_91 = arith.constant 0 : i32
    %dma_start3A_92 = tpu.memref_slice %arg2[%dma_start3A_90, %dma_start3A_91] : memref<1000000x64xf32, #tpu.memory_space<hbm>> -> memref<1000000x64xf32, #tpu.memory_space<hbm>>
    tpu.enqueue_indirect_dma source(%dma_start3A_92 : memref<1000000x64xf32, #tpu.memory_space<hbm>>) target(%dma_start3A_86 : memref<128x64xf32, #tpu.memory_space<vmem>>) offsets(%dma_start3A_89 : memref<128xi32, #tpu.memory_space<vmem>>) semaphore(%arg10 : memref<!tpu.dma_semaphore, #tpu.memory_space<semaphore_mem>>)
    %dma_start3A_93 = arith.constant 1 : i32
    %dma_start3A_94 = arith.constant 3 : i32
    %dma_start3A_95 = arith.constant 1 : i32
    %dma_start3A_96 = arith.constant 384 : i32
    %dma_start3A_97 = arith.constant 0 : i32
    %dma_start3A_98 = tpu.memref_slice %arg7[%dma_start3A_95, %dma_start3A_96, %dma_start3A_97] : memref<3x512x64xf32, #tpu.memory_space<vmem>> -> memref<1x128x64xf32, #tpu.memory_space<vmem>>
    %dma_start3A_99 = tpu.memref_squeeze %dma_start3A_98 : memref<1x128x64xf32, #tpu.memory_space<vmem>> -> memref<128x64xf32, #tpu.memory_space<vmem>>
    %dma_start3A_100 = arith.constant 0 : i32
    %dma_start3A_101 = tpu.memref_slice %arg6[%dma_start3A_93, %dma_start3A_94, %dma_start3A_100] : memref<32x4x128xi32, #tpu.memory_space<vmem>> -> memref<1x1x128xi32, #tpu.memory_space<vmem>>
    %dma_start3A_102 = tpu.memref_squeeze %dma_start3A_101 : memref<1x1x128xi32, #tpu.memory_space<vmem>> -> memref<128xi32, #tpu.memory_space<vmem>>
    %dma_start3A_103 = arith.constant 0 : i32
    %dma_start3A_104 = arith.constant 0 : i32
    %dma_start3A_105 = tpu.memref_slice %arg2[%dma_start3A_103, %dma_start3A_104] : memref<1000000x64xf32, #tpu.memory_space<hbm>> -> memref<1000000x64xf32, #tpu.memory_space<hbm>>
    tpu.enqueue_indirect_dma source(%dma_start3A_105 : memref<1000000x64xf32, #tpu.memory_space<hbm>>) target(%dma_start3A_99 : memref<128x64xf32, #tpu.memory_space<vmem>>) offsets(%dma_start3A_102 : memref<128xi32, #tpu.memory_space<vmem>>) semaphore(%arg10 : memref<!tpu.dma_semaphore, #tpu.memory_space<semaphore_mem>>)
    %dma_start3A_106 = arith.constant 2 : i32
    %dma_start3A_107 = arith.constant 0 : i32
    %dma_start3A_108 = arith.constant 2 : i32
    %dma_start3A_109 = arith.constant 0 : i32
    %dma_start3A_110 = arith.constant 0 : i32
    %dma_start3A_111 = tpu.memref_slice %arg7[%dma_start3A_108, %dma_start3A_109, %dma_start3A_110] : memref<3x512x64xf32, #tpu.memory_space<vmem>> -> memref<1x128x64xf32, #tpu.memory_space<vmem>>
    %dma_start3A_112 = tpu.memref_squeeze %dma_start3A_111 : memref<1x128x64xf32, #tpu.memory_space<vmem>> -> memref<128x64xf32, #tpu.memory_space<vmem>>
    %dma_start3A_113 = arith.constant 0 : i32
    %dma_start3A_114 = tpu.memref_slice %arg6[%dma_start3A_106, %dma_start3A_107, %dma_start3A_113] : memref<32x4x128xi32, #tpu.memory_space<vmem>> -> memref<1x1x128xi32, #tpu.memory_space<vmem>>
    %dma_start3A_115 = tpu.memref_squeeze %dma_start3A_114 : memref<1x1x128xi32, #tpu.memory_space<vmem>> -> memref<128xi32, #tpu.memory_space<vmem>>
    %dma_start3A_116 = arith.constant 0 : i32
    %dma_start3A_117 = arith.constant 0 : i32
    %dma_start3A_118 = tpu.memref_slice %arg2[%dma_start3A_116, %dma_start3A_117] : memref<1000000x64xf32, #tpu.memory_space<hbm>> -> memref<1000000x64xf32, #tpu.memory_space<hbm>>
    tpu.enqueue_indirect_dma source(%dma_start3A_118 : memref<1000000x64xf32, #tpu.memory_space<hbm>>) target(%dma_start3A_112 : memref<128x64xf32, #tpu.memory_space<vmem>>) offsets(%dma_start3A_115 : memref<128xi32, #tpu.memory_space<vmem>>) semaphore(%arg10 : memref<!tpu.dma_semaphore, #tpu.memory_space<semaphore_mem>>)
    %dma_start3A_119 = arith.constant 2 : i32
    %dma_start3A_120 = arith.constant 1 : i32
    %dma_start3A_121 = arith.constant 2 : i32
    %dma_start3A_122 = arith.constant 128 : i32
    %dma_start3A_123 = arith.constant 0 : i32
    %dma_start3A_124 = tpu.memref_slice %arg7[%dma_start3A_121, %dma_start3A_122, %dma_start3A_123] : memref<3x512x64xf32, #tpu.memory_space<vmem>> -> memref<1x128x64xf32, #tpu.memory_space<vmem>>
    %dma_start3A_125 = tpu.memref_squeeze %dma_start3A_124 : memref<1x128x64xf32, #tpu.memory_space<vmem>> -> memref<128x64xf32, #tpu.memory_space<vmem>>
    %dma_start3A_126 = arith.constant 0 : i32
    %dma_start3A_127 = tpu.memref_slice %arg6[%dma_start3A_119, %dma_start3A_120, %dma_start3A_126] : memref<32x4x128xi32, #tpu.memory_space<vmem>> -> memref<1x1x128xi32, #tpu.memory_space<vmem>>
    %dma_start3A_128 = tpu.memref_squeeze %dma_start3A_127 : memref<1x1x128xi32, #tpu.memory_space<vmem>> -> memref<128xi32, #tpu.memory_space<vmem>>
    %dma_start3A_129 = arith.constant 0 : i32
    %dma_start3A_130 = arith.constant 0 : i32
    %dma_start3A_131 = tpu.memref_slice %arg2[%dma_start3A_129, %dma_start3A_130] : memref<1000000x64xf32, #tpu.memory_space<hbm>> -> memref<1000000x64xf32, #tpu.memory_space<hbm>>
    tpu.enqueue_indirect_dma source(%dma_start3A_131 : memref<1000000x64xf32, #tpu.memory_space<hbm>>) target(%dma_start3A_125 : memref<128x64xf32, #tpu.memory_space<vmem>>) offsets(%dma_start3A_128 : memref<128xi32, #tpu.memory_space<vmem>>) semaphore(%arg10 : memref<!tpu.dma_semaphore, #tpu.memory_space<semaphore_mem>>)
    %dma_start3A_132 = arith.constant 2 : i32
    %dma_start3A_133 = arith.constant 2 : i32
    %dma_start3A_134 = arith.constant 2 : i32
    %dma_start3A_135 = arith.constant 256 : i32
    %dma_start3A_136 = arith.constant 0 : i32
    %dma_start3A_137 = tpu.memref_slice %arg7[%dma_start3A_134, %dma_start3A_135, %dma_start3A_136] : memref<3x512x64xf32, #tpu.memory_space<vmem>> -> memref<1x128x64xf32, #tpu.memory_space<vmem>>
    %dma_start3A_138 = tpu.memref_squeeze %dma_start3A_137 : memref<1x128x64xf32, #tpu.memory_space<vmem>> -> memref<128x64xf32, #tpu.memory_space<vmem>>
    %dma_start3A_139 = arith.constant 0 : i32
    %dma_start3A_140 = tpu.memref_slice %arg6[%dma_start3A_132, %dma_start3A_133, %dma_start3A_139] : memref<32x4x128xi32, #tpu.memory_space<vmem>> -> memref<1x1x128xi32, #tpu.memory_space<vmem>>
    %dma_start3A_141 = tpu.memref_squeeze %dma_start3A_140 : memref<1x1x128xi32, #tpu.memory_space<vmem>> -> memref<128xi32, #tpu.memory_space<vmem>>
    %dma_start3A_142 = arith.constant 0 : i32
    %dma_start3A_143 = arith.constant 0 : i32
    %dma_start3A_144 = tpu.memref_slice %arg2[%dma_start3A_142, %dma_start3A_143] : memref<1000000x64xf32, #tpu.memory_space<hbm>> -> memref<1000000x64xf32, #tpu.memory_space<hbm>>
    tpu.enqueue_indirect_dma source(%dma_start3A_144 : memref<1000000x64xf32, #tpu.memory_space<hbm>>) target(%dma_start3A_138 : memref<128x64xf32, #tpu.memory_space<vmem>>) offsets(%dma_start3A_141 : memref<128xi32, #tpu.memory_space<vmem>>) semaphore(%arg10 : memref<!tpu.dma_semaphore, #tpu.memory_space<semaphore_mem>>)
    %dma_start3A_145 = arith.constant 2 : i32
    %dma_start3A_146 = arith.constant 3 : i32
    %dma_start3A_147 = arith.constant 2 : i32
    %dma_start3A_148 = arith.constant 384 : i32
    %dma_start3A_149 = arith.constant 0 : i32
    %dma_start3A_150 = tpu.memref_slice %arg7[%dma_start3A_147, %dma_start3A_148, %dma_start3A_149] : memref<3x512x64xf32, #tpu.memory_space<vmem>> -> memref<1x128x64xf32, #tpu.memory_space<vmem>>
    %dma_start3A_151 = tpu.memref_squeeze %dma_start3A_150 : memref<1x128x64xf32, #tpu.memory_space<vmem>> -> memref<128x64xf32, #tpu.memory_space<vmem>>
    %dma_start3A_152 = arith.constant 0 : i32
    %dma_start3A_153 = tpu.memref_slice %arg6[%dma_start3A_145, %dma_start3A_146, %dma_start3A_152] : memref<32x4x128xi32, #tpu.memory_space<vmem>> -> memref<1x1x128xi32, #tpu.memory_space<vmem>>
    %dma_start3A_154 = tpu.memref_squeeze %dma_start3A_153 : memref<1x1x128xi32, #tpu.memory_space<vmem>> -> memref<128xi32, #tpu.memory_space<vmem>>
    %dma_start3A_155 = arith.constant 0 : i32
    %dma_start3A_156 = arith.constant 0 : i32
    %dma_start3A_157 = tpu.memref_slice %arg2[%dma_start3A_155, %dma_start3A_156] : memref<1000000x64xf32, #tpu.memory_space<hbm>> -> memref<1000000x64xf32, #tpu.memory_space<hbm>>
    tpu.enqueue_indirect_dma source(%dma_start3A_157 : memref<1000000x64xf32, #tpu.memory_space<hbm>>) target(%dma_start3A_151 : memref<128x64xf32, #tpu.memory_space<vmem>>) offsets(%dma_start3A_154 : memref<128xi32, #tpu.memory_space<vmem>>) semaphore(%arg10 : memref<!tpu.dma_semaphore, #tpu.memory_space<semaphore_mem>>)
    %scan3A = arith.constant 0 : i32
    %scan3A_158 = arith.constant 0 : i32
    %scan3A_159 = arith.constant 32 : i32
    %scan3A_160 = arith.addi %scan3A_158, %scan3A_159 : i32
    %scan3A_161 = arith.constant 1 : i32
    scf.for %scan3A_195 = %scan3A_158 to %scan3A_160 step %scan3A_161  : i32 {
      %rem3A_196 = arith.constant 3 : i32
      %rem3A_197 = arith.remsi %scan3A_195, %rem3A_196 : i32
      %rem3A_198 = arith.constant 2 : i32
      %rem3A_199 = arith.remsi %scan3A_195, %rem3A_198 : i32
      %add3A_200 = arith.addi %mul3A_2, %scan3A_195 : i32
      %dma_wait3A_201 = arith.constant 0 : i32
      %dma_wait3A_202 = arith.constant 0 : i32
      %dma_wait3A_203 = arith.constant 0 : i32
      %dma_wait3A_204 = tpu.memref_slice %arg7[%rem3A_197, %dma_wait3A_202, %dma_wait3A_203] : memref<3x512x64xf32, #tpu.memory_space<vmem>> -> memref<1x128x64xf32, #tpu.memory_space<vmem>>
      %dma_wait3A_205 = tpu.memref_squeeze %dma_wait3A_204 : memref<1x128x64xf32, #tpu.memory_space<vmem>> -> memref<128x64xf32, #tpu.memory_space<vmem>>
      %dma_wait3A_206 = arith.constant 0 : i32
      %dma_wait3A_207 = tpu.memref_slice %arg6[%scan3A_195, %dma_wait3A_201, %dma_wait3A_206] : memref<32x4x128xi32, #tpu.memory_space<vmem>> -> memref<1x1x128xi32, #tpu.memory_space<vmem>>
      %dma_wait3A_208 = tpu.memref_squeeze %dma_wait3A_207 : memref<1x1x128xi32, #tpu.memory_space<vmem>> -> memref<128xi32, #tpu.memory_space<vmem>>
      %dma_wait3A_209 = arith.constant 0 : i32
      %dma_wait3A_210 = arith.constant 0 : i32
      %dma_wait3A_211 = tpu.memref_slice %arg2[%dma_wait3A_209, %dma_wait3A_210] : memref<1000000x64xf32, #tpu.memory_space<hbm>> -> memref<1000000x64xf32, #tpu.memory_space<hbm>>
      tpu.wait_indirect_dma semaphore(%arg10 : memref<!tpu.dma_semaphore, #tpu.memory_space<semaphore_mem>>) src(%dma_wait3A_211 : memref<1000000x64xf32, #tpu.memory_space<hbm>>) dst(%dma_wait3A_205 : memref<128x64xf32, #tpu.memory_space<vmem>>)
      %dma_wait3A_212 = arith.constant 1 : i32
      %dma_wait3A_213 = arith.constant 128 : i32
      %dma_wait3A_214 = arith.constant 0 : i32
      %dma_wait3A_215 = tpu.memref_slice %arg7[%rem3A_197, %dma_wait3A_213, %dma_wait3A_214] : memref<3x512x64xf32, #tpu.memory_space<vmem>> -> memref<1x128x64xf32, #tpu.memory_space<vmem>>
      %dma_wait3A_216 = tpu.memref_squeeze %dma_wait3A_215 : memref<1x128x64xf32, #tpu.memory_space<vmem>> -> memref<128x64xf32, #tpu.memory_space<vmem>>
      %dma_wait3A_217 = arith.constant 0 : i32
      %dma_wait3A_218 = tpu.memref_slice %arg6[%scan3A_195, %dma_wait3A_212, %dma_wait3A_217] : memref<32x4x128xi32, #tpu.memory_space<vmem>> -> memref<1x1x128xi32, #tpu.memory_space<vmem>>
      %dma_wait3A_219 = tpu.memref_squeeze %dma_wait3A_218 : memref<1x1x128xi32, #tpu.memory_space<vmem>> -> memref<128xi32, #tpu.memory_space<vmem>>
      %dma_wait3A_220 = arith.constant 0 : i32
      %dma_wait3A_221 = arith.constant 0 : i32
      %dma_wait3A_222 = tpu.memref_slice %arg2[%dma_wait3A_220, %dma_wait3A_221] : memref<1000000x64xf32, #tpu.memory_space<hbm>> -> memref<1000000x64xf32, #tpu.memory_space<hbm>>
      tpu.wait_indirect_dma semaphore(%arg10 : memref<!tpu.dma_semaphore, #tpu.memory_space<semaphore_mem>>) src(%dma_wait3A_222 : memref<1000000x64xf32, #tpu.memory_space<hbm>>) dst(%dma_wait3A_216 : memref<128x64xf32, #tpu.memory_space<vmem>>)
      %dma_wait3A_223 = arith.constant 2 : i32
      %dma_wait3A_224 = arith.constant 256 : i32
      %dma_wait3A_225 = arith.constant 0 : i32
      %dma_wait3A_226 = tpu.memref_slice %arg7[%rem3A_197, %dma_wait3A_224, %dma_wait3A_225] : memref<3x512x64xf32, #tpu.memory_space<vmem>> -> memref<1x128x64xf32, #tpu.memory_space<vmem>>
      %dma_wait3A_227 = tpu.memref_squeeze %dma_wait3A_226 : memref<1x128x64xf32, #tpu.memory_space<vmem>> -> memref<128x64xf32, #tpu.memory_space<vmem>>
      %dma_wait3A_228 = arith.constant 0 : i32
      %dma_wait3A_229 = tpu.memref_slice %arg6[%scan3A_195, %dma_wait3A_223, %dma_wait3A_228] : memref<32x4x128xi32, #tpu.memory_space<vmem>> -> memref<1x1x128xi32, #tpu.memory_space<vmem>>
      %dma_wait3A_230 = tpu.memref_squeeze %dma_wait3A_229 : memref<1x1x128xi32, #tpu.memory_space<vmem>> -> memref<128xi32, #tpu.memory_space<vmem>>
      %dma_wait3A_231 = arith.constant 0 : i32
      %dma_wait3A_232 = arith.constant 0 : i32
      %dma_wait3A_233 = tpu.memref_slice %arg2[%dma_wait3A_231, %dma_wait3A_232] : memref<1000000x64xf32, #tpu.memory_space<hbm>> -> memref<1000000x64xf32, #tpu.memory_space<hbm>>
      tpu.wait_indirect_dma semaphore(%arg10 : memref<!tpu.dma_semaphore, #tpu.memory_space<semaphore_mem>>) src(%dma_wait3A_233 : memref<1000000x64xf32, #tpu.memory_space<hbm>>) dst(%dma_wait3A_227 : memref<128x64xf32, #tpu.memory_space<vmem>>)
      %dma_wait3A_234 = arith.constant 3 : i32
      %dma_wait3A_235 = arith.constant 384 : i32
      %dma_wait3A_236 = arith.constant 0 : i32
      %dma_wait3A_237 = tpu.memref_slice %arg7[%rem3A_197, %dma_wait3A_235, %dma_wait3A_236] : memref<3x512x64xf32, #tpu.memory_space<vmem>> -> memref<1x128x64xf32, #tpu.memory_space<vmem>>
      %dma_wait3A_238 = tpu.memref_squeeze %dma_wait3A_237 : memref<1x128x64xf32, #tpu.memory_space<vmem>> -> memref<128x64xf32, #tpu.memory_space<vmem>>
      %dma_wait3A_239 = arith.constant 0 : i32
      %dma_wait3A_240 = tpu.memref_slice %arg6[%scan3A_195, %dma_wait3A_234, %dma_wait3A_239] : memref<32x4x128xi32, #tpu.memory_space<vmem>> -> memref<1x1x128xi32, #tpu.memory_space<vmem>>
      %dma_wait3A_241 = tpu.memref_squeeze %dma_wait3A_240 : memref<1x1x128xi32, #tpu.memory_space<vmem>> -> memref<128xi32, #tpu.memory_space<vmem>>
      %dma_wait3A_242 = arith.constant 0 : i32
      %dma_wait3A_243 = arith.constant 0 : i32
      %dma_wait3A_244 = tpu.memref_slice %arg2[%dma_wait3A_242, %dma_wait3A_243] : memref<1000000x64xf32, #tpu.memory_space<hbm>> -> memref<1000000x64xf32, #tpu.memory_space<hbm>>
      tpu.wait_indirect_dma semaphore(%arg10 : memref<!tpu.dma_semaphore, #tpu.memory_space<semaphore_mem>>) src(%dma_wait3A_244 : memref<1000000x64xf32, #tpu.memory_space<hbm>>) dst(%dma_wait3A_238 : memref<128x64xf32, #tpu.memory_space<vmem>>)
      %ge3A = arith.constant 2 : i32
      %ge3A_245 = arith.cmpi sge, %scan3A_195, %ge3A : i32
      %convert_element_type3A = arith.extui %ge3A_245 : i1 to i32
      %cond3A = arith.constant 0 : i32
      %cond3A_246 = arith.cmpi ne, %convert_element_type3A, %cond3A : i32
      scf.if %cond3A_246 {
        %dma_wait3A_285 = arith.constant 0 : i32
        %dma_wait3A_286 = tpu.memref_slice %arg8[%rem3A_199, %dma_wait3A_285] : memref<2x512xf32, #tpu.memory_space<vmem>> -> memref<1x512xf32, #tpu.memory_space<vmem>>
        %dma_wait3A_287 = tpu.memref_squeeze %dma_wait3A_286 : memref<1x512xf32, #tpu.memory_space<vmem>> -> memref<512xf32, #tpu.memory_space<vmem>>
        %dma_wait3A_288 = arith.constant 0 : i32
        %dma_wait3A_289 = tpu.memref_slice %arg5[%add3A_200, %dma_wait3A_288] : memref<1024x512xf32, #tpu.memory_space<hbm>> -> memref<1x512xf32, #tpu.memory_space<hbm>>
        %dma_wait3A_290 = tpu.memref_squeeze %dma_wait3A_289 : memref<1x512xf32, #tpu.memory_space<hbm>> -> memref<512xf32, #tpu.memory_space<hbm>>
        %dma_wait3A_291 = arith.constant 0 : i32
        %dma_wait3A_292 = tpu.memref_slice %arg5[%add3A_200, %dma_wait3A_291] : memref<1024x512xf32, #tpu.memory_space<hbm>> -> memref<1x512xf32, #tpu.memory_space<hbm>>
        %dma_wait3A_293 = tpu.memref_squeeze %dma_wait3A_292 : memref<1x512xf32, #tpu.memory_space<hbm>> -> memref<512xf32, #tpu.memory_space<hbm>>
        %dma_wait3A_294 = arith.constant 0 : i32
        %dma_wait3A_295 = tpu.memref_slice %arg8[%rem3A_199, %dma_wait3A_294] : memref<2x512xf32, #tpu.memory_space<vmem>> -> memref<1x512xf32, #tpu.memory_space<vmem>>
        %dma_wait3A_296 = tpu.memref_squeeze %dma_wait3A_295 : memref<1x512xf32, #tpu.memory_space<vmem>> -> memref<512xf32, #tpu.memory_space<vmem>>
        tpu.wait_dma2 semaphore(%arg11 : memref<!tpu.dma_semaphore, #tpu.memory_space<semaphore_mem>>) src(%dma_wait3A_296 : memref<512xf32, #tpu.memory_space<vmem>>) dst(%dma_wait3A_293 : memref<512xf32, #tpu.memory_space<hbm>>)
      } else {
      }
      %get3A = arith.index_cast %scan3A_195 : i32 to index
      %get3A_247 = arith.constant 0 : index
      %get3A_248 = tpu.vector_load %arg9[%get3A, %get3A_247] {strides = array<i32>} : memref<32x64xf32, #tpu.memory_space<vmem>>, vector<16xf32>,
      %get3A_249 = arith.index_cast %scan3A_195 : i32 to index
      %get3A_250 = arith.constant 16 : index
      %get3A_251 = tpu.vector_load %arg9[%get3A_249, %get3A_250] {strides = array<i32>} : memref<32x64xf32, #tpu.memory_space<vmem>>, vector<16xf32>,
      %get3A_252 = arith.index_cast %scan3A_195 : i32 to index
      %get3A_253 = arith.constant 32 : index
      %get3A_254 = tpu.vector_load %arg9[%get3A_252, %get3A_253] {strides = array<i32>} : memref<32x64xf32, #tpu.memory_space<vmem>>, vector<16xf32>,
      %get3A_255 = arith.index_cast %scan3A_195 : i32 to index
      %get3A_256 = arith.constant 48 : index
      %get3A_257 = tpu.vector_load %arg9[%get3A_255, %get3A_256] {strides = array<i32>} : memref<32x64xf32, #tpu.memory_space<vmem>>, vector<16xf32>,
      %broadcast_in_dim3A = arith.constant 0 : i32
      %broadcast_in_dim3A_258 = vector.broadcast %broadcast_in_dim3A : i32 to vector<16xi32>
      %add3A_259 = vector.broadcast %rem3A_197 : i32 to vector<16xi32>
      %add3A_260 = arith.addi %broadcast_in_dim3A_258, %add3A_259 : vector<16xi32>
      %scan3A_261 = arith.constant 0 : i32
      %scan3A_262 = arith.constant 0 : i32
      %scan3A_263 = arith.constant 32 : i32
      %scan3A_264 = arith.addi %scan3A_262, %scan3A_263 : i32
      %scan3A_265 = arith.constant 1 : i32
      scf.for %scan3A_285 = %scan3A_262 to %scan3A_264 step %scan3A_265  : i32 {
        %mul3A_286 = arith.constant 16 : i32
        %mul3A_287 = arith.muli %scan3A_285, %mul3A_286 : i32
        %iota3A = tpu.iota {dimensions = array<i32: 0>} : vector<16xi32>
        %add3A_288 = vector.broadcast %mul3A_287 : i32 to vector<16xi32>
        %add3A_289 = arith.addi %add3A_288, %iota3A : vector<16xi32>
        %broadcast_in_dim3A_290 = arith.constant 0.000000e+00 : f32
        %broadcast_in_dim3A_291 = vector.broadcast %broadcast_in_dim3A_290 : f32 to vector<16xf32>
        %broadcast_in_dim3A_292 = arith.constant 0 : i32
        %broadcast_in_dim3A_293 = vector.broadcast %broadcast_in_dim3A_292 : i32 to vector<16xi32>
        %gather3A = tpu.vector_load_idx %arg7[%add3A_260, %add3A_289, %broadcast_in_dim3A_293] : memref<3x512x64xf32, #tpu.memory_space<vmem>>[vector<16xi32>, vector<16xi32>, vector<16xi32>], vector<16xf32>,
        %slice3A = vector.extract_strided_slice %get3A_248 {offsets = [0], sizes = [1], strides = [1]} : vector<16xf32> to vector<1xf32>
        %squeeze3A = vector.extract %slice3A[0] : f32 from vector<1xf32>
        %mul3A_294 = vector.broadcast %squeeze3A : f32 to vector<16xf32>
        %mul3A_295 = arith.mulf %gather3A, %mul3A_294 : vector<16xf32>
        %add3A_296 = arith.addf %broadcast_in_dim3A_291, %mul3A_295 : vector<16xf32>
        %broadcast_in_dim3A_297 = arith.constant 1 : i32
        %broadcast_in_dim3A_298 = vector.broadcast %broadcast_in_dim3A_297 : i32 to vector<16xi32>
        %gather3A_299 = tpu.vector_load_idx %arg7[%add3A_260, %add3A_289, %broadcast_in_dim3A_298] : memref<3x512x64xf32, #tpu.memory_space<vmem>>[vector<16xi32>, vector<16xi32>, vector<16xi32>], vector<16xf32>,
        %slice3A_300 = vector.extract_strided_slice %get3A_248 {offsets = [1], sizes = [1], strides = [1]} : vector<16xf32> to vector<1xf32>
        %squeeze3A_301 = vector.extract %slice3A_300[0] : f32 from vector<1xf32>
        %mul3A_302 = vector.broadcast %squeeze3A_301 : f32 to vector<16xf32>
        %mul3A_303 = arith.mulf %gather3A_299, %mul3A_302 : vector<16xf32>
        %add3A_304 = arith.addf %add3A_296, %mul3A_303 : vector<16xf32>
        %broadcast_in_dim3A_305 = arith.constant 2 : i32
        %broadcast_in_dim3A_306 = vector.broadcast %broadcast_in_dim3A_305 : i32 to vector<16xi32>
        %gather3A_307 = tpu.vector_load_idx %arg7[%add3A_260, %add3A_289, %broadcast_in_dim3A_306] : memref<3x512x64xf32, #tpu.memory_space<vmem>>[vector<16xi32>, vector<16xi32>, vector<16xi32>], vector<16xf32>,
        %slice3A_308 = vector.extract_strided_slice %get3A_248 {offsets = [2], sizes = [1], strides = [1]} : vector<16xf32> to vector<1xf32>
        %squeeze3A_309 = vector.extract %slice3A_308[0] : f32 from vector<1xf32>
        %mul3A_310 = vector.broadcast %squeeze3A_309 : f32 to vector<16xf32>
        %mul3A_311 = arith.mulf %gather3A_307, %mul3A_310 : vector<16xf32>
        %add3A_312 = arith.addf %add3A_304, %mul3A_311 : vector<16xf32>
        %broadcast_in_dim3A_313 = arith.constant 3 : i32
        %broadcast_in_dim3A_314 = vector.broadcast %broadcast_in_dim3A_313 : i32 to vector<16xi32>
        %gather3A_315 = tpu.vector_load_idx %arg7[%add3A_260, %add3A_289, %broadcast_in_dim3A_314] : memref<3x512x64xf32, #tpu.memory_space<vmem>>[vector<16xi32>, vector<16xi32>, vector<16xi32>], vector<16xf32>,
        %slice3A_316 = vector.extract_strided_slice %get3A_248 {offsets = [3], sizes = [1], strides = [1]} : vector<16xf32> to vector<1xf32>
        %squeeze3A_317 = vector.extract %slice3A_316[0] : f32 from vector<1xf32>
        %mul3A_318 = vector.broadcast %squeeze3A_317 : f32 to vector<16xf32>
        %mul3A_319 = arith.mulf %gather3A_315, %mul3A_318 : vector<16xf32>
        %add3A_320 = arith.addf %add3A_312, %mul3A_319 : vector<16xf32>
        %broadcast_in_dim3A_321 = arith.constant 4 : i32
        %broadcast_in_dim3A_322 = vector.broadcast %broadcast_in_dim3A_321 : i32 to vector<16xi32>
        %gather3A_323 = tpu.vector_load_idx %arg7[%add3A_260, %add3A_289, %broadcast_in_dim3A_322] : memref<3x512x64xf32, #tpu.memory_space<vmem>>[vector<16xi32>, vector<16xi32>, vector<16xi32>], vector<16xf32>,
        %slice3A_324 = vector.extract_strided_slice %get3A_248 {offsets = [4], sizes = [1], strides = [1]} : vector<16xf32> to vector<1xf32>
        %squeeze3A_325 = vector.extract %slice3A_324[0] : f32 from vector<1xf32>
        %mul3A_326 = vector.broadcast %squeeze3A_325 : f32 to vector<16xf32>
        %mul3A_327 = arith.mulf %gather3A_323, %mul3A_326 : vector<16xf32>
        %add3A_328 = arith.addf %add3A_320, %mul3A_327 : vector<16xf32>
        %broadcast_in_dim3A_329 = arith.constant 5 : i32
        %broadcast_in_dim3A_330 = vector.broadcast %broadcast_in_dim3A_329 : i32 to vector<16xi32>
        %gather3A_331 = tpu.vector_load_idx %arg7[%add3A_260, %add3A_289, %broadcast_in_dim3A_330] : memref<3x512x64xf32, #tpu.memory_space<vmem>>[vector<16xi32>, vector<16xi32>, vector<16xi32>], vector<16xf32>,
        %slice3A_332 = vector.extract_strided_slice %get3A_248 {offsets = [5], sizes = [1], strides = [1]} : vector<16xf32> to vector<1xf32>
        %squeeze3A_333 = vector.extract %slice3A_332[0] : f32 from vector<1xf32>
        %mul3A_334 = vector.broadcast %squeeze3A_333 : f32 to vector<16xf32>
        %mul3A_335 = arith.mulf %gather3A_331, %mul3A_334 : vector<16xf32>
        %add3A_336 = arith.addf %add3A_328, %mul3A_335 : vector<16xf32>
        %broadcast_in_dim3A_337 = arith.constant 6 : i32
        %broadcast_in_dim3A_338 = vector.broadcast %broadcast_in_dim3A_337 : i32 to vector<16xi32>
        %gather3A_339 = tpu.vector_load_idx %arg7[%add3A_260, %add3A_289, %broadcast_in_dim3A_338] : memref<3x512x64xf32, #tpu.memory_space<vmem>>[vector<16xi32>, vector<16xi32>, vector<16xi32>], vector<16xf32>,
        %slice3A_340 = vector.extract_strided_slice %get3A_248 {offsets = [6], sizes = [1], strides = [1]} : vector<16xf32> to vector<1xf32>
        %squeeze3A_341 = vector.extract %slice3A_340[0] : f32 from vector<1xf32>
        %mul3A_342 = vector.broadcast %squeeze3A_341 : f32 to vector<16xf32>
        %mul3A_343 = arith.mulf %gather3A_339, %mul3A_342 : vector<16xf32>
        %add3A_344 = arith.addf %add3A_336, %mul3A_343 : vector<16xf32>
        %broadcast_in_dim3A_345 = arith.constant 7 : i32
        %broadcast_in_dim3A_346 = vector.broadcast %broadcast_in_dim3A_345 : i32 to vector<16xi32>
        %gather3A_347 = tpu.vector_load_idx %arg7[%add3A_260, %add3A_289, %broadcast_in_dim3A_346] : memref<3x512x64xf32, #tpu.memory_space<vmem>>[vector<16xi32>, vector<16xi32>, vector<16xi32>], vector<16xf32>,
        %slice3A_348 = vector.extract_strided_slice %get3A_248 {offsets = [7], sizes = [1], strides = [1]} : vector<16xf32> to vector<1xf32>
        %squeeze3A_349 = vector.extract %slice3A_348[0] : f32 from vector<1xf32>
        %mul3A_350 = vector.broadcast %squeeze3A_349 : f32 to vector<16xf32>
        %mul3A_351 = arith.mulf %gather3A_347, %mul3A_350 : vector<16xf32>
        %add3A_352 = arith.addf %add3A_344, %mul3A_351 : vector<16xf32>
        %broadcast_in_dim3A_353 = arith.constant 8 : i32
        %broadcast_in_dim3A_354 = vector.broadcast %broadcast_in_dim3A_353 : i32 to vector<16xi32>
        %gather3A_355 = tpu.vector_load_idx %arg7[%add3A_260, %add3A_289, %broadcast_in_dim3A_354] : memref<3x512x64xf32, #tpu.memory_space<vmem>>[vector<16xi32>, vector<16xi32>, vector<16xi32>], vector<16xf32>,
        %slice3A_356 = vector.extract_strided_slice %get3A_248 {offsets = [8], sizes = [1], strides = [1]} : vector<16xf32> to vector<1xf32>
        %squeeze3A_357 = vector.extract %slice3A_356[0] : f32 from vector<1xf32>
        %mul3A_358 = vector.broadcast %squeeze3A_357 : f32 to vector<16xf32>
        %mul3A_359 = arith.mulf %gather3A_355, %mul3A_358 : vector<16xf32>
        %add3A_360 = arith.addf %add3A_352, %mul3A_359 : vector<16xf32>
        %broadcast_in_dim3A_361 = arith.constant 9 : i32
        %broadcast_in_dim3A_362 = vector.broadcast %broadcast_in_dim3A_361 : i32 to vector<16xi32>
        %gather3A_363 = tpu.vector_load_idx %arg7[%add3A_260, %add3A_289, %broadcast_in_dim3A_362] : memref<3x512x64xf32, #tpu.memory_space<vmem>>[vector<16xi32>, vector<16xi32>, vector<16xi32>], vector<16xf32>,
        %slice3A_364 = vector.extract_strided_slice %get3A_248 {offsets = [9], sizes = [1], strides = [1]} : vector<16xf32> to vector<1xf32>
        %squeeze3A_365 = vector.extract %slice3A_364[0] : f32 from vector<1xf32>
        %mul3A_366 = vector.broadcast %squeeze3A_365 : f32 to vector<16xf32>
        %mul3A_367 = arith.mulf %gather3A_363, %mul3A_366 : vector<16xf32>
        %add3A_368 = arith.addf %add3A_360, %mul3A_367 : vector<16xf32>
        %broadcast_in_dim3A_369 = arith.constant 10 : i32
        %broadcast_in_dim3A_370 = vector.broadcast %broadcast_in_dim3A_369 : i32 to vector<16xi32>
        %gather3A_371 = tpu.vector_load_idx %arg7[%add3A_260, %add3A_289, %broadcast_in_dim3A_370] : memref<3x512x64xf32, #tpu.memory_space<vmem>>[vector<16xi32>, vector<16xi32>, vector<16xi32>], vector<16xf32>,
        %slice3A_372 = vector.extract_strided_slice %get3A_248 {offsets = [10], sizes = [1], strides = [1]} : vector<16xf32> to vector<1xf32>
        %squeeze3A_373 = vector.extract %slice3A_372[0] : f32 from vector<1xf32>
        %mul3A_374 = vector.broadcast %squeeze3A_373 : f32 to vector<16xf32>
        %mul3A_375 = arith.mulf %gather3A_371, %mul3A_374 : vector<16xf32>
        %add3A_376 = arith.addf %add3A_368, %mul3A_375 : vector<16xf32>
        %broadcast_in_dim3A_377 = arith.constant 11 : i32
        %broadcast_in_dim3A_378 = vector.broadcast %broadcast_in_dim3A_377 : i32 to vector<16xi32>
        %gather3A_379 = tpu.vector_load_idx %arg7[%add3A_260, %add3A_289, %broadcast_in_dim3A_378] : memref<3x512x64xf32, #tpu.memory_space<vmem>>[vector<16xi32>, vector<16xi32>, vector<16xi32>], vector<16xf32>,
        %slice3A_380 = vector.extract_strided_slice %get3A_248 {offsets = [11], sizes = [1], strides = [1]} : vector<16xf32> to vector<1xf32>
        %squeeze3A_381 = vector.extract %slice3A_380[0] : f32 from vector<1xf32>
        %mul3A_382 = vector.broadcast %squeeze3A_381 : f32 to vector<16xf32>
        %mul3A_383 = arith.mulf %gather3A_379, %mul3A_382 : vector<16xf32>
        %add3A_384 = arith.addf %add3A_376, %mul3A_383 : vector<16xf32>
        %broadcast_in_dim3A_385 = arith.constant 12 : i32
        %broadcast_in_dim3A_386 = vector.broadcast %broadcast_in_dim3A_385 : i32 to vector<16xi32>
        %gather3A_387 = tpu.vector_load_idx %arg7[%add3A_260, %add3A_289, %broadcast_in_dim3A_386] : memref<3x512x64xf32, #tpu.memory_space<vmem>>[vector<16xi32>, vector<16xi32>, vector<16xi32>], vector<16xf32>,
        %slice3A_388 = vector.extract_strided_slice %get3A_248 {offsets = [12], sizes = [1], strides = [1]} : vector<16xf32> to vector<1xf32>
        %squeeze3A_389 = vector.extract %slice3A_388[0] : f32 from vector<1xf32>
        %mul3A_390 = vector.broadcast %squeeze3A_389 : f32 to vector<16xf32>
        %mul3A_391 = arith.mulf %gather3A_387, %mul3A_390 : vector<16xf32>
        %add3A_392 = arith.addf %add3A_384, %mul3A_391 : vector<16xf32>
        %broadcast_in_dim3A_393 = arith.constant 13 : i32
        %broadcast_in_dim3A_394 = vector.broadcast %broadcast_in_dim3A_393 : i32 to vector<16xi32>
        %gather3A_395 = tpu.vector_load_idx %arg7[%add3A_260, %add3A_289, %broadcast_in_dim3A_394] : memref<3x512x64xf32, #tpu.memory_space<vmem>>[vector<16xi32>, vector<16xi32>, vector<16xi32>], vector<16xf32>,
        %slice3A_396 = vector.extract_strided_slice %get3A_248 {offsets = [13], sizes = [1], strides = [1]} : vector<16xf32> to vector<1xf32>
        %squeeze3A_397 = vector.extract %slice3A_396[0] : f32 from vector<1xf32>
        %mul3A_398 = vector.broadcast %squeeze3A_397 : f32 to vector<16xf32>
        %mul3A_399 = arith.mulf %gather3A_395, %mul3A_398 : vector<16xf32>
        %add3A_400 = arith.addf %add3A_392, %mul3A_399 : vector<16xf32>
        %broadcast_in_dim3A_401 = arith.constant 14 : i32
        %broadcast_in_dim3A_402 = vector.broadcast %broadcast_in_dim3A_401 : i32 to vector<16xi32>
        %gather3A_403 = tpu.vector_load_idx %arg7[%add3A_260, %add3A_289, %broadcast_in_dim3A_402] : memref<3x512x64xf32, #tpu.memory_space<vmem>>[vector<16xi32>, vector<16xi32>, vector<16xi32>], vector<16xf32>,
        %slice3A_404 = vector.extract_strided_slice %get3A_248 {offsets = [14], sizes = [1], strides = [1]} : vector<16xf32> to vector<1xf32>
        %squeeze3A_405 = vector.extract %slice3A_404[0] : f32 from vector<1xf32>
        %mul3A_406 = vector.broadcast %squeeze3A_405 : f32 to vector<16xf32>
        %mul3A_407 = arith.mulf %gather3A_403, %mul3A_406 : vector<16xf32>
        %add3A_408 = arith.addf %add3A_400, %mul3A_407 : vector<16xf32>
        %broadcast_in_dim3A_409 = arith.constant 15 : i32
        %broadcast_in_dim3A_410 = vector.broadcast %broadcast_in_dim3A_409 : i32 to vector<16xi32>
        %gather3A_411 = tpu.vector_load_idx %arg7[%add3A_260, %add3A_289, %broadcast_in_dim3A_410] : memref<3x512x64xf32, #tpu.memory_space<vmem>>[vector<16xi32>, vector<16xi32>, vector<16xi32>], vector<16xf32>,
        %slice3A_412 = vector.extract_strided_slice %get3A_248 {offsets = [15], sizes = [1], strides = [1]} : vector<16xf32> to vector<1xf32>
        %squeeze3A_413 = vector.extract %slice3A_412[0] : f32 from vector<1xf32>
        %mul3A_414 = vector.broadcast %squeeze3A_413 : f32 to vector<16xf32>
        %mul3A_415 = arith.mulf %gather3A_411, %mul3A_414 : vector<16xf32>
        %add3A_416 = arith.addf %add3A_408, %mul3A_415 : vector<16xf32>
        %broadcast_in_dim3A_417 = arith.constant 16 : i32
        %broadcast_in_dim3A_418 = vector.broadcast %broadcast_in_dim3A_417 : i32 to vector<16xi32>
        %gather3A_419 = tpu.vector_load_idx %arg7[%add3A_260, %add3A_289, %broadcast_in_dim3A_418] : memref<3x512x64xf32, #tpu.memory_space<vmem>>[vector<16xi32>, vector<16xi32>, vector<16xi32>], vector<16xf32>,
        %slice3A_420 = vector.extract_strided_slice %get3A_251 {offsets = [0], sizes = [1], strides = [1]} : vector<16xf32> to vector<1xf32>
        %squeeze3A_421 = vector.extract %slice3A_420[0] : f32 from vector<1xf32>
        %mul3A_422 = vector.broadcast %squeeze3A_421 : f32 to vector<16xf32>
        %mul3A_423 = arith.mulf %gather3A_419, %mul3A_422 : vector<16xf32>
        %add3A_424 = arith.addf %add3A_416, %mul3A_423 : vector<16xf32>
        %broadcast_in_dim3A_425 = arith.constant 17 : i32
        %broadcast_in_dim3A_426 = vector.broadcast %broadcast_in_dim3A_425 : i32 to vector<16xi32>
        %gather3A_427 = tpu.vector_load_idx %arg7[%add3A_260, %add3A_289, %broadcast_in_dim3A_426] : memref<3x512x64xf32, #tpu.memory_space<vmem>>[vector<16xi32>, vector<16xi32>, vector<16xi32>], vector<16xf32>,
        %slice3A_428 = vector.extract_strided_slice %get3A_251 {offsets = [1], sizes = [1], strides = [1]} : vector<16xf32> to vector<1xf32>
        %squeeze3A_429 = vector.extract %slice3A_428[0] : f32 from vector<1xf32>
        %mul3A_430 = vector.broadcast %squeeze3A_429 : f32 to vector<16xf32>
        %mul3A_431 = arith.mulf %gather3A_427, %mul3A_430 : vector<16xf32>
        %add3A_432 = arith.addf %add3A_424, %mul3A_431 : vector<16xf32>
        %broadcast_in_dim3A_433 = arith.constant 18 : i32
        %broadcast_in_dim3A_434 = vector.broadcast %broadcast_in_dim3A_433 : i32 to vector<16xi32>
        %gather3A_435 = tpu.vector_load_idx %arg7[%add3A_260, %add3A_289, %broadcast_in_dim3A_434] : memref<3x512x64xf32, #tpu.memory_space<vmem>>[vector<16xi32>, vector<16xi32>, vector<16xi32>], vector<16xf32>,
        %slice3A_436 = vector.extract_strided_slice %get3A_251 {offsets = [2], sizes = [1], strides = [1]} : vector<16xf32> to vector<1xf32>
        %squeeze3A_437 = vector.extract %slice3A_436[0] : f32 from vector<1xf32>
        %mul3A_438 = vector.broadcast %squeeze3A_437 : f32 to vector<16xf32>
        %mul3A_439 = arith.mulf %gather3A_435, %mul3A_438 : vector<16xf32>
        %add3A_440 = arith.addf %add3A_432, %mul3A_439 : vector<16xf32>
        %broadcast_in_dim3A_441 = arith.constant 19 : i32
        %broadcast_in_dim3A_442 = vector.broadcast %broadcast_in_dim3A_441 : i32 to vector<16xi32>
        %gather3A_443 = tpu.vector_load_idx %arg7[%add3A_260, %add3A_289, %broadcast_in_dim3A_442] : memref<3x512x64xf32, #tpu.memory_space<vmem>>[vector<16xi32>, vector<16xi32>, vector<16xi32>], vector<16xf32>,
        %slice3A_444 = vector.extract_strided_slice %get3A_251 {offsets = [3], sizes = [1], strides = [1]} : vector<16xf32> to vector<1xf32>
        %squeeze3A_445 = vector.extract %slice3A_444[0] : f32 from vector<1xf32>
        %mul3A_446 = vector.broadcast %squeeze3A_445 : f32 to vector<16xf32>
        %mul3A_447 = arith.mulf %gather3A_443, %mul3A_446 : vector<16xf32>
        %add3A_448 = arith.addf %add3A_440, %mul3A_447 : vector<16xf32>
        %broadcast_in_dim3A_449 = arith.constant 20 : i32
        %broadcast_in_dim3A_450 = vector.broadcast %broadcast_in_dim3A_449 : i32 to vector<16xi32>
        %gather3A_451 = tpu.vector_load_idx %arg7[%add3A_260, %add3A_289, %broadcast_in_dim3A_450] : memref<3x512x64xf32, #tpu.memory_space<vmem>>[vector<16xi32>, vector<16xi32>, vector<16xi32>], vector<16xf32>,
        %slice3A_452 = vector.extract_strided_slice %get3A_251 {offsets = [4], sizes = [1], strides = [1]} : vector<16xf32> to vector<1xf32>
        %squeeze3A_453 = vector.extract %slice3A_452[0] : f32 from vector<1xf32>
        %mul3A_454 = vector.broadcast %squeeze3A_453 : f32 to vector<16xf32>
        %mul3A_455 = arith.mulf %gather3A_451, %mul3A_454 : vector<16xf32>
        %add3A_456 = arith.addf %add3A_448, %mul3A_455 : vector<16xf32>
        %broadcast_in_dim3A_457 = arith.constant 21 : i32
        %broadcast_in_dim3A_458 = vector.broadcast %broadcast_in_dim3A_457 : i32 to vector<16xi32>
        %gather3A_459 = tpu.vector_load_idx %arg7[%add3A_260, %add3A_289, %broadcast_in_dim3A_458] : memref<3x512x64xf32, #tpu.memory_space<vmem>>[vector<16xi32>, vector<16xi32>, vector<16xi32>], vector<16xf32>,
        %slice3A_460 = vector.extract_strided_slice %get3A_251 {offsets = [5], sizes = [1], strides = [1]} : vector<16xf32> to vector<1xf32>
        %squeeze3A_461 = vector.extract %slice3A_460[0] : f32 from vector<1xf32>
        %mul3A_462 = vector.broadcast %squeeze3A_461 : f32 to vector<16xf32>
        %mul3A_463 = arith.mulf %gather3A_459, %mul3A_462 : vector<16xf32>
        %add3A_464 = arith.addf %add3A_456, %mul3A_463 : vector<16xf32>
        %broadcast_in_dim3A_465 = arith.constant 22 : i32
        %broadcast_in_dim3A_466 = vector.broadcast %broadcast_in_dim3A_465 : i32 to vector<16xi32>
        %gather3A_467 = tpu.vector_load_idx %arg7[%add3A_260, %add3A_289, %broadcast_in_dim3A_466] : memref<3x512x64xf32, #tpu.memory_space<vmem>>[vector<16xi32>, vector<16xi32>, vector<16xi32>], vector<16xf32>,
        %slice3A_468 = vector.extract_strided_slice %get3A_251 {offsets = [6], sizes = [1], strides = [1]} : vector<16xf32> to vector<1xf32>
        %squeeze3A_469 = vector.extract %slice3A_468[0] : f32 from vector<1xf32>
        %mul3A_470 = vector.broadcast %squeeze3A_469 : f32 to vector<16xf32>
        %mul3A_471 = arith.mulf %gather3A_467, %mul3A_470 : vector<16xf32>
        %add3A_472 = arith.addf %add3A_464, %mul3A_471 : vector<16xf32>
        %broadcast_in_dim3A_473 = arith.constant 23 : i32
        %broadcast_in_dim3A_474 = vector.broadcast %broadcast_in_dim3A_473 : i32 to vector<16xi32>
        %gather3A_475 = tpu.vector_load_idx %arg7[%add3A_260, %add3A_289, %broadcast_in_dim3A_474] : memref<3x512x64xf32, #tpu.memory_space<vmem>>[vector<16xi32>, vector<16xi32>, vector<16xi32>], vector<16xf32>,
        %slice3A_476 = vector.extract_strided_slice %get3A_251 {offsets = [7], sizes = [1], strides = [1]} : vector<16xf32> to vector<1xf32>
        %squeeze3A_477 = vector.extract %slice3A_476[0] : f32 from vector<1xf32>
        %mul3A_478 = vector.broadcast %squeeze3A_477 : f32 to vector<16xf32>
        %mul3A_479 = arith.mulf %gather3A_475, %mul3A_478 : vector<16xf32>
        %add3A_480 = arith.addf %add3A_472, %mul3A_479 : vector<16xf32>
        %broadcast_in_dim3A_481 = arith.constant 24 : i32
        %broadcast_in_dim3A_482 = vector.broadcast %broadcast_in_dim3A_481 : i32 to vector<16xi32>
        %gather3A_483 = tpu.vector_load_idx %arg7[%add3A_260, %add3A_289, %broadcast_in_dim3A_482] : memref<3x512x64xf32, #tpu.memory_space<vmem>>[vector<16xi32>, vector<16xi32>, vector<16xi32>], vector<16xf32>,
        %slice3A_484 = vector.extract_strided_slice %get3A_251 {offsets = [8], sizes = [1], strides = [1]} : vector<16xf32> to vector<1xf32>
        %squeeze3A_485 = vector.extract %slice3A_484[0] : f32 from vector<1xf32>
        %mul3A_486 = vector.broadcast %squeeze3A_485 : f32 to vector<16xf32>
        %mul3A_487 = arith.mulf %gather3A_483, %mul3A_486 : vector<16xf32>
        %add3A_488 = arith.addf %add3A_480, %mul3A_487 : vector<16xf32>
        %broadcast_in_dim3A_489 = arith.constant 25 : i32
        %broadcast_in_dim3A_490 = vector.broadcast %broadcast_in_dim3A_489 : i32 to vector<16xi32>
        %gather3A_491 = tpu.vector_load_idx %arg7[%add3A_260, %add3A_289, %broadcast_in_dim3A_490] : memref<3x512x64xf32, #tpu.memory_space<vmem>>[vector<16xi32>, vector<16xi32>, vector<16xi32>], vector<16xf32>,
        %slice3A_492 = vector.extract_strided_slice %get3A_251 {offsets = [9], sizes = [1], strides = [1]} : vector<16xf32> to vector<1xf32>
        %squeeze3A_493 = vector.extract %slice3A_492[0] : f32 from vector<1xf32>
        %mul3A_494 = vector.broadcast %squeeze3A_493 : f32 to vector<16xf32>
        %mul3A_495 = arith.mulf %gather3A_491, %mul3A_494 : vector<16xf32>
        %add3A_496 = arith.addf %add3A_488, %mul3A_495 : vector<16xf32>
        %broadcast_in_dim3A_497 = arith.constant 26 : i32
        %broadcast_in_dim3A_498 = vector.broadcast %broadcast_in_dim3A_497 : i32 to vector<16xi32>
        %gather3A_499 = tpu.vector_load_idx %arg7[%add3A_260, %add3A_289, %broadcast_in_dim3A_498] : memref<3x512x64xf32, #tpu.memory_space<vmem>>[vector<16xi32>, vector<16xi32>, vector<16xi32>], vector<16xf32>,
        %slice3A_500 = vector.extract_strided_slice %get3A_251 {offsets = [10], sizes = [1], strides = [1]} : vector<16xf32> to vector<1xf32>
        %squeeze3A_501 = vector.extract %slice3A_500[0] : f32 from vector<1xf32>
        %mul3A_502 = vector.broadcast %squeeze3A_501 : f32 to vector<16xf32>
        %mul3A_503 = arith.mulf %gather3A_499, %mul3A_502 : vector<16xf32>
        %add3A_504 = arith.addf %add3A_496, %mul3A_503 : vector<16xf32>
        %broadcast_in_dim3A_505 = arith.constant 27 : i32
        %broadcast_in_dim3A_506 = vector.broadcast %broadcast_in_dim3A_505 : i32 to vector<16xi32>
        %gather3A_507 = tpu.vector_load_idx %arg7[%add3A_260, %add3A_289, %broadcast_in_dim3A_506] : memref<3x512x64xf32, #tpu.memory_space<vmem>>[vector<16xi32>, vector<16xi32>, vector<16xi32>], vector<16xf32>,
        %slice3A_508 = vector.extract_strided_slice %get3A_251 {offsets = [11], sizes = [1], strides = [1]} : vector<16xf32> to vector<1xf32>
        %squeeze3A_509 = vector.extract %slice3A_508[0] : f32 from vector<1xf32>
        %mul3A_510 = vector.broadcast %squeeze3A_509 : f32 to vector<16xf32>
        %mul3A_511 = arith.mulf %gather3A_507, %mul3A_510 : vector<16xf32>
        %add3A_512 = arith.addf %add3A_504, %mul3A_511 : vector<16xf32>
        %broadcast_in_dim3A_513 = arith.constant 28 : i32
        %broadcast_in_dim3A_514 = vector.broadcast %broadcast_in_dim3A_513 : i32 to vector<16xi32>
        %gather3A_515 = tpu.vector_load_idx %arg7[%add3A_260, %add3A_289, %broadcast_in_dim3A_514] : memref<3x512x64xf32, #tpu.memory_space<vmem>>[vector<16xi32>, vector<16xi32>, vector<16xi32>], vector<16xf32>,
        %slice3A_516 = vector.extract_strided_slice %get3A_251 {offsets = [12], sizes = [1], strides = [1]} : vector<16xf32> to vector<1xf32>
        %squeeze3A_517 = vector.extract %slice3A_516[0] : f32 from vector<1xf32>
        %mul3A_518 = vector.broadcast %squeeze3A_517 : f32 to vector<16xf32>
        %mul3A_519 = arith.mulf %gather3A_515, %mul3A_518 : vector<16xf32>
        %add3A_520 = arith.addf %add3A_512, %mul3A_519 : vector<16xf32>
        %broadcast_in_dim3A_521 = arith.constant 29 : i32
        %broadcast_in_dim3A_522 = vector.broadcast %broadcast_in_dim3A_521 : i32 to vector<16xi32>
        %gather3A_523 = tpu.vector_load_idx %arg7[%add3A_260, %add3A_289, %broadcast_in_dim3A_522] : memref<3x512x64xf32, #tpu.memory_space<vmem>>[vector<16xi32>, vector<16xi32>, vector<16xi32>], vector<16xf32>,
        %slice3A_524 = vector.extract_strided_slice %get3A_251 {offsets = [13], sizes = [1], strides = [1]} : vector<16xf32> to vector<1xf32>
        %squeeze3A_525 = vector.extract %slice3A_524[0] : f32 from vector<1xf32>
        %mul3A_526 = vector.broadcast %squeeze3A_525 : f32 to vector<16xf32>
        %mul3A_527 = arith.mulf %gather3A_523, %mul3A_526 : vector<16xf32>
        %add3A_528 = arith.addf %add3A_520, %mul3A_527 : vector<16xf32>
        %broadcast_in_dim3A_529 = arith.constant 30 : i32
        %broadcast_in_dim3A_530 = vector.broadcast %broadcast_in_dim3A_529 : i32 to vector<16xi32>
        %gather3A_531 = tpu.vector_load_idx %arg7[%add3A_260, %add3A_289, %broadcast_in_dim3A_530] : memref<3x512x64xf32, #tpu.memory_space<vmem>>[vector<16xi32>, vector<16xi32>, vector<16xi32>], vector<16xf32>,
        %slice3A_532 = vector.extract_strided_slice %get3A_251 {offsets = [14], sizes = [1], strides = [1]} : vector<16xf32> to vector<1xf32>
        %squeeze3A_533 = vector.extract %slice3A_532[0] : f32 from vector<1xf32>
        %mul3A_534 = vector.broadcast %squeeze3A_533 : f32 to vector<16xf32>
        %mul3A_535 = arith.mulf %gather3A_531, %mul3A_534 : vector<16xf32>
        %add3A_536 = arith.addf %add3A_528, %mul3A_535 : vector<16xf32>
        %broadcast_in_dim3A_537 = arith.constant 31 : i32
        %broadcast_in_dim3A_538 = vector.broadcast %broadcast_in_dim3A_537 : i32 to vector<16xi32>
        %gather3A_539 = tpu.vector_load_idx %arg7[%add3A_260, %add3A_289, %broadcast_in_dim3A_538] : memref<3x512x64xf32, #tpu.memory_space<vmem>>[vector<16xi32>, vector<16xi32>, vector<16xi32>], vector<16xf32>,
        %slice3A_540 = vector.extract_strided_slice %get3A_251 {offsets = [15], sizes = [1], strides = [1]} : vector<16xf32> to vector<1xf32>
        %squeeze3A_541 = vector.extract %slice3A_540[0] : f32 from vector<1xf32>
        %mul3A_542 = vector.broadcast %squeeze3A_541 : f32 to vector<16xf32>
        %mul3A_543 = arith.mulf %gather3A_539, %mul3A_542 : vector<16xf32>
        %add3A_544 = arith.addf %add3A_536, %mul3A_543 : vector<16xf32>
        %broadcast_in_dim3A_545 = arith.constant 32 : i32
        %broadcast_in_dim3A_546 = vector.broadcast %broadcast_in_dim3A_545 : i32 to vector<16xi32>
        %gather3A_547 = tpu.vector_load_idx %arg7[%add3A_260, %add3A_289, %broadcast_in_dim3A_546] : memref<3x512x64xf32, #tpu.memory_space<vmem>>[vector<16xi32>, vector<16xi32>, vector<16xi32>], vector<16xf32>,
        %slice3A_548 = vector.extract_strided_slice %get3A_254 {offsets = [0], sizes = [1], strides = [1]} : vector<16xf32> to vector<1xf32>
        %squeeze3A_549 = vector.extract %slice3A_548[0] : f32 from vector<1xf32>
        %mul3A_550 = vector.broadcast %squeeze3A_549 : f32 to vector<16xf32>
        %mul3A_551 = arith.mulf %gather3A_547, %mul3A_550 : vector<16xf32>
        %add3A_552 = arith.addf %add3A_544, %mul3A_551 : vector<16xf32>
        %broadcast_in_dim3A_553 = arith.constant 33 : i32
        %broadcast_in_dim3A_554 = vector.broadcast %broadcast_in_dim3A_553 : i32 to vector<16xi32>
        %gather3A_555 = tpu.vector_load_idx %arg7[%add3A_260, %add3A_289, %broadcast_in_dim3A_554] : memref<3x512x64xf32, #tpu.memory_space<vmem>>[vector<16xi32>, vector<16xi32>, vector<16xi32>], vector<16xf32>,
        %slice3A_556 = vector.extract_strided_slice %get3A_254 {offsets = [1], sizes = [1], strides = [1]} : vector<16xf32> to vector<1xf32>
        %squeeze3A_557 = vector.extract %slice3A_556[0] : f32 from vector<1xf32>
        %mul3A_558 = vector.broadcast %squeeze3A_557 : f32 to vector<16xf32>
        %mul3A_559 = arith.mulf %gather3A_555, %mul3A_558 : vector<16xf32>
        %add3A_560 = arith.addf %add3A_552, %mul3A_559 : vector<16xf32>
        %broadcast_in_dim3A_561 = arith.constant 34 : i32
        %broadcast_in_dim3A_562 = vector.broadcast %broadcast_in_dim3A_561 : i32 to vector<16xi32>
        %gather3A_563 = tpu.vector_load_idx %arg7[%add3A_260, %add3A_289, %broadcast_in_dim3A_562] : memref<3x512x64xf32, #tpu.memory_space<vmem>>[vector<16xi32>, vector<16xi32>, vector<16xi32>], vector<16xf32>,
        %slice3A_564 = vector.extract_strided_slice %get3A_254 {offsets = [2], sizes = [1], strides = [1]} : vector<16xf32> to vector<1xf32>
        %squeeze3A_565 = vector.extract %slice3A_564[0] : f32 from vector<1xf32>
        %mul3A_566 = vector.broadcast %squeeze3A_565 : f32 to vector<16xf32>
        %mul3A_567 = arith.mulf %gather3A_563, %mul3A_566 : vector<16xf32>
        %add3A_568 = arith.addf %add3A_560, %mul3A_567 : vector<16xf32>
        %broadcast_in_dim3A_569 = arith.constant 35 : i32
        %broadcast_in_dim3A_570 = vector.broadcast %broadcast_in_dim3A_569 : i32 to vector<16xi32>
        %gather3A_571 = tpu.vector_load_idx %arg7[%add3A_260, %add3A_289, %broadcast_in_dim3A_570] : memref<3x512x64xf32, #tpu.memory_space<vmem>>[vector<16xi32>, vector<16xi32>, vector<16xi32>], vector<16xf32>,
        %slice3A_572 = vector.extract_strided_slice %get3A_254 {offsets = [3], sizes = [1], strides = [1]} : vector<16xf32> to vector<1xf32>
        %squeeze3A_573 = vector.extract %slice3A_572[0] : f32 from vector<1xf32>
        %mul3A_574 = vector.broadcast %squeeze3A_573 : f32 to vector<16xf32>
        %mul3A_575 = arith.mulf %gather3A_571, %mul3A_574 : vector<16xf32>
        %add3A_576 = arith.addf %add3A_568, %mul3A_575 : vector<16xf32>
        %broadcast_in_dim3A_577 = arith.constant 36 : i32
        %broadcast_in_dim3A_578 = vector.broadcast %broadcast_in_dim3A_577 : i32 to vector<16xi32>
        %gather3A_579 = tpu.vector_load_idx %arg7[%add3A_260, %add3A_289, %broadcast_in_dim3A_578] : memref<3x512x64xf32, #tpu.memory_space<vmem>>[vector<16xi32>, vector<16xi32>, vector<16xi32>], vector<16xf32>,
        %slice3A_580 = vector.extract_strided_slice %get3A_254 {offsets = [4], sizes = [1], strides = [1]} : vector<16xf32> to vector<1xf32>
        %squeeze3A_581 = vector.extract %slice3A_580[0] : f32 from vector<1xf32>
        %mul3A_582 = vector.broadcast %squeeze3A_581 : f32 to vector<16xf32>
        %mul3A_583 = arith.mulf %gather3A_579, %mul3A_582 : vector<16xf32>
        %add3A_584 = arith.addf %add3A_576, %mul3A_583 : vector<16xf32>
        %broadcast_in_dim3A_585 = arith.constant 37 : i32
        %broadcast_in_dim3A_586 = vector.broadcast %broadcast_in_dim3A_585 : i32 to vector<16xi32>
        %gather3A_587 = tpu.vector_load_idx %arg7[%add3A_260, %add3A_289, %broadcast_in_dim3A_586] : memref<3x512x64xf32, #tpu.memory_space<vmem>>[vector<16xi32>, vector<16xi32>, vector<16xi32>], vector<16xf32>,
        %slice3A_588 = vector.extract_strided_slice %get3A_254 {offsets = [5], sizes = [1], strides = [1]} : vector<16xf32> to vector<1xf32>
        %squeeze3A_589 = vector.extract %slice3A_588[0] : f32 from vector<1xf32>
        %mul3A_590 = vector.broadcast %squeeze3A_589 : f32 to vector<16xf32>
        %mul3A_591 = arith.mulf %gather3A_587, %mul3A_590 : vector<16xf32>
        %add3A_592 = arith.addf %add3A_584, %mul3A_591 : vector<16xf32>
        %broadcast_in_dim3A_593 = arith.constant 38 : i32
        %broadcast_in_dim3A_594 = vector.broadcast %broadcast_in_dim3A_593 : i32 to vector<16xi32>
        %gather3A_595 = tpu.vector_load_idx %arg7[%add3A_260, %add3A_289, %broadcast_in_dim3A_594] : memref<3x512x64xf32, #tpu.memory_space<vmem>>[vector<16xi32>, vector<16xi32>, vector<16xi32>], vector<16xf32>,
        %slice3A_596 = vector.extract_strided_slice %get3A_254 {offsets = [6], sizes = [1], strides = [1]} : vector<16xf32> to vector<1xf32>
        %squeeze3A_597 = vector.extract %slice3A_596[0] : f32 from vector<1xf32>
        %mul3A_598 = vector.broadcast %squeeze3A_597 : f32 to vector<16xf32>
        %mul3A_599 = arith.mulf %gather3A_595, %mul3A_598 : vector<16xf32>
        %add3A_600 = arith.addf %add3A_592, %mul3A_599 : vector<16xf32>
        %broadcast_in_dim3A_601 = arith.constant 39 : i32
        %broadcast_in_dim3A_602 = vector.broadcast %broadcast_in_dim3A_601 : i32 to vector<16xi32>
        %gather3A_603 = tpu.vector_load_idx %arg7[%add3A_260, %add3A_289, %broadcast_in_dim3A_602] : memref<3x512x64xf32, #tpu.memory_space<vmem>>[vector<16xi32>, vector<16xi32>, vector<16xi32>], vector<16xf32>,
        %slice3A_604 = vector.extract_strided_slice %get3A_254 {offsets = [7], sizes = [1], strides = [1]} : vector<16xf32> to vector<1xf32>
        %squeeze3A_605 = vector.extract %slice3A_604[0] : f32 from vector<1xf32>
        %mul3A_606 = vector.broadcast %squeeze3A_605 : f32 to vector<16xf32>
        %mul3A_607 = arith.mulf %gather3A_603, %mul3A_606 : vector<16xf32>
        %add3A_608 = arith.addf %add3A_600, %mul3A_607 : vector<16xf32>
        %broadcast_in_dim3A_609 = arith.constant 40 : i32
        %broadcast_in_dim3A_610 = vector.broadcast %broadcast_in_dim3A_609 : i32 to vector<16xi32>
        %gather3A_611 = tpu.vector_load_idx %arg7[%add3A_260, %add3A_289, %broadcast_in_dim3A_610] : memref<3x512x64xf32, #tpu.memory_space<vmem>>[vector<16xi32>, vector<16xi32>, vector<16xi32>], vector<16xf32>,
        %slice3A_612 = vector.extract_strided_slice %get3A_254 {offsets = [8], sizes = [1], strides = [1]} : vector<16xf32> to vector<1xf32>
        %squeeze3A_613 = vector.extract %slice3A_612[0] : f32 from vector<1xf32>
        %mul3A_614 = vector.broadcast %squeeze3A_613 : f32 to vector<16xf32>
        %mul3A_615 = arith.mulf %gather3A_611, %mul3A_614 : vector<16xf32>
        %add3A_616 = arith.addf %add3A_608, %mul3A_615 : vector<16xf32>
        %broadcast_in_dim3A_617 = arith.constant 41 : i32
        %broadcast_in_dim3A_618 = vector.broadcast %broadcast_in_dim3A_617 : i32 to vector<16xi32>
        %gather3A_619 = tpu.vector_load_idx %arg7[%add3A_260, %add3A_289, %broadcast_in_dim3A_618] : memref<3x512x64xf32, #tpu.memory_space<vmem>>[vector<16xi32>, vector<16xi32>, vector<16xi32>], vector<16xf32>,
        %slice3A_620 = vector.extract_strided_slice %get3A_254 {offsets = [9], sizes = [1], strides = [1]} : vector<16xf32> to vector<1xf32>
        %squeeze3A_621 = vector.extract %slice3A_620[0] : f32 from vector<1xf32>
        %mul3A_622 = vector.broadcast %squeeze3A_621 : f32 to vector<16xf32>
        %mul3A_623 = arith.mulf %gather3A_619, %mul3A_622 : vector<16xf32>
        %add3A_624 = arith.addf %add3A_616, %mul3A_623 : vector<16xf32>
        %broadcast_in_dim3A_625 = arith.constant 42 : i32
        %broadcast_in_dim3A_626 = vector.broadcast %broadcast_in_dim3A_625 : i32 to vector<16xi32>
        %gather3A_627 = tpu.vector_load_idx %arg7[%add3A_260, %add3A_289, %broadcast_in_dim3A_626] : memref<3x512x64xf32, #tpu.memory_space<vmem>>[vector<16xi32>, vector<16xi32>, vector<16xi32>], vector<16xf32>,
        %slice3A_628 = vector.extract_strided_slice %get3A_254 {offsets = [10], sizes = [1], strides = [1]} : vector<16xf32> to vector<1xf32>
        %squeeze3A_629 = vector.extract %slice3A_628[0] : f32 from vector<1xf32>
        %mul3A_630 = vector.broadcast %squeeze3A_629 : f32 to vector<16xf32>
        %mul3A_631 = arith.mulf %gather3A_627, %mul3A_630 : vector<16xf32>
        %add3A_632 = arith.addf %add3A_624, %mul3A_631 : vector<16xf32>
        %broadcast_in_dim3A_633 = arith.constant 43 : i32
        %broadcast_in_dim3A_634 = vector.broadcast %broadcast_in_dim3A_633 : i32 to vector<16xi32>
        %gather3A_635 = tpu.vector_load_idx %arg7[%add3A_260, %add3A_289, %broadcast_in_dim3A_634] : memref<3x512x64xf32, #tpu.memory_space<vmem>>[vector<16xi32>, vector<16xi32>, vector<16xi32>], vector<16xf32>,
        %slice3A_636 = vector.extract_strided_slice %get3A_254 {offsets = [11], sizes = [1], strides = [1]} : vector<16xf32> to vector<1xf32>
        %squeeze3A_637 = vector.extract %slice3A_636[0] : f32 from vector<1xf32>
        %mul3A_638 = vector.broadcast %squeeze3A_637 : f32 to vector<16xf32>
        %mul3A_639 = arith.mulf %gather3A_635, %mul3A_638 : vector<16xf32>
        %add3A_640 = arith.addf %add3A_632, %mul3A_639 : vector<16xf32>
        %broadcast_in_dim3A_641 = arith.constant 44 : i32
        %broadcast_in_dim3A_642 = vector.broadcast %broadcast_in_dim3A_641 : i32 to vector<16xi32>
        %gather3A_643 = tpu.vector_load_idx %arg7[%add3A_260, %add3A_289, %broadcast_in_dim3A_642] : memref<3x512x64xf32, #tpu.memory_space<vmem>>[vector<16xi32>, vector<16xi32>, vector<16xi32>], vector<16xf32>,
        %slice3A_644 = vector.extract_strided_slice %get3A_254 {offsets = [12], sizes = [1], strides = [1]} : vector<16xf32> to vector<1xf32>
        %squeeze3A_645 = vector.extract %slice3A_644[0] : f32 from vector<1xf32>
        %mul3A_646 = vector.broadcast %squeeze3A_645 : f32 to vector<16xf32>
        %mul3A_647 = arith.mulf %gather3A_643, %mul3A_646 : vector<16xf32>
        %add3A_648 = arith.addf %add3A_640, %mul3A_647 : vector<16xf32>
        %broadcast_in_dim3A_649 = arith.constant 45 : i32
        %broadcast_in_dim3A_650 = vector.broadcast %broadcast_in_dim3A_649 : i32 to vector<16xi32>
        %gather3A_651 = tpu.vector_load_idx %arg7[%add3A_260, %add3A_289, %broadcast_in_dim3A_650] : memref<3x512x64xf32, #tpu.memory_space<vmem>>[vector<16xi32>, vector<16xi32>, vector<16xi32>], vector<16xf32>,
        %slice3A_652 = vector.extract_strided_slice %get3A_254 {offsets = [13], sizes = [1], strides = [1]} : vector<16xf32> to vector<1xf32>
        %squeeze3A_653 = vector.extract %slice3A_652[0] : f32 from vector<1xf32>
        %mul3A_654 = vector.broadcast %squeeze3A_653 : f32 to vector<16xf32>
        %mul3A_655 = arith.mulf %gather3A_651, %mul3A_654 : vector<16xf32>
        %add3A_656 = arith.addf %add3A_648, %mul3A_655 : vector<16xf32>
        %broadcast_in_dim3A_657 = arith.constant 46 : i32
        %broadcast_in_dim3A_658 = vector.broadcast %broadcast_in_dim3A_657 : i32 to vector<16xi32>
        %gather3A_659 = tpu.vector_load_idx %arg7[%add3A_260, %add3A_289, %broadcast_in_dim3A_658] : memref<3x512x64xf32, #tpu.memory_space<vmem>>[vector<16xi32>, vector<16xi32>, vector<16xi32>], vector<16xf32>,
        %slice3A_660 = vector.extract_strided_slice %get3A_254 {offsets = [14], sizes = [1], strides = [1]} : vector<16xf32> to vector<1xf32>
        %squeeze3A_661 = vector.extract %slice3A_660[0] : f32 from vector<1xf32>
        %mul3A_662 = vector.broadcast %squeeze3A_661 : f32 to vector<16xf32>
        %mul3A_663 = arith.mulf %gather3A_659, %mul3A_662 : vector<16xf32>
        %add3A_664 = arith.addf %add3A_656, %mul3A_663 : vector<16xf32>
        %broadcast_in_dim3A_665 = arith.constant 47 : i32
        %broadcast_in_dim3A_666 = vector.broadcast %broadcast_in_dim3A_665 : i32 to vector<16xi32>
        %gather3A_667 = tpu.vector_load_idx %arg7[%add3A_260, %add3A_289, %broadcast_in_dim3A_666] : memref<3x512x64xf32, #tpu.memory_space<vmem>>[vector<16xi32>, vector<16xi32>, vector<16xi32>], vector<16xf32>,
        %slice3A_668 = vector.extract_strided_slice %get3A_254 {offsets = [15], sizes = [1], strides = [1]} : vector<16xf32> to vector<1xf32>
        %squeeze3A_669 = vector.extract %slice3A_668[0] : f32 from vector<1xf32>
        %mul3A_670 = vector.broadcast %squeeze3A_669 : f32 to vector<16xf32>
        %mul3A_671 = arith.mulf %gather3A_667, %mul3A_670 : vector<16xf32>
        %add3A_672 = arith.addf %add3A_664, %mul3A_671 : vector<16xf32>
        %broadcast_in_dim3A_673 = arith.constant 48 : i32
        %broadcast_in_dim3A_674 = vector.broadcast %broadcast_in_dim3A_673 : i32 to vector<16xi32>
        %gather3A_675 = tpu.vector_load_idx %arg7[%add3A_260, %add3A_289, %broadcast_in_dim3A_674] : memref<3x512x64xf32, #tpu.memory_space<vmem>>[vector<16xi32>, vector<16xi32>, vector<16xi32>], vector<16xf32>,
        %slice3A_676 = vector.extract_strided_slice %get3A_257 {offsets = [0], sizes = [1], strides = [1]} : vector<16xf32> to vector<1xf32>
        %squeeze3A_677 = vector.extract %slice3A_676[0] : f32 from vector<1xf32>
        %mul3A_678 = vector.broadcast %squeeze3A_677 : f32 to vector<16xf32>
        %mul3A_679 = arith.mulf %gather3A_675, %mul3A_678 : vector<16xf32>
        %add3A_680 = arith.addf %add3A_672, %mul3A_679 : vector<16xf32>
        %broadcast_in_dim3A_681 = arith.constant 49 : i32
        %broadcast_in_dim3A_682 = vector.broadcast %broadcast_in_dim3A_681 : i32 to vector<16xi32>
        %gather3A_683 = tpu.vector_load_idx %arg7[%add3A_260, %add3A_289, %broadcast_in_dim3A_682] : memref<3x512x64xf32, #tpu.memory_space<vmem>>[vector<16xi32>, vector<16xi32>, vector<16xi32>], vector<16xf32>,
        %slice3A_684 = vector.extract_strided_slice %get3A_257 {offsets = [1], sizes = [1], strides = [1]} : vector<16xf32> to vector<1xf32>
        %squeeze3A_685 = vector.extract %slice3A_684[0] : f32 from vector<1xf32>
        %mul3A_686 = vector.broadcast %squeeze3A_685 : f32 to vector<16xf32>
        %mul3A_687 = arith.mulf %gather3A_683, %mul3A_686 : vector<16xf32>
        %add3A_688 = arith.addf %add3A_680, %mul3A_687 : vector<16xf32>
        %broadcast_in_dim3A_689 = arith.constant 50 : i32
        %broadcast_in_dim3A_690 = vector.broadcast %broadcast_in_dim3A_689 : i32 to vector<16xi32>
        %gather3A_691 = tpu.vector_load_idx %arg7[%add3A_260, %add3A_289, %broadcast_in_dim3A_690] : memref<3x512x64xf32, #tpu.memory_space<vmem>>[vector<16xi32>, vector<16xi32>, vector<16xi32>], vector<16xf32>,
        %slice3A_692 = vector.extract_strided_slice %get3A_257 {offsets = [2], sizes = [1], strides = [1]} : vector<16xf32> to vector<1xf32>
        %squeeze3A_693 = vector.extract %slice3A_692[0] : f32 from vector<1xf32>
        %mul3A_694 = vector.broadcast %squeeze3A_693 : f32 to vector<16xf32>
        %mul3A_695 = arith.mulf %gather3A_691, %mul3A_694 : vector<16xf32>
        %add3A_696 = arith.addf %add3A_688, %mul3A_695 : vector<16xf32>
        %broadcast_in_dim3A_697 = arith.constant 51 : i32
        %broadcast_in_dim3A_698 = vector.broadcast %broadcast_in_dim3A_697 : i32 to vector<16xi32>
        %gather3A_699 = tpu.vector_load_idx %arg7[%add3A_260, %add3A_289, %broadcast_in_dim3A_698] : memref<3x512x64xf32, #tpu.memory_space<vmem>>[vector<16xi32>, vector<16xi32>, vector<16xi32>], vector<16xf32>,
        %slice3A_700 = vector.extract_strided_slice %get3A_257 {offsets = [3], sizes = [1], strides = [1]} : vector<16xf32> to vector<1xf32>
        %squeeze3A_701 = vector.extract %slice3A_700[0] : f32 from vector<1xf32>
        %mul3A_702 = vector.broadcast %squeeze3A_701 : f32 to vector<16xf32>
        %mul3A_703 = arith.mulf %gather3A_699, %mul3A_702 : vector<16xf32>
        %add3A_704 = arith.addf %add3A_696, %mul3A_703 : vector<16xf32>
        %broadcast_in_dim3A_705 = arith.constant 52 : i32
        %broadcast_in_dim3A_706 = vector.broadcast %broadcast_in_dim3A_705 : i32 to vector<16xi32>
        %gather3A_707 = tpu.vector_load_idx %arg7[%add3A_260, %add3A_289, %broadcast_in_dim3A_706] : memref<3x512x64xf32, #tpu.memory_space<vmem>>[vector<16xi32>, vector<16xi32>, vector<16xi32>], vector<16xf32>,
        %slice3A_708 = vector.extract_strided_slice %get3A_257 {offsets = [4], sizes = [1], strides = [1]} : vector<16xf32> to vector<1xf32>
        %squeeze3A_709 = vector.extract %slice3A_708[0] : f32 from vector<1xf32>
        %mul3A_710 = vector.broadcast %squeeze3A_709 : f32 to vector<16xf32>
        %mul3A_711 = arith.mulf %gather3A_707, %mul3A_710 : vector<16xf32>
        %add3A_712 = arith.addf %add3A_704, %mul3A_711 : vector<16xf32>
        %broadcast_in_dim3A_713 = arith.constant 53 : i32
        %broadcast_in_dim3A_714 = vector.broadcast %broadcast_in_dim3A_713 : i32 to vector<16xi32>
        %gather3A_715 = tpu.vector_load_idx %arg7[%add3A_260, %add3A_289, %broadcast_in_dim3A_714] : memref<3x512x64xf32, #tpu.memory_space<vmem>>[vector<16xi32>, vector<16xi32>, vector<16xi32>], vector<16xf32>,
        %slice3A_716 = vector.extract_strided_slice %get3A_257 {offsets = [5], sizes = [1], strides = [1]} : vector<16xf32> to vector<1xf32>
        %squeeze3A_717 = vector.extract %slice3A_716[0] : f32 from vector<1xf32>
        %mul3A_718 = vector.broadcast %squeeze3A_717 : f32 to vector<16xf32>
        %mul3A_719 = arith.mulf %gather3A_715, %mul3A_718 : vector<16xf32>
        %add3A_720 = arith.addf %add3A_712, %mul3A_719 : vector<16xf32>
        %broadcast_in_dim3A_721 = arith.constant 54 : i32
        %broadcast_in_dim3A_722 = vector.broadcast %broadcast_in_dim3A_721 : i32 to vector<16xi32>
        %gather3A_723 = tpu.vector_load_idx %arg7[%add3A_260, %add3A_289, %broadcast_in_dim3A_722] : memref<3x512x64xf32, #tpu.memory_space<vmem>>[vector<16xi32>, vector<16xi32>, vector<16xi32>], vector<16xf32>,
        %slice3A_724 = vector.extract_strided_slice %get3A_257 {offsets = [6], sizes = [1], strides = [1]} : vector<16xf32> to vector<1xf32>
        %squeeze3A_725 = vector.extract %slice3A_724[0] : f32 from vector<1xf32>
        %mul3A_726 = vector.broadcast %squeeze3A_725 : f32 to vector<16xf32>
        %mul3A_727 = arith.mulf %gather3A_723, %mul3A_726 : vector<16xf32>
        %add3A_728 = arith.addf %add3A_720, %mul3A_727 : vector<16xf32>
        %broadcast_in_dim3A_729 = arith.constant 55 : i32
        %broadcast_in_dim3A_730 = vector.broadcast %broadcast_in_dim3A_729 : i32 to vector<16xi32>
        %gather3A_731 = tpu.vector_load_idx %arg7[%add3A_260, %add3A_289, %broadcast_in_dim3A_730] : memref<3x512x64xf32, #tpu.memory_space<vmem>>[vector<16xi32>, vector<16xi32>, vector<16xi32>], vector<16xf32>,
        %slice3A_732 = vector.extract_strided_slice %get3A_257 {offsets = [7], sizes = [1], strides = [1]} : vector<16xf32> to vector<1xf32>
        %squeeze3A_733 = vector.extract %slice3A_732[0] : f32 from vector<1xf32>
        %mul3A_734 = vector.broadcast %squeeze3A_733 : f32 to vector<16xf32>
        %mul3A_735 = arith.mulf %gather3A_731, %mul3A_734 : vector<16xf32>
        %add3A_736 = arith.addf %add3A_728, %mul3A_735 : vector<16xf32>
        %broadcast_in_dim3A_737 = arith.constant 56 : i32
        %broadcast_in_dim3A_738 = vector.broadcast %broadcast_in_dim3A_737 : i32 to vector<16xi32>
        %gather3A_739 = tpu.vector_load_idx %arg7[%add3A_260, %add3A_289, %broadcast_in_dim3A_738] : memref<3x512x64xf32, #tpu.memory_space<vmem>>[vector<16xi32>, vector<16xi32>, vector<16xi32>], vector<16xf32>,
        %slice3A_740 = vector.extract_strided_slice %get3A_257 {offsets = [8], sizes = [1], strides = [1]} : vector<16xf32> to vector<1xf32>
        %squeeze3A_741 = vector.extract %slice3A_740[0] : f32 from vector<1xf32>
        %mul3A_742 = vector.broadcast %squeeze3A_741 : f32 to vector<16xf32>
        %mul3A_743 = arith.mulf %gather3A_739, %mul3A_742 : vector<16xf32>
        %add3A_744 = arith.addf %add3A_736, %mul3A_743 : vector<16xf32>
        %broadcast_in_dim3A_745 = arith.constant 57 : i32
        %broadcast_in_dim3A_746 = vector.broadcast %broadcast_in_dim3A_745 : i32 to vector<16xi32>
        %gather3A_747 = tpu.vector_load_idx %arg7[%add3A_260, %add3A_289, %broadcast_in_dim3A_746] : memref<3x512x64xf32, #tpu.memory_space<vmem>>[vector<16xi32>, vector<16xi32>, vector<16xi32>], vector<16xf32>,
        %slice3A_748 = vector.extract_strided_slice %get3A_257 {offsets = [9], sizes = [1], strides = [1]} : vector<16xf32> to vector<1xf32>
        %squeeze3A_749 = vector.extract %slice3A_748[0] : f32 from vector<1xf32>
        %mul3A_750 = vector.broadcast %squeeze3A_749 : f32 to vector<16xf32>
        %mul3A_751 = arith.mulf %gather3A_747, %mul3A_750 : vector<16xf32>
        %add3A_752 = arith.addf %add3A_744, %mul3A_751 : vector<16xf32>
        %broadcast_in_dim3A_753 = arith.constant 58 : i32
        %broadcast_in_dim3A_754 = vector.broadcast %broadcast_in_dim3A_753 : i32 to vector<16xi32>
        %gather3A_755 = tpu.vector_load_idx %arg7[%add3A_260, %add3A_289, %broadcast_in_dim3A_754] : memref<3x512x64xf32, #tpu.memory_space<vmem>>[vector<16xi32>, vector<16xi32>, vector<16xi32>], vector<16xf32>,
        %slice3A_756 = vector.extract_strided_slice %get3A_257 {offsets = [10], sizes = [1], strides = [1]} : vector<16xf32> to vector<1xf32>
        %squeeze3A_757 = vector.extract %slice3A_756[0] : f32 from vector<1xf32>
        %mul3A_758 = vector.broadcast %squeeze3A_757 : f32 to vector<16xf32>
        %mul3A_759 = arith.mulf %gather3A_755, %mul3A_758 : vector<16xf32>
        %add3A_760 = arith.addf %add3A_752, %mul3A_759 : vector<16xf32>
        %broadcast_in_dim3A_761 = arith.constant 59 : i32
        %broadcast_in_dim3A_762 = vector.broadcast %broadcast_in_dim3A_761 : i32 to vector<16xi32>
        %gather3A_763 = tpu.vector_load_idx %arg7[%add3A_260, %add3A_289, %broadcast_in_dim3A_762] : memref<3x512x64xf32, #tpu.memory_space<vmem>>[vector<16xi32>, vector<16xi32>, vector<16xi32>], vector<16xf32>,
        %slice3A_764 = vector.extract_strided_slice %get3A_257 {offsets = [11], sizes = [1], strides = [1]} : vector<16xf32> to vector<1xf32>
        %squeeze3A_765 = vector.extract %slice3A_764[0] : f32 from vector<1xf32>
        %mul3A_766 = vector.broadcast %squeeze3A_765 : f32 to vector<16xf32>
        %mul3A_767 = arith.mulf %gather3A_763, %mul3A_766 : vector<16xf32>
        %add3A_768 = arith.addf %add3A_760, %mul3A_767 : vector<16xf32>
        %broadcast_in_dim3A_769 = arith.constant 60 : i32
        %broadcast_in_dim3A_770 = vector.broadcast %broadcast_in_dim3A_769 : i32 to vector<16xi32>
        %gather3A_771 = tpu.vector_load_idx %arg7[%add3A_260, %add3A_289, %broadcast_in_dim3A_770] : memref<3x512x64xf32, #tpu.memory_space<vmem>>[vector<16xi32>, vector<16xi32>, vector<16xi32>], vector<16xf32>,
        %slice3A_772 = vector.extract_strided_slice %get3A_257 {offsets = [12], sizes = [1], strides = [1]} : vector<16xf32> to vector<1xf32>
        %squeeze3A_773 = vector.extract %slice3A_772[0] : f32 from vector<1xf32>
        %mul3A_774 = vector.broadcast %squeeze3A_773 : f32 to vector<16xf32>
        %mul3A_775 = arith.mulf %gather3A_771, %mul3A_774 : vector<16xf32>
        %add3A_776 = arith.addf %add3A_768, %mul3A_775 : vector<16xf32>
        %broadcast_in_dim3A_777 = arith.constant 61 : i32
        %broadcast_in_dim3A_778 = vector.broadcast %broadcast_in_dim3A_777 : i32 to vector<16xi32>
        %gather3A_779 = tpu.vector_load_idx %arg7[%add3A_260, %add3A_289, %broadcast_in_dim3A_778] : memref<3x512x64xf32, #tpu.memory_space<vmem>>[vector<16xi32>, vector<16xi32>, vector<16xi32>], vector<16xf32>,
        %slice3A_780 = vector.extract_strided_slice %get3A_257 {offsets = [13], sizes = [1], strides = [1]} : vector<16xf32> to vector<1xf32>
        %squeeze3A_781 = vector.extract %slice3A_780[0] : f32 from vector<1xf32>
        %mul3A_782 = vector.broadcast %squeeze3A_781 : f32 to vector<16xf32>
        %mul3A_783 = arith.mulf %gather3A_779, %mul3A_782 : vector<16xf32>
        %add3A_784 = arith.addf %add3A_776, %mul3A_783 : vector<16xf32>
        %broadcast_in_dim3A_785 = arith.constant 62 : i32
        %broadcast_in_dim3A_786 = vector.broadcast %broadcast_in_dim3A_785 : i32 to vector<16xi32>
        %gather3A_787 = tpu.vector_load_idx %arg7[%add3A_260, %add3A_289, %broadcast_in_dim3A_786] : memref<3x512x64xf32, #tpu.memory_space<vmem>>[vector<16xi32>, vector<16xi32>, vector<16xi32>], vector<16xf32>,
        %slice3A_788 = vector.extract_strided_slice %get3A_257 {offsets = [14], sizes = [1], strides = [1]} : vector<16xf32> to vector<1xf32>
        %squeeze3A_789 = vector.extract %slice3A_788[0] : f32 from vector<1xf32>
        %mul3A_790 = vector.broadcast %squeeze3A_789 : f32 to vector<16xf32>
        %mul3A_791 = arith.mulf %gather3A_787, %mul3A_790 : vector<16xf32>
        %add3A_792 = arith.addf %add3A_784, %mul3A_791 : vector<16xf32>
        %broadcast_in_dim3A_793 = arith.constant 63 : i32
        %broadcast_in_dim3A_794 = vector.broadcast %broadcast_in_dim3A_793 : i32 to vector<16xi32>
        %gather3A_795 = tpu.vector_load_idx %arg7[%add3A_260, %add3A_289, %broadcast_in_dim3A_794] : memref<3x512x64xf32, #tpu.memory_space<vmem>>[vector<16xi32>, vector<16xi32>, vector<16xi32>], vector<16xf32>,
        %slice3A_796 = vector.extract_strided_slice %get3A_257 {offsets = [15], sizes = [1], strides = [1]} : vector<16xf32> to vector<1xf32>
        %squeeze3A_797 = vector.extract %slice3A_796[0] : f32 from vector<1xf32>
        %mul3A_798 = vector.broadcast %squeeze3A_797 : f32 to vector<16xf32>
        %mul3A_799 = arith.mulf %gather3A_795, %mul3A_798 : vector<16xf32>
        %add3A_800 = arith.addf %add3A_792, %mul3A_799 : vector<16xf32>
        %mul3A_801 = arith.constant 14.2857141 : f32
        %mul3A_802 = vector.broadcast %mul3A_801 : f32 to vector<16xf32>
        %mul3A_803 = arith.mulf %add3A_800, %mul3A_802 : vector<16xf32>
        %mul3A_804 = arith.constant 16 : i32
        %mul3A_805 = arith.muli %scan3A_285, %mul3A_804 : i32
        %swap3A = arith.index_cast %rem3A_199 : i32 to index
        %swap3A_806 = arith.index_cast %mul3A_805 : i32 to index
        %swap3A_807 = tpu.vector_load %arg8[%swap3A, %swap3A_806] {strides = array<i32>} : memref<2x512xf32, #tpu.memory_space<vmem>>, vector<16xf32>,
        tpu.vector_store %arg8[%swap3A, %swap3A_806], %mul3A_803 {strides = array<i32>} : memref<2x512xf32, #tpu.memory_space<vmem>>, vector<16xf32>,
      }
      %scan3A_266 = arith.constant 32 : i32
      %dma_start3A_267 = arith.constant 0 : i32
      %dma_start3A_268 = tpu.memref_slice %arg8[%rem3A_199, %dma_start3A_267] : memref<2x512xf32, #tpu.memory_space<vmem>> -> memref<1x512xf32, #tpu.memory_space<vmem>>
      %dma_start3A_269 = tpu.memref_squeeze %dma_start3A_268 : memref<1x512xf32, #tpu.memory_space<vmem>> -> memref<512xf32, #tpu.memory_space<vmem>>
      %dma_start3A_270 = arith.constant 0 : i32
      %dma_start3A_271 = tpu.memref_slice %arg5[%add3A_200, %dma_start3A_270] : memref<1024x512xf32, #tpu.memory_space<hbm>> -> memref<1x512xf32, #tpu.memory_space<hbm>>
      %dma_start3A_272 = tpu.memref_squeeze %dma_start3A_271 : memref<1x512xf32, #tpu.memory_space<hbm>> -> memref<512xf32, #tpu.memory_space<hbm>>
      %dma_start3A_273 = arith.constant 0 : i32
      %dma_start3A_274 = tpu.memref_slice %arg5[%add3A_200, %dma_start3A_273] : memref<1024x512xf32, #tpu.memory_space<hbm>> -> memref<1x512xf32, #tpu.memory_space<hbm>>
      %dma_start3A_275 = tpu.memref_squeeze %dma_start3A_274 : memref<1x512xf32, #tpu.memory_space<hbm>> -> memref<512xf32, #tpu.memory_space<hbm>>
      %dma_start3A_276 = arith.constant 0 : i32
      %dma_start3A_277 = tpu.memref_slice %arg8[%rem3A_199, %dma_start3A_276] : memref<2x512xf32, #tpu.memory_space<vmem>> -> memref<1x512xf32, #tpu.memory_space<vmem>>
      %dma_start3A_278 = tpu.memref_squeeze %dma_start3A_277 : memref<1x512xf32, #tpu.memory_space<vmem>> -> memref<512xf32, #tpu.memory_space<vmem>>
      tpu.enqueue_dma source(%dma_start3A_278 : memref<512xf32, #tpu.memory_space<vmem>>) target(%dma_start3A_275 : memref<512xf32, #tpu.memory_space<hbm>>) target_semaphore(%arg11 : memref<!tpu.dma_semaphore, #tpu.memory_space<semaphore_mem>>)
      %add3A_279 = arith.constant 3 : i32
      %add3A_280 = arith.addi %scan3A_195, %add3A_279 : i32
      %lt3A = arith.constant 32 : i32
      %lt3A_281 = arith.cmpi slt, %add3A_280, %lt3A : i32
      %convert_element_type3A_282 = arith.extui %lt3A_281 : i1 to i32
      %cond3A_283 = arith.constant 0 : i32
      %cond3A_284 = arith.cmpi ne, %convert_element_type3A_282, %cond3A_283 : i32
      scf.if %cond3A_284 {
        %add3A_285 = arith.constant 3 : i32
        %add3A_286 = arith.addi %scan3A_195, %add3A_285 : i32
        %dma_start3A_287 = arith.constant 0 : i32
        %dma_start3A_288 = arith.constant 0 : i32
        %dma_start3A_289 = arith.constant 0 : i32
        %dma_start3A_290 = tpu.memref_slice %arg7[%rem3A_197, %dma_start3A_288, %dma_start3A_289] : memref<3x512x64xf32, #tpu.memory_space<vmem>> -> memref<1x128x64xf32, #tpu.memory_space<vmem>>
        %dma_start3A_291 = tpu.memref_squeeze %dma_start3A_290 : memref<1x128x64xf32, #tpu.memory_space<vmem>> -> memref<128x64xf32, #tpu.memory_space<vmem>>
        %dma_start3A_292 = arith.constant 0 : i32
        %dma_start3A_293 = tpu.memref_slice %arg6[%add3A_286, %dma_start3A_287, %dma_start3A_292] : memref<32x4x128xi32, #tpu.memory_space<vmem>> -> memref<1x1x128xi32, #tpu.memory_space<vmem>>
        %dma_start3A_294 = tpu.memref_squeeze %dma_start3A_293 : memref<1x1x128xi32, #tpu.memory_space<vmem>> -> memref<128xi32, #tpu.memory_space<vmem>>
        %dma_start3A_295 = arith.constant 0 : i32
        %dma_start3A_296 = arith.constant 0 : i32
        %dma_start3A_297 = tpu.memref_slice %arg2[%dma_start3A_295, %dma_start3A_296] : memref<1000000x64xf32, #tpu.memory_space<hbm>> -> memref<1000000x64xf32, #tpu.memory_space<hbm>>
        tpu.enqueue_indirect_dma source(%dma_start3A_297 : memref<1000000x64xf32, #tpu.memory_space<hbm>>) target(%dma_start3A_291 : memref<128x64xf32, #tpu.memory_space<vmem>>) offsets(%dma_start3A_294 : memref<128xi32, #tpu.memory_space<vmem>>) semaphore(%arg10 : memref<!tpu.dma_semaphore, #tpu.memory_space<semaphore_mem>>)
        %dma_start3A_298 = arith.constant 1 : i32
        %dma_start3A_299 = arith.constant 128 : i32
        %dma_start3A_300 = arith.constant 0 : i32
        %dma_start3A_301 = tpu.memref_slice %arg7[%rem3A_197, %dma_start3A_299, %dma_start3A_300] : memref<3x512x64xf32, #tpu.memory_space<vmem>> -> memref<1x128x64xf32, #tpu.memory_space<vmem>>
        %dma_start3A_302 = tpu.memref_squeeze %dma_start3A_301 : memref<1x128x64xf32, #tpu.memory_space<vmem>> -> memref<128x64xf32, #tpu.memory_space<vmem>>
        %dma_start3A_303 = arith.constant 0 : i32
        %dma_start3A_304 = tpu.memref_slice %arg6[%add3A_286, %dma_start3A_298, %dma_start3A_303] : memref<32x4x128xi32, #tpu.memory_space<vmem>> -> memref<1x1x128xi32, #tpu.memory_space<vmem>>
        %dma_start3A_305 = tpu.memref_squeeze %dma_start3A_304 : memref<1x1x128xi32, #tpu.memory_space<vmem>> -> memref<128xi32, #tpu.memory_space<vmem>>
        %dma_start3A_306 = arith.constant 0 : i32
        %dma_start3A_307 = arith.constant 0 : i32
        %dma_start3A_308 = tpu.memref_slice %arg2[%dma_start3A_306, %dma_start3A_307] : memref<1000000x64xf32, #tpu.memory_space<hbm>> -> memref<1000000x64xf32, #tpu.memory_space<hbm>>
        tpu.enqueue_indirect_dma source(%dma_start3A_308 : memref<1000000x64xf32, #tpu.memory_space<hbm>>) target(%dma_start3A_302 : memref<128x64xf32, #tpu.memory_space<vmem>>) offsets(%dma_start3A_305 : memref<128xi32, #tpu.memory_space<vmem>>) semaphore(%arg10 : memref<!tpu.dma_semaphore, #tpu.memory_space<semaphore_mem>>)
        %dma_start3A_309 = arith.constant 2 : i32
        %dma_start3A_310 = arith.constant 256 : i32
        %dma_start3A_311 = arith.constant 0 : i32
        %dma_start3A_312 = tpu.memref_slice %arg7[%rem3A_197, %dma_start3A_310, %dma_start3A_311] : memref<3x512x64xf32, #tpu.memory_space<vmem>> -> memref<1x128x64xf32, #tpu.memory_space<vmem>>
        %dma_start3A_313 = tpu.memref_squeeze %dma_start3A_312 : memref<1x128x64xf32, #tpu.memory_space<vmem>> -> memref<128x64xf32, #tpu.memory_space<vmem>>
        %dma_start3A_314 = arith.constant 0 : i32
        %dma_start3A_315 = tpu.memref_slice %arg6[%add3A_286, %dma_start3A_309, %dma_start3A_314] : memref<32x4x128xi32, #tpu.memory_space<vmem>> -> memref<1x1x128xi32, #tpu.memory_space<vmem>>
        %dma_start3A_316 = tpu.memref_squeeze %dma_start3A_315 : memref<1x1x128xi32, #tpu.memory_space<vmem>> -> memref<128xi32, #tpu.memory_space<vmem>>
        %dma_start3A_317 = arith.constant 0 : i32
        %dma_start3A_318 = arith.constant 0 : i32
        %dma_start3A_319 = tpu.memref_slice %arg2[%dma_start3A_317, %dma_start3A_318] : memref<1000000x64xf32, #tpu.memory_space<hbm>> -> memref<1000000x64xf32, #tpu.memory_space<hbm>>
        tpu.enqueue_indirect_dma source(%dma_start3A_319 : memref<1000000x64xf32, #tpu.memory_space<hbm>>) target(%dma_start3A_313 : memref<128x64xf32, #tpu.memory_space<vmem>>) offsets(%dma_start3A_316 : memref<128xi32, #tpu.memory_space<vmem>>) semaphore(%arg10 : memref<!tpu.dma_semaphore, #tpu.memory_space<semaphore_mem>>)
        %dma_start3A_320 = arith.constant 3 : i32
        %dma_start3A_321 = arith.constant 384 : i32
        %dma_start3A_322 = arith.constant 0 : i32
        %dma_start3A_323 = tpu.memref_slice %arg7[%rem3A_197, %dma_start3A_321, %dma_start3A_322] : memref<3x512x64xf32, #tpu.memory_space<vmem>> -> memref<1x128x64xf32, #tpu.memory_space<vmem>>
        %dma_start3A_324 = tpu.memref_squeeze %dma_start3A_323 : memref<1x128x64xf32, #tpu.memory_space<vmem>> -> memref<128x64xf32, #tpu.memory_space<vmem>>
        %dma_start3A_325 = arith.constant 0 : i32
        %dma_start3A_326 = tpu.memref_slice %arg6[%add3A_286, %dma_start3A_320, %dma_start3A_325] : memref<32x4x128xi32, #tpu.memory_space<vmem>> -> memref<1x1x128xi32, #tpu.memory_space<vmem>>
        %dma_start3A_327 = tpu.memref_squeeze %dma_start3A_326 : memref<1x1x128xi32, #tpu.memory_space<vmem>> -> memref<128xi32, #tpu.memory_space<vmem>>
        %dma_start3A_328 = arith.constant 0 : i32
        %dma_start3A_329 = arith.constant 0 : i32
        %dma_start3A_330 = tpu.memref_slice %arg2[%dma_start3A_328, %dma_start3A_329] : memref<1000000x64xf32, #tpu.memory_space<hbm>> -> memref<1000000x64xf32, #tpu.memory_space<hbm>>
        tpu.enqueue_indirect_dma source(%dma_start3A_330 : memref<1000000x64xf32, #tpu.memory_space<hbm>>) target(%dma_start3A_324 : memref<128x64xf32, #tpu.memory_space<vmem>>) offsets(%dma_start3A_327 : memref<128xi32, #tpu.memory_space<vmem>>) semaphore(%arg10 : memref<!tpu.dma_semaphore, #tpu.memory_space<semaphore_mem>>)
      } else {
      }
    }
    %scan3A_162 = arith.constant 32 : i32
    %rem3A = arith.constant 30 : i32
    %rem3A_163 = arith.constant 2 : i32
    %rem3A_164 = arith.remsi %rem3A, %rem3A_163 : i32
    %add3A_165 = arith.constant 30 : i32
    %add3A_166 = arith.addi %mul3A_2, %add3A_165 : i32
    %dma_wait3A = arith.constant 0 : i32
    %dma_wait3A_167 = tpu.memref_slice %arg8[%rem3A_164, %dma_wait3A] : memref<2x512xf32, #tpu.memory_space<vmem>> -> memref<1x512xf32, #tpu.memory_space<vmem>>
    %dma_wait3A_168 = tpu.memref_squeeze %dma_wait3A_167 : memref<1x512xf32, #tpu.memory_space<vmem>> -> memref<512xf32, #tpu.memory_space<vmem>>
    %dma_wait3A_169 = arith.constant 0 : i32
    %dma_wait3A_170 = tpu.memref_slice %arg5[%add3A_166, %dma_wait3A_169] : memref<1024x512xf32, #tpu.memory_space<hbm>> -> memref<1x512xf32, #tpu.memory_space<hbm>>
    %dma_wait3A_171 = tpu.memref_squeeze %dma_wait3A_170 : memref<1x512xf32, #tpu.memory_space<hbm>> -> memref<512xf32, #tpu.memory_space<hbm>>
    %dma_wait3A_172 = arith.constant 0 : i32
    %dma_wait3A_173 = tpu.memref_slice %arg5[%add3A_166, %dma_wait3A_172] : memref<1024x512xf32, #tpu.memory_space<hbm>> -> memref<1x512xf32, #tpu.memory_space<hbm>>
    %dma_wait3A_174 = tpu.memref_squeeze %dma_wait3A_173 : memref<1x512xf32, #tpu.memory_space<hbm>> -> memref<512xf32, #tpu.memory_space<hbm>>
    %dma_wait3A_175 = arith.constant 0 : i32
    %dma_wait3A_176 = tpu.memref_slice %arg8[%rem3A_164, %dma_wait3A_175] : memref<2x512xf32, #tpu.memory_space<vmem>> -> memref<1x512xf32, #tpu.memory_space<vmem>>
    %dma_wait3A_177 = tpu.memref_squeeze %dma_wait3A_176 : memref<1x512xf32, #tpu.memory_space<vmem>> -> memref<512xf32, #tpu.memory_space<vmem>>
    tpu.wait_dma2 semaphore(%arg11 : memref<!tpu.dma_semaphore, #tpu.memory_space<semaphore_mem>>) src(%dma_wait3A_177 : memref<512xf32, #tpu.memory_space<vmem>>) dst(%dma_wait3A_174 : memref<512xf32, #tpu.memory_space<hbm>>)
    %rem3A_178 = arith.constant 31 : i32
    %rem3A_179 = arith.constant 2 : i32
    %rem3A_180 = arith.remsi %rem3A_178, %rem3A_179 : i32
    %add3A_181 = arith.constant 31 : i32
    %add3A_182 = arith.addi %mul3A_2, %add3A_181 : i32
    %dma_wait3A_183 = arith.constant 0 : i32
    %dma_wait3A_184 = tpu.memref_slice %arg8[%rem3A_180, %dma_wait3A_183] : memref<2x512xf32, #tpu.memory_space<vmem>> -> memref<1x512xf32, #tpu.memory_space<vmem>>
    %dma_wait3A_185 = tpu.memref_squeeze %dma_wait3A_184 : memref<1x512xf32, #tpu.memory_space<vmem>> -> memref<512xf32, #tpu.memory_space<vmem>>
    %dma_wait3A_186 = arith.constant 0 : i32
    %dma_wait3A_187 = tpu.memref_slice %arg5[%add3A_182, %dma_wait3A_186] : memref<1024x512xf32, #tpu.memory_space<hbm>> -> memref<1x512xf32, #tpu.memory_space<hbm>>
    %dma_wait3A_188 = tpu.memref_squeeze %dma_wait3A_187 : memref<1x512xf32, #tpu.memory_space<hbm>> -> memref<512xf32, #tpu.memory_space<hbm>>
    %dma_wait3A_189 = arith.constant 0 : i32
    %dma_wait3A_190 = tpu.memref_slice %arg5[%add3A_182, %dma_wait3A_189] : memref<1024x512xf32, #tpu.memory_space<hbm>> -> memref<1x512xf32, #tpu.memory_space<hbm>>
    %dma_wait3A_191 = tpu.memref_squeeze %dma_wait3A_190 : memref<1x512xf32, #tpu.memory_space<hbm>> -> memref<512xf32, #tpu.memory_space<hbm>>
    %dma_wait3A_192 = arith.constant 0 : i32
    %dma_wait3A_193 = tpu.memref_slice %arg8[%rem3A_180, %dma_wait3A_192] : memref<2x512xf32, #tpu.memory_space<vmem>> -> memref<1x512xf32, #tpu.memory_space<vmem>>
    %dma_wait3A_194 = tpu.memref_squeeze %dma_wait3A_193 : memref<1x512xf32, #tpu.memory_space<vmem>> -> memref<512xf32, #tpu.memory_space<vmem>>
    tpu.wait_dma2 semaphore(%arg11 : memref<!tpu.dma_semaphore, #tpu.memory_space<semaphore_mem>>) src(%dma_wait3A_194 : memref<512xf32, #tpu.memory_space<vmem>>) dst(%dma_wait3A_191 : memref<512xf32, #tpu.memory_space<hbm>>)
    return
  }
}

module attributes {stable_mosaic.version = 14 : i64} {
  func.func @_prep_body(%arg0: memref<1024x64xf32, #tpu.memory_space<vmem>>, %arg1: memref<1024x64xf32, #tpu.memory_space<vmem>>, %arg2: memref<1024x64xf32, #tpu.memory_space<vmem>>, %arg3: memref<1024x64xf32, #tpu.memory_space<vmem>>, %arg4: memref<1024xf32, #tpu.memory_space<vmem>>) attributes {dimension_semantics = [], scalar_prefetch = 0 : i64, scratch_operands = 0 : i64, tpu.core_type = #tpu.core_type<tc>} {
    %get3A = arith.constant 0 : index
    %get3A_0 = arith.constant 0 : index
    %get3A_1 = vector.load %arg0[%get3A, %get3A_0] : memref<1024x64xf32, #tpu.memory_space<vmem>>, vector<1024x64xf32>
    %get3A_2 = arith.constant 0 : index
    %get3A_3 = arith.constant 0 : index
    %get3A_4 = vector.load %arg1[%get3A_2, %get3A_3] : memref<1024x64xf32, #tpu.memory_space<vmem>>, vector<1024x64xf32>
    %mul3A = arith.mulf %get3A_1, %get3A_1 : vector<1024x64xf32>
    %reduce_sum3A = arith.constant dense<0.000000e+00> : vector<1024xf32>
    %reduce_sum3A_5 = vector.multi_reduction <add>, %mul3A, %reduce_sum3A [1] : vector<1024x64xf32> to vector<1024xf32>
    %broadcast_in_dim3A = vector.shape_cast %reduce_sum3A_5 : vector<1024xf32> to vector<1024x1xf32>
    %sqrt3A = math.sqrt %broadcast_in_dim3A : vector<1024x1xf32>
    %max3A = arith.constant 9.99999996E-13 : f32
    %max3A_6 = vector.broadcast %max3A : f32 to vector<1024x1xf32>
    %max3A_7 = arith.maximumf %sqrt3A, %max3A_6 : vector<1024x1xf32>
    %div3A = vector.broadcast %max3A_7 : vector<1024x1xf32> to vector<1024x64xf32>
    %div3A_8 = arith.divf %get3A_1, %div3A : vector<1024x64xf32>
    %mul3A_9 = arith.mulf %get3A_4, %get3A_4 : vector<1024x64xf32>
    %reduce_sum3A_10 = arith.constant dense<0.000000e+00> : vector<1024xf32>
    %reduce_sum3A_11 = vector.multi_reduction <add>, %mul3A_9, %reduce_sum3A_10 [1] : vector<1024x64xf32> to vector<1024xf32>
    %broadcast_in_dim3A_12 = vector.shape_cast %reduce_sum3A_11 : vector<1024xf32> to vector<1024x1xf32>
    %sqrt3A_13 = math.sqrt %broadcast_in_dim3A_12 : vector<1024x1xf32>
    %max3A_14 = arith.constant 9.99999996E-13 : f32
    %max3A_15 = vector.broadcast %max3A_14 : f32 to vector<1024x1xf32>
    %max3A_16 = arith.maximumf %sqrt3A_13, %max3A_15 : vector<1024x1xf32>
    %div3A_17 = vector.broadcast %max3A_16 : vector<1024x1xf32> to vector<1024x64xf32>
    %div3A_18 = arith.divf %get3A_4, %div3A_17 : vector<1024x64xf32>
    %swap3A = arith.constant 0 : index
    %swap3A_19 = arith.constant 0 : index
    %swap3A_20 = vector.load %arg2[%swap3A, %swap3A_19] : memref<1024x64xf32, #tpu.memory_space<vmem>>, vector<1024x64xf32>
    tpu.vector_store %arg2[%swap3A, %swap3A_19], %div3A_8 {strides = array<i32>} : memref<1024x64xf32, #tpu.memory_space<vmem>>, vector<1024x64xf32>,
    %swap3A_21 = arith.constant 0 : index
    %swap3A_22 = arith.constant 0 : index
    %swap3A_23 = vector.load %arg3[%swap3A_21, %swap3A_22] : memref<1024x64xf32, #tpu.memory_space<vmem>>, vector<1024x64xf32>
    tpu.vector_store %arg3[%swap3A_21, %swap3A_22], %div3A_18 {strides = array<i32>} : memref<1024x64xf32, #tpu.memory_space<vmem>>, vector<1024x64xf32>,
    %mul3A_24 = arith.mulf %div3A_8, %div3A_18 : vector<1024x64xf32>
    %reduce_sum3A_25 = arith.constant dense<0.000000e+00> : vector<1024xf32>
    %reduce_sum3A_26 = vector.multi_reduction <add>, %mul3A_24, %reduce_sum3A_25 [1] : vector<1024x64xf32> to vector<1024xf32>
    %div3A_27 = arith.constant 7.000000e-02 : f32
    %div3A_28 = vector.broadcast %div3A_27 : f32 to vector<1024xf32>
    %div3A_29 = arith.divf %reduce_sum3A_26, %div3A_28 : vector<1024xf32>
    %swap3A_30 = arith.constant 0 : index
    %swap3A_31 = vector.load %arg4[%swap3A_30] : memref<1024xf32, #tpu.memory_space<vmem>>, vector<1024xf32>
    tpu.vector_store %arg4[%swap3A_30], %div3A_29 {strides = array<i32>} : memref<1024xf32, #tpu.memory_space<vmem>>, vector<1024xf32>,
    return
  }
}

module attributes {stable_mosaic.version = 14 : i64} {
  func.func @_cs_body(%arg0: i32, %arg1: memref<1024xi32, #tpu.memory_space<smem>>, %arg2: memref<1024xi32, #tpu.memory_space<smem>>, %arg3: memref<1024x8x64xf32, #tpu.memory_space<vmem>>, %arg4: memref<64x32768xf32, #tpu.memory_space<vmem>>, %arg5: memref<64x32768xf32, #tpu.memory_space<vmem>>) attributes {dimension_semantics = [#tpu.dimension_semantics<arbitrary>], iteration_bounds = array<i64: 31>, scalar_prefetch = 2 : i64, scratch_operands = 0 : i64, tpu.core_type = #tpu.core_type<tc>, window_params = [{pipeline_mode = #tpu.pipeline_mode<synchronous>, transform_indices = @transform_0, window_bounds = array<i64: 1024, 8, 64>}, {transform_indices = @transform_1, window_bounds = array<i64: 64, 32768>}, {transform_indices = @transform_2, window_bounds = array<i64: 64, 32768>}]} {
    %mul3A = arith.constant 32768 : i32
    %mul3A_0 = arith.muli %arg0, %mul3A : i32
    %get3A = arith.constant 0 : index
    %get3A_1 = arith.constant 0 : index
    %get3A_2 = vector.load %arg4[%get3A, %get3A_1] : memref<64x32768xf32, #tpu.memory_space<vmem>>, vector<64x32768xf32>
    %swap3A = arith.constant 0 : index
    %swap3A_3 = arith.constant 0 : index
    %swap3A_4 = vector.load %arg5[%swap3A, %swap3A_3] : memref<64x32768xf32, #tpu.memory_space<vmem>>, vector<64x32768xf32>
    tpu.vector_store %arg5[%swap3A, %swap3A_3], %get3A_2 {strides = array<i32>} : memref<64x32768xf32, #tpu.memory_space<vmem>>, vector<64x32768xf32>,
    %scan3A = arith.constant 0 : i32
    %scan3A_5 = arith.constant 1024 : i32
    %scan3A_6 = arith.constant 0 : i32
    %scan3A_7 = arith.constant 10 : i32
    %scan3A_8 = arith.addi %scan3A_6, %scan3A_7 : i32
    %scan3A_9 = arith.constant 1 : i32
    %scan3A_10:2 = scf.for %scan3A_27 = %scan3A_6 to %scan3A_8 step %scan3A_9 iter_args(%scan3A_28 = %scan3A, %scan3A_29 = %scan3A_5) -> (i32, i32)  : i32 {
      %add3A_30 = arith.addi %scan3A_28, %scan3A_29 : i32
      %jit3A = arith.constant 2 : i32
      %div3A = arith.divsi %add3A_30, %jit3A : i32
      %sign3A = arith.constant 0 : i32
      %sign3A_31 = arith.cmpi sgt, %add3A_30, %sign3A : i32
      %sign3A_32 = arith.extui %sign3A_31 : i1 to i32
      %sign3A_33 = arith.constant 0 : i32
      %sign3A_34 = arith.cmpi slt, %add3A_30, %sign3A_33 : i32
      %sign3A_35 = arith.extui %sign3A_34 : i1 to i32
      %sign3A_36 = arith.subi %sign3A_32, %sign3A_35 : i32
      %sign3A_37 = arith.constant 0 : i32
      %sign3A_38 = arith.cmpi sgt, %jit3A, %sign3A_37 : i32
      %sign3A_39 = arith.extui %sign3A_38 : i1 to i32
      %sign3A_40 = arith.constant 0 : i32
      %sign3A_41 = arith.cmpi slt, %jit3A, %sign3A_40 : i32
      %sign3A_42 = arith.extui %sign3A_41 : i1 to i32
      %sign3A_43 = arith.subi %sign3A_39, %sign3A_42 : i32
      %ne3A = arith.cmpi ne, %sign3A_36, %sign3A_43 : i32
      %rem3A = arith.remsi %add3A_30, %jit3A : i32
      %ne3A_44 = arith.constant 0 : i32
      %ne3A_45 = arith.cmpi ne, %rem3A, %ne3A_44 : i32
      %and3A = arith.andi %ne3A, %ne3A_45 : i1
      %sub3A = arith.constant 1 : i32
      %sub3A_46 = arith.subi %div3A, %sub3A : i32
      %select_n3A = arith.select %and3A, %sub3A_46, %div3A : i32
      %get3A_47 = arith.index_cast %select_n3A : i32 to index
      %get3A_48 = memref.load %arg1[%get3A_47] : memref<1024xi32, #tpu.memory_space<smem>>
      %lt3A = arith.cmpi slt, %get3A_48, %mul3A_0 : i32
      %add3A_49 = arith.constant 1 : i32
      %add3A_50 = arith.addi %select_n3A, %add3A_49 : i32
      %select_n3A_51 = arith.select %lt3A, %add3A_50, %scan3A_28 : i32
      %select_n3A_52 = arith.select %lt3A, %scan3A_29, %select_n3A : i32
      scf.yield %select_n3A_51, %select_n3A_52 : i32, i32
    }
    %add3A = arith.constant 32768 : i32
    %add3A_11 = arith.addi %mul3A_0, %add3A : i32
    %scan3A_12 = arith.constant 0 : i32
    %scan3A_13 = arith.constant 1024 : i32
    %scan3A_14 = arith.constant 0 : i32
    %scan3A_15 = arith.constant 10 : i32
    %scan3A_16 = arith.addi %scan3A_14, %scan3A_15 : i32
    %scan3A_17 = arith.constant 1 : i32
    %scan3A_18:2 = scf.for %scan3A_27 = %scan3A_14 to %scan3A_16 step %scan3A_17 iter_args(%scan3A_28 = %scan3A_12, %scan3A_29 = %scan3A_13) -> (i32, i32)  : i32 {
      %add3A_30 = arith.addi %scan3A_28, %scan3A_29 : i32
      %jit3A = arith.constant 2 : i32
      %div3A = arith.divsi %add3A_30, %jit3A : i32
      %sign3A = arith.constant 0 : i32
      %sign3A_31 = arith.cmpi sgt, %add3A_30, %sign3A : i32
      %sign3A_32 = arith.extui %sign3A_31 : i1 to i32
      %sign3A_33 = arith.constant 0 : i32
      %sign3A_34 = arith.cmpi slt, %add3A_30, %sign3A_33 : i32
      %sign3A_35 = arith.extui %sign3A_34 : i1 to i32
      %sign3A_36 = arith.subi %sign3A_32, %sign3A_35 : i32
      %sign3A_37 = arith.constant 0 : i32
      %sign3A_38 = arith.cmpi sgt, %jit3A, %sign3A_37 : i32
      %sign3A_39 = arith.extui %sign3A_38 : i1 to i32
      %sign3A_40 = arith.constant 0 : i32
      %sign3A_41 = arith.cmpi slt, %jit3A, %sign3A_40 : i32
      %sign3A_42 = arith.extui %sign3A_41 : i1 to i32
      %sign3A_43 = arith.subi %sign3A_39, %sign3A_42 : i32
      %ne3A = arith.cmpi ne, %sign3A_36, %sign3A_43 : i32
      %rem3A = arith.remsi %add3A_30, %jit3A : i32
      %ne3A_44 = arith.constant 0 : i32
      %ne3A_45 = arith.cmpi ne, %rem3A, %ne3A_44 : i32
      %and3A = arith.andi %ne3A, %ne3A_45 : i1
      %sub3A = arith.constant 1 : i32
      %sub3A_46 = arith.subi %div3A, %sub3A : i32
      %select_n3A = arith.select %and3A, %sub3A_46, %div3A : i32
      %get3A_47 = arith.index_cast %select_n3A : i32 to index
      %get3A_48 = memref.load %arg1[%get3A_47] : memref<1024xi32, #tpu.memory_space<smem>>
      %lt3A = arith.cmpi slt, %get3A_48, %add3A_11 : i32
      %add3A_49 = arith.constant 1 : i32
      %add3A_50 = arith.addi %select_n3A, %add3A_49 : i32
      %select_n3A_51 = arith.select %lt3A, %add3A_50, %scan3A_28 : i32
      %select_n3A_52 = arith.select %lt3A, %scan3A_29, %select_n3A : i32
      scf.yield %select_n3A_51, %select_n3A_52 : i32, i32
    }
    %iota3A = tpu.iota {dimensions = array<i32: 1>} : vector<64x128xi32>
    %while3A = arith.constant 0 : i32
    %while3A_19 = arith.subi %scan3A_18#0, %scan3A_10#0 : i32
    %while3A_20 = arith.addi %scan3A_10#0, %while3A_19 : i32
    %while3A_21 = arith.constant 1 : i32
    %while3A_22 = arith.divsi %while3A_19, %while3A_21 : i32
    %while3A_23 = arith.muli %while3A_22, %while3A_21 : i32
    %while3A_24 = arith.addi %scan3A_10#0, %while3A_23 : i32
    %while3A_25 = arith.constant 1 : i32
    scf.for %while3A_27 = %scan3A_10#0 to %while3A_24 step %while3A_25  : i32 {
      %get3A_28 = arith.index_cast %while3A_27 : i32 to index
      %get3A_29 = memref.load %arg1[%get3A_28] : memref<1024xi32, #tpu.memory_space<smem>>
      %sub3A = arith.subi %get3A_29, %mul3A_0 : i32
      %jit3A = arith.constant 128 : i32
      %div3A = arith.divsi %sub3A, %jit3A : i32
      %sign3A = arith.constant 0 : i32
      %sign3A_30 = arith.cmpi sgt, %sub3A, %sign3A : i32
      %sign3A_31 = arith.extui %sign3A_30 : i1 to i32
      %sign3A_32 = arith.constant 0 : i32
      %sign3A_33 = arith.cmpi slt, %sub3A, %sign3A_32 : i32
      %sign3A_34 = arith.extui %sign3A_33 : i1 to i32
      %sign3A_35 = arith.subi %sign3A_31, %sign3A_34 : i32
      %sign3A_36 = arith.constant 0 : i32
      %sign3A_37 = arith.cmpi sgt, %jit3A, %sign3A_36 : i32
      %sign3A_38 = arith.extui %sign3A_37 : i1 to i32
      %sign3A_39 = arith.constant 0 : i32
      %sign3A_40 = arith.cmpi slt, %jit3A, %sign3A_39 : i32
      %sign3A_41 = arith.extui %sign3A_40 : i1 to i32
      %sign3A_42 = arith.subi %sign3A_38, %sign3A_41 : i32
      %ne3A = arith.cmpi ne, %sign3A_35, %sign3A_42 : i32
      %rem3A = arith.remsi %sub3A, %jit3A : i32
      %ne3A_43 = arith.constant 0 : i32
      %ne3A_44 = arith.cmpi ne, %rem3A, %ne3A_43 : i32
      %and3A = arith.andi %ne3A, %ne3A_44 : i1
      %sub3A_45 = arith.constant 1 : i32
      %sub3A_46 = arith.subi %div3A, %sub3A_45 : i32
      %select_n3A = arith.select %and3A, %sub3A_46, %div3A : i32
      %jit3A_47 = arith.constant 128 : i32
      %eq3A = arith.constant 0 : i32
      %eq3A_48 = arith.cmpi eq, %jit3A_47, %eq3A : i32
      %jit3A_49 = arith.constant 1 : i32
      %select_n3A_50 = arith.select %eq3A_48, %jit3A_49, %jit3A_47 : i32
      %rem3A_51 = arith.remsi %sub3A, %select_n3A_50 : i32
      %ne3A_52 = arith.constant 0 : i32
      %ne3A_53 = arith.cmpi ne, %rem3A_51, %ne3A_52 : i32
      %lt3A = arith.constant 0 : i32
      %lt3A_54 = arith.cmpi slt, %rem3A_51, %lt3A : i32
      %lt3A_55 = arith.constant 0 : i32
      %lt3A_56 = arith.cmpi slt, %select_n3A_50, %lt3A_55 : i32
      %ne3A_57 = arith.xori %lt3A_54, %lt3A_56 : i1
      %and3A_58 = arith.andi %ne3A_57, %ne3A_53 : i1
      %add3A_59 = arith.addi %rem3A_51, %select_n3A_50 : i32
      %select_n3A_60 = arith.select %and3A_58, %add3A_59, %rem3A_51 : i32
      %mul3A_61 = arith.constant 128 : i32
      %mul3A_62 = arith.muli %select_n3A, %mul3A_61 : i32
      %multiple_of3A = tpu.assume_multiple %mul3A_62, 128 : i32
      %eq3A_63 = vector.broadcast %select_n3A_60 : i32 to vector<64x128xi32>
      %eq3A_64 = arith.cmpi eq, %iota3A, %eq3A_63 : vector<64x128xi32>
      %get3A_65 = arith.constant 0 : index
      %get3A_66 = arith.index_cast %multiple_of3A : i32 to index
      %get3A_67 = vector.load %arg4[%get3A_65, %get3A_66] : memref<64x32768xf32, #tpu.memory_space<vmem>>, vector<64x128xf32>
      %jit3A_68 = arith.constant 0.000000e+00 : f32
      %broadcast_in_dim3A = vector.broadcast %jit3A_68 : f32 to vector<64x128xf32>
      %select_n3A_69 = arith.select %eq3A_64, %get3A_67, %broadcast_in_dim3A : vector<64x128xi1>, vector<64x128xf32>
      %reduce_sum3A = arith.constant dense<0.000000e+00> : vector<64xf32>
      %reduce_sum3A_70 = vector.multi_reduction <add>, %select_n3A_69, %reduce_sum3A [1] : vector<64x128xf32> to vector<64xf32>
      %get3A_71 = arith.index_cast %while3A_27 : i32 to index
      %get3A_72 = memref.load %arg2[%get3A_71] : memref<1024xi32, #tpu.memory_space<smem>>
      %get3A_73 = arith.index_cast %get3A_72 : i32 to index
      %get3A_74 = arith.constant 0 : index
      %get3A_75 = arith.constant 0 : index
      %get3A_76 = vector.load %arg3[%get3A_73, %get3A_74, %get3A_75] : memref<1024x8x64xf32, #tpu.memory_space<vmem>>, vector<1x1x64xf32>
      %get3A_77 = vector.shape_cast %get3A_76 : vector<1x1x64xf32> to vector<64xf32>
      %mul3A_78 = arith.constant 5.000000e-01 : f32
      %mul3A_79 = vector.broadcast %mul3A_78 : f32 to vector<64xf32>
      %mul3A_80 = arith.mulf %mul3A_79, %reduce_sum3A_70 : vector<64xf32>
      %mul3A_81 = arith.constant 5.000000e-01 : f32
      %mul3A_82 = vector.broadcast %mul3A_81 : f32 to vector<64xf32>
      %mul3A_83 = arith.mulf %mul3A_82, %get3A_77 : vector<64xf32>
      %add3A_84 = arith.addf %mul3A_80, %mul3A_83 : vector<64xf32>
      %mul3A_85 = arith.mulf %add3A_84, %add3A_84 : vector<64xf32>
      %reduce_sum3A_86 = vector.shape_cast %mul3A_85 : vector<64xf32> to vector<1x64xf32>
      %reduce_sum3A_87 = arith.constant dense<0.000000e+00> : vector<1xf32>
      %reduce_sum3A_88 = vector.multi_reduction <add>, %reduce_sum3A_86, %reduce_sum3A_87 [1] : vector<1x64xf32> to vector<1xf32>
      %reduce_sum3A_89 = vector.shape_cast %reduce_sum3A_88 : vector<1xf32> to vector<1x1xf32>
      %reduce_sum3A_90 = vector.extract %reduce_sum3A_89[0, 0] : f32 from vector<1x1xf32>
      %sqrt3A = math.sqrt %reduce_sum3A_90 : f32
      %max3A = arith.constant 9.99999996E-13 : f32
      %max3A_91 = arith.maximumf %sqrt3A, %max3A : f32
      %div3A_92 = vector.broadcast %max3A_91 : f32 to vector<64xf32>
      %div3A_93 = arith.divf %add3A_84, %div3A_92 : vector<64xf32>
      %get3A_94 = arith.constant 0 : index
      %get3A_95 = arith.index_cast %multiple_of3A : i32 to index
      %get3A_96 = vector.load %arg5[%get3A_94, %get3A_95] : memref<64x32768xf32, #tpu.memory_space<vmem>>, vector<64x128xf32>
      %broadcast_in_dim3A_97 = vector.shape_cast %div3A_93 : vector<64xf32> to vector<64x1xf32>
      %broadcast_in_dim3A_98 = vector.shape_cast %broadcast_in_dim3A_97 : vector<64x1xf32> to vector<64x1xf32>
      %broadcast_in_dim3A_99 = vector.broadcast %broadcast_in_dim3A_98 : vector<64x1xf32> to vector<64x128xf32>
      %select_n3A_100 = arith.select %eq3A_64, %broadcast_in_dim3A_99, %get3A_96 : vector<64x128xi1>, vector<64x128xf32>
      %swap3A_101 = arith.constant 0 : index
      %swap3A_102 = arith.index_cast %multiple_of3A : i32 to index
      %swap3A_103 = vector.load %arg5[%swap3A_101, %swap3A_102] : memref<64x32768xf32, #tpu.memory_space<vmem>>, vector<64x128xf32>
      tpu.vector_store %arg5[%swap3A_101, %swap3A_102], %select_n3A_100 {strides = array<i32>} : memref<64x32768xf32, #tpu.memory_space<vmem>>, vector<64x128xf32>,
    }
    %while3A_26 = arith.constant 1 : i32
    scf.for %while3A_27 = %while3A_24 to %while3A_20 step %while3A_26  : i32 {
      %get3A_28 = arith.index_cast %while3A_27 : i32 to index
      %get3A_29 = memref.load %arg1[%get3A_28] : memref<1024xi32, #tpu.memory_space<smem>>
      %sub3A = arith.subi %get3A_29, %mul3A_0 : i32
      %jit3A = arith.constant 128 : i32
      %div3A = arith.divsi %sub3A, %jit3A : i32
      %sign3A = arith.constant 0 : i32
      %sign3A_30 = arith.cmpi sgt, %sub3A, %sign3A : i32
      %sign3A_31 = arith.extui %sign3A_30 : i1 to i32
      %sign3A_32 = arith.constant 0 : i32
      %sign3A_33 = arith.cmpi slt, %sub3A, %sign3A_32 : i32
      %sign3A_34 = arith.extui %sign3A_33 : i1 to i32
      %sign3A_35 = arith.subi %sign3A_31, %sign3A_34 : i32
      %sign3A_36 = arith.constant 0 : i32
      %sign3A_37 = arith.cmpi sgt, %jit3A, %sign3A_36 : i32
      %sign3A_38 = arith.extui %sign3A_37 : i1 to i32
      %sign3A_39 = arith.constant 0 : i32
      %sign3A_40 = arith.cmpi slt, %jit3A, %sign3A_39 : i32
      %sign3A_41 = arith.extui %sign3A_40 : i1 to i32
      %sign3A_42 = arith.subi %sign3A_38, %sign3A_41 : i32
      %ne3A = arith.cmpi ne, %sign3A_35, %sign3A_42 : i32
      %rem3A = arith.remsi %sub3A, %jit3A : i32
      %ne3A_43 = arith.constant 0 : i32
      %ne3A_44 = arith.cmpi ne, %rem3A, %ne3A_43 : i32
      %and3A = arith.andi %ne3A, %ne3A_44 : i1
      %sub3A_45 = arith.constant 1 : i32
      %sub3A_46 = arith.subi %div3A, %sub3A_45 : i32
      %select_n3A = arith.select %and3A, %sub3A_46, %div3A : i32
      %jit3A_47 = arith.constant 128 : i32
      %eq3A = arith.constant 0 : i32
      %eq3A_48 = arith.cmpi eq, %jit3A_47, %eq3A : i32
      %jit3A_49 = arith.constant 1 : i32
      %select_n3A_50 = arith.select %eq3A_48, %jit3A_49, %jit3A_47 : i32
      %rem3A_51 = arith.remsi %sub3A, %select_n3A_50 : i32
      %ne3A_52 = arith.constant 0 : i32
      %ne3A_53 = arith.cmpi ne, %rem3A_51, %ne3A_52 : i32
      %lt3A = arith.constant 0 : i32
      %lt3A_54 = arith.cmpi slt, %rem3A_51, %lt3A : i32
      %lt3A_55 = arith.constant 0 : i32
      %lt3A_56 = arith.cmpi slt, %select_n3A_50, %lt3A_55 : i32
      %ne3A_57 = arith.xori %lt3A_54, %lt3A_56 : i1
      %and3A_58 = arith.andi %ne3A_57, %ne3A_53 : i1
      %add3A_59 = arith.addi %rem3A_51, %select_n3A_50 : i32
      %select_n3A_60 = arith.select %and3A_58, %add3A_59, %rem3A_51 : i32
      %mul3A_61 = arith.constant 128 : i32
      %mul3A_62 = arith.muli %select_n3A, %mul3A_61 : i32
      %multiple_of3A = tpu.assume_multiple %mul3A_62, 128 : i32
      %eq3A_63 = vector.broadcast %select_n3A_60 : i32 to vector<64x128xi32>
      %eq3A_64 = arith.cmpi eq, %iota3A, %eq3A_63 : vector<64x128xi32>
      %get3A_65 = arith.constant 0 : index
      %get3A_66 = arith.index_cast %multiple_of3A : i32 to index
      %get3A_67 = vector.load %arg4[%get3A_65, %get3A_66] : memref<64x32768xf32, #tpu.memory_space<vmem>>, vector<64x128xf32>
      %jit3A_68 = arith.constant 0.000000e+00 : f32
      %broadcast_in_dim3A = vector.broadcast %jit3A_68 : f32 to vector<64x128xf32>
      %select_n3A_69 = arith.select %eq3A_64, %get3A_67, %broadcast_in_dim3A : vector<64x128xi1>, vector<64x128xf32>
      %reduce_sum3A = arith.constant dense<0.000000e+00> : vector<64xf32>
      %reduce_sum3A_70 = vector.multi_reduction <add>, %select_n3A_69, %reduce_sum3A [1] : vector<64x128xf32> to vector<64xf32>
      %get3A_71 = arith.index_cast %while3A_27 : i32 to index
      %get3A_72 = memref.load %arg2[%get3A_71] : memref<1024xi32, #tpu.memory_space<smem>>
      %get3A_73 = arith.index_cast %get3A_72 : i32 to index
      %get3A_74 = arith.constant 0 : index
      %get3A_75 = arith.constant 0 : index
      %get3A_76 = vector.load %arg3[%get3A_73, %get3A_74, %get3A_75] : memref<1024x8x64xf32, #tpu.memory_space<vmem>>, vector<1x1x64xf32>
      %get3A_77 = vector.shape_cast %get3A_76 : vector<1x1x64xf32> to vector<64xf32>
      %mul3A_78 = arith.constant 5.000000e-01 : f32
      %mul3A_79 = vector.broadcast %mul3A_78 : f32 to vector<64xf32>
      %mul3A_80 = arith.mulf %mul3A_79, %reduce_sum3A_70 : vector<64xf32>
      %mul3A_81 = arith.constant 5.000000e-01 : f32
      %mul3A_82 = vector.broadcast %mul3A_81 : f32 to vector<64xf32>
      %mul3A_83 = arith.mulf %mul3A_82, %get3A_77 : vector<64xf32>
      %add3A_84 = arith.addf %mul3A_80, %mul3A_83 : vector<64xf32>
      %mul3A_85 = arith.mulf %add3A_84, %add3A_84 : vector<64xf32>
      %reduce_sum3A_86 = vector.shape_cast %mul3A_85 : vector<64xf32> to vector<1x64xf32>
      %reduce_sum3A_87 = arith.constant dense<0.000000e+00> : vector<1xf32>
      %reduce_sum3A_88 = vector.multi_reduction <add>, %reduce_sum3A_86, %reduce_sum3A_87 [1] : vector<1x64xf32> to vector<1xf32>
      %reduce_sum3A_89 = vector.shape_cast %reduce_sum3A_88 : vector<1xf32> to vector<1x1xf32>
      %reduce_sum3A_90 = vector.extract %reduce_sum3A_89[0, 0] : f32 from vector<1x1xf32>
      %sqrt3A = math.sqrt %reduce_sum3A_90 : f32
      %max3A = arith.constant 9.99999996E-13 : f32
      %max3A_91 = arith.maximumf %sqrt3A, %max3A : f32
      %div3A_92 = vector.broadcast %max3A_91 : f32 to vector<64xf32>
      %div3A_93 = arith.divf %add3A_84, %div3A_92 : vector<64xf32>
      %get3A_94 = arith.constant 0 : index
      %get3A_95 = arith.index_cast %multiple_of3A : i32 to index
      %get3A_96 = vector.load %arg5[%get3A_94, %get3A_95] : memref<64x32768xf32, #tpu.memory_space<vmem>>, vector<64x128xf32>
      %broadcast_in_dim3A_97 = vector.shape_cast %div3A_93 : vector<64xf32> to vector<64x1xf32>
      %broadcast_in_dim3A_98 = vector.shape_cast %broadcast_in_dim3A_97 : vector<64x1xf32> to vector<64x1xf32>
      %broadcast_in_dim3A_99 = vector.broadcast %broadcast_in_dim3A_98 : vector<64x1xf32> to vector<64x128xf32>
      %select_n3A_100 = arith.select %eq3A_64, %broadcast_in_dim3A_99, %get3A_96 : vector<64x128xi1>, vector<64x128xf32>
      %swap3A_101 = arith.constant 0 : index
      %swap3A_102 = arith.index_cast %multiple_of3A : i32 to index
      %swap3A_103 = vector.load %arg5[%swap3A_101, %swap3A_102] : memref<64x32768xf32, #tpu.memory_space<vmem>>, vector<64x128xf32>
      tpu.vector_store %arg5[%swap3A_101, %swap3A_102], %select_n3A_100 {strides = array<i32>} : memref<64x32768xf32, #tpu.memory_space<vmem>>, vector<64x128xf32>,
    }
    return
  }
  func.func @transform_0(%arg0: i32, %arg1: memref<1024xi32, #tpu.memory_space<smem>>, %arg2: memref<1024xi32, #tpu.memory_space<smem>>) -> (i32, i32, i32) {
    %c0_i32 = arith.constant 0 : i32
    %c0_i32_0 = arith.constant 0 : i32
    %c0_i32_1 = arith.constant 0 : i32
    %c0_i32_2 = arith.constant 0 : i32
    return %c0_i32, %c0_i32_0, %c0_i32_1 : i32, i32, i32
  }
  func.func @transform_1(%arg0: i32, %arg1: memref<1024xi32, #tpu.memory_space<smem>>, %arg2: memref<1024xi32, #tpu.memory_space<smem>>) -> (i32, i32) {
    %c0_i32 = arith.constant 0 : i32
    %c0_i32_0 = arith.constant 0 : i32
    return %c0_i32, %arg0 : i32, i32
  }
  func.func @transform_2(%arg0: i32, %arg1: memref<1024xi32, #tpu.memory_space<smem>>, %arg2: memref<1024xi32, #tpu.memory_space<smem>>) -> (i32, i32) {
    %c0_i32 = arith.constant 0 : i32
    %c0_i32_0 = arith.constant 0 : i32
    return %c0_i32, %arg0 : i32, i32
  }
}

module attributes {stable_mosaic.version = 14 : i64} {
  func.func @_loss_body(%arg0: memref<1024xf32, #tpu.memory_space<vmem>>, %arg1: memref<1024x512xf32, #tpu.memory_space<vmem>>, %arg2: memref<1x1xf32, #tpu.memory_space<vmem>>) attributes {dimension_semantics = [], scalar_prefetch = 0 : i64, scratch_operands = 0 : i64, tpu.core_type = #tpu.core_type<tc>} {
    %get3A = arith.constant 0 : index
    %get3A_0 = vector.load %arg0[%get3A] : memref<1024xf32, #tpu.memory_space<vmem>>, vector<1024xf32>
    %get3A_1 = arith.constant 0 : index
    %get3A_2 = arith.constant 0 : index
    %get3A_3 = vector.load %arg1[%get3A_1, %get3A_2] : memref<1024x512xf32, #tpu.memory_space<vmem>>, vector<1024x512xf32>
    %reduce_max3A = arith.constant dense<0xFF800000> : vector<1024xf32>
    %reduce_max3A_4 = vector.multi_reduction <maximumf>, %get3A_3, %reduce_max3A [1] : vector<1024x512xf32> to vector<1024xf32>
    %max3A = arith.maximumf %reduce_max3A_4, %get3A_0 : vector<1024xf32>
    %sub3A = arith.subf %get3A_0, %max3A : vector<1024xf32>
    %exp3A = math.exp %sub3A : vector<1024xf32>
    %broadcast_in_dim3A = vector.shape_cast %max3A : vector<1024xf32> to vector<1024x1xf32>
    %sub3A_5 = vector.broadcast %broadcast_in_dim3A : vector<1024x1xf32> to vector<1024x512xf32>
    %sub3A_6 = arith.subf %get3A_3, %sub3A_5 : vector<1024x512xf32>
    %exp3A_7 = math.exp %sub3A_6 : vector<1024x512xf32>
    %reduce_sum3A = arith.constant dense<0.000000e+00> : vector<1024xf32>
    %reduce_sum3A_8 = vector.multi_reduction <add>, %exp3A_7, %reduce_sum3A [1] : vector<1024x512xf32> to vector<1024xf32>
    %add3A = arith.addf %exp3A, %reduce_sum3A_8 : vector<1024xf32>
    %log3A = math.log %add3A : vector<1024xf32>
    %add3A_9 = arith.addf %log3A, %max3A : vector<1024xf32>
    %sub3A_10 = arith.subf %add3A_9, %get3A_0 : vector<1024xf32>
    %reduce_sum3A_11 = vector.shape_cast %sub3A_10 : vector<1024xf32> to vector<1x1024xf32>
    %reduce_sum3A_12 = arith.constant dense<0.000000e+00> : vector<1xf32>
    %reduce_sum3A_13 = vector.multi_reduction <add>, %reduce_sum3A_11, %reduce_sum3A_12 [1] : vector<1x1024xf32> to vector<1xf32>
    %reduce_sum3A_14 = vector.shape_cast %reduce_sum3A_13 : vector<1xf32> to vector<1x1xf32>
    %reduce_sum3A_15 = vector.extract %reduce_sum3A_14[0, 0] : f32 from vector<1x1xf32>
    %div3A = arith.constant 1.024000e+03 : f32
    %div3A_16 = arith.divf %reduce_sum3A_15, %div3A : f32
    %reshape3A = vector.broadcast %div3A_16 : f32 to vector<1x1xf32>
    %swap3A = arith.constant 0 : index
    %swap3A_17 = arith.constant 0 : index
    %swap3A_18 = vector.load %arg2[%swap3A, %swap3A_17] : memref<1x1xf32, #tpu.memory_space<vmem>>, vector<1x1xf32>
    tpu.vector_store %arg2[%swap3A, %swap3A_17], %reshape3A {strides = array<i32>} : memref<1x1xf32, #tpu.memory_space<vmem>>, vector<1x1xf32>,
    return
  }
}

</mosaic_0001>

<sc_bundles>
// kernel: kernel.6.cloned.1.call-start
scs
__scs_entry_jumppad:
0x0: {  	(pc) =	sbr.rel $0x88, $3  }
0x1: {  	(tag) =	ssettag $0x0;
	lr =	simm.s32 $0x1  }
0x2: {  	[smem:$0x3F9D] =	sst lr;
	_ =	strace $0xD0000000  }
0x3: {  	_ = 	snop  }
0x4: {  	_ = 	snop  }
0x5: {  	_ = 	snop  }
0x6: {  	_ = 	snop  }
0x7: {  	_ = 	snop  }
__scs_overlays_trampoline_lowered:
0x8: {  	[smem:$0x3FAC] =	sst s0  }
0x9: {  	[smem:$0x3FAD] =	sst s1  }
0xa: {  	[smem:$0x3FAE] =	sst s2  }
0xb: {  	[smem:$0x3FAF] =	sst s3  }
0xc: {  	[smem:$0x3FB0] =	sst s4  }
0xd: {  	[smem:$0x3FB1] =	sst s5  }
0xe: {  	[smem:$0x3FB2] =	sst s6  }
0xf: {  	[smem:$0x3FB3] =	sst s7  }
0x10: {  	[smem:$0x3FB4] =	sst s8  }
0x11: {  	[smem:$0x3FB5] =	sst s9;
	s0 =	simm.s32 @!p0 $0x0  }
0x12: {  	s1 =	sld [smem:$0x3F9B];
	s0 =	simm.s32 @p0 $0x1  }
0x13: {  	[smem:$0x3FB6] =	sst s0;
	s0 =	simm.s32 @!p1 $0x0  }
0x14: {  	s2 =	sld [smem:$0x3F9A];
	s0 =	simm.s32 @p1 $0x1  }
0x15: {  	[smem:$0x3FB7] =	sst s0;
	s0 =	simm.s32 @!p2 $0x0  }
0x16: {  	s3 =	sld [smem:$0x3FDB];
	s0 =	simm.s32 @p2 $0x1  }
0x17: {  	s4 =	simm.s32 $0x1BF5;
	[smem:$0x3FB9] =	sst s0  }
0x18: {  	s0 =	sld [smem:$0x3F9C];
	_ =	swait.ge [sflag:s4], $0x0  }
0x19: {  	s7 =	sld [smem:$0x3F9D]  }
0x1a: {  	s8 =	sadd.s32 $0xFFFFE003, lr  }
0x1b: {  	s9 =	sadd.s32 $0xFFFFFEF7, lr;
	s5 =	simm.s32 $0xFFFFFFFF;
	p2 =	slt.u32 s8, $0xFFFFF086  }
0x1c: {  	p1 =	slt.u32 s9, $0xF7A;
	s5 =	simm.s32 @!p2 $0x0  }
0x1d: {  	s5 =	simm.s32 @p1 $0x1;
	p0 =	seq.s32 s7, s2  }
0x1e: {  	s7 =	smul.u32 @!p0 $0xF7A, s2;
	p2 =	seq.s32 @!p0 s5, $0x0  }
0x1f: {  	s9 =	smul.u32 $0xF7A, s1;
	s8 =	simm.s32 @!p0 $0x1BF5;
	p2 =	por !p2, p0  }
0x20: {  	[sflag:s8] =	ssyncset.s32 @!p0 $0xFFFFF086;
	s6 =	sadd.s32 @!p0 s3, s7;
	s7 =	simm.s32 @!p0 $0x108  }
0x21: {  	s3 =	sadd.s32 s3, s9;
	s6 =	sadd.s32 @!p0 $0x88, s6;
	s7 =	simm.s32 @p2 $0x1082  }
0x22: {  	[simem:s7], [sflag:s8] =	dma.local @!p0 [hbm:s6], $0xF7A  }
0x23: {  	s9 =	sor.u32 $0xD0000000, s2;
	s6 =	simm.s32 $0x108;
	_ =	swait.ge @!p0 [sflag:s8], $0x0  }
0x24: {  	s3 =	sadd.s32 $0x88, s3;
	s6 =	simm.s32 @!p1 $0x1082;
	[sflag:s4] =	ssyncset.s32 $0xFFFFF086  }
0x25: {  	[simem:s6], [sflag:s4] =	dma.local [hbm:s3], $0xF7A  }
0x26: {  	[smem:$0x3F9D] =	sst s1;
	(tag) =	ssettag s2;
	_ =	strace s9  }
0x27: {  	s1 =	sld [smem:$0x3FAD]  }
0x28: {  	s2 =	sld [smem:$0x3FAE]  }
0x29: {  	s4 =	sld [smem:$0x3FB0]  }
0x2a: {  	p0 =	seq.s32 s5, $0x0;
	s5 =	sld [smem:$0x3FB1]  }
0x2b: {  	s6 =	sld [smem:$0x3FB2]  }
0x2c: {  	s7 =	sld [smem:$0x3FB3]  }
0x2d: {  	s3 =	simm.s32 $0x108;
	s8 =	sld [smem:$0x3FB4]  }
0x2e: {  	s3 =	simm.s32 @!p0 $0x1082;
	s9 =	sld [smem:$0x3FB5]  }
0x2f: {  	lr =	sadd.s32 s0, s3;
	s0 =	sld [smem:$0x3FAC]  }
0x30: {  	s3 =	sld [smem:$0x3FAF]  }
0x31: {  	[smem:$0x3FB8] =	sst s10  }
0x32: {  	s10 =	sld [smem:$0x3FB6];
	_ =	sdelay $0x3  }
0x33: {  	p0 =	seq.s32 s10, $0x1;
	s10 =	sld [smem:$0x3FB8];
	_ =	sdelay $0x3  }
0x34: {  	[smem:$0x3FB8] =	sst s10  }
0x35: {  	s10 =	sld [smem:$0x3FB7];
	_ =	sdelay $0x3  }
0x36: {  	p1 =	seq.s32 s10, $0x1;
	s10 =	sld [smem:$0x3FB8];
	_ =	sdelay $0x3  }
0x37: {  	[smem:$0x3FB8] =	sst s10  }
0x38: {  	s10 =	sld [smem:$0x3FB9]  }
0x39: {  	_ = 	snop;
	(pc) =	sbr.ind lr, $3  }
0x3a: {  	_ = 	snop  }
0x3b: {  	_ = 	snop  }
0x3c: {  	p2 =	seq.s32 s10, $0x1;
	s10 =	sld [smem:$0x3FB8]  }
0x3d: {  	_ =	shalt  }
0x3e: {  	_ =	shalt  }
0x3f: {  	_ =	shalt  }
0x40: {  	_ =	shalt  }
0x41: {  	_ =	shalt  }
0x42: {  	_ =	shalt  }
0x43: {  	_ =	shalt  }
0x44: {  	_ =	shalt  }
0x45: {  	_ =	shalt  }
0x46: {  	_ =	shalt  }
0x47: {  	_ =	shalt  }
0x48: {  	_ =	shalt  }
0x49: {  	_ =	shalt  }
0x4a: {  	_ =	shalt  }
0x4b: {  	_ =	shalt  }
0x4c: {  	_ =	shalt  }
0x4d: {  	_ =	shalt  }
0x4e: {  	_ =	shalt  }
0x4f: {  	_ =	shalt  }
0x50: {  	_ =	shalt  }
0x51: {  	_ =	shalt  }
0x52: {  	_ =	shalt  }
0x53: {  	_ =	shalt  }
0x54: {  	_ =	shalt  }
0x55: {  	_ =	shalt  }
0x56: {  	_ =	shalt  }
0x57: {  	_ =	shalt  }
0x58: {  	_ =	shalt  }
0x59: {  	_ =	shalt  }
0x5a: {  	_ =	shalt  }
0x5b: {  	_ =	shalt  }
0x5c: {  	_ =	shalt  }
0x5d: {  	_ =	shalt  }
0x5e: {  	_ =	shalt  }
0x5f: {  	_ =	shalt  }
0x60: {  	_ =	shalt  }
0x61: {  	_ =	shalt  }
0x62: {  	_ =	shalt  }
0x63: {  	_ =	shalt  }
0x64: {  	_ =	shalt  }
0x65: {  	_ =	shalt  }
0x66: {  	_ =	shalt  }
0x67: {  	_ =	shalt  }
0x68: {  	_ =	shalt  }
0x69: {  	_ =	shalt  }
0x6a: {  	_ =	shalt  }
0x6b: {  	_ =	shalt  }
0x6c: {  	_ =	shalt  }
0x6d: {  	_ =	shalt  }
0x6e: {  	_ =	shalt  }
0x6f: {  	_ =	shalt  }
0x70: {  	_ =	shalt  }
0x71: {  	_ =	shalt  }
0x72: {  	_ =	shalt  }
0x73: {  	_ =	shalt  }
0x74: {  	_ =	shalt  }
0x75: {  	_ =	shalt  }
0x76: {  	_ =	shalt  }
0x77: {  	_ =	shalt  }
0x78: {  	_ =	shalt  }
0x79: {  	_ =	shalt  }
0x7a: {  	_ =	shalt  }
0x7b: {  	_ =	shalt  }
0x7c: {  	_ =	shalt  }
0x7d: {  	_ =	shalt  }
0x7e: {  	_ =	shalt  }
0x7f: {  	_ =	shalt  }
0x80: {  	_ =	shalt  }
0x81: {  	_ =	shalt  }
0x82: {  	_ =	shalt  }
0x83: {  	_ =	shalt  }
0x84: {  	_ =	shalt  }
0x85: {  	_ =	shalt  }
0x86: {  	_ =	shalt  }
0x87: {  	_ =	shalt  }
.Lfunc_end0:
.L_simem_size_0:
called_computation_lowered:
.L_overlay_start_0:
0x88: {  	s2 =	sld [smem:$0x3FD9]  }
0x89: {  	s3 =	sld [smem:$0x3FFE];
	_ =	sdelay $0x1  }
0x8a: {  	s1 =	srdreg.scid  }
0x8b: {  	s0 =	sand.u32 $0x1, s1  }
0x8c: {  	s16 =	sshll.u32 s0, $0xA;
	s2 =	sadd.s32 s3, s2  }
0x8d: {  	s2 =	sadd.s32 s2, s16  }
0x8e: {  	[smem:$0x3FC4] =	sst s2  }
0x8f: {  	_ = 	snop  }
0x90: {  	(tm) =	ssettm $0x1  }
0x91: {  	s17 =	sld [smem:$0x3FFB];
	_ =	sdelay $0x3  }
0x92: {  	_ =	strace s17  }
0x93: {  	s2 =	sld [smem:$0x3FFC];
	_ =	sdelay $0x3  }
0x94: {  	_ =	strace s2  }
0x95: {  	s2 =	sld [smem:$0x3FFD];
	_ =	sdelay $0x3  }
0x96: {  	_ =	strace s2  }
0x97: {  	_ =	strace $0x8FFFFFFF  }
0x98: {  	s18 =	sld [smem:$0x3FDB];
	_ =	sdelay $0x1  }
0x99: {  	s19 =	simm.s32 $_scs_section_size  }
0x9a: {  	s4 =	simm.s32 $_size__tile_overlayer_lowered;
	s5 =	simm.s32 $_tile_overlayer_lowered  }
0x9b: {  	s22 =	simm.s32 $0x1BFF;
	s21 =	sshll.u32 s5, $0x1;
	s2 =	sadd.s32 s19, s18  }
0x9c: {  	s6 =	simm.s32 $0x0;
	s20 =	sshll.u32 s4, $0x1;
	s4 =	sadd.s32 s21, s2  }
0x9d: {  	[timem:s6], [sflag:s22] =	dma.local [hbm:s4], s20  }
0x9e: {  	_ =	swait.ge [sflag:s22], s20  }
0x9f: {  	s3 =	ssub.s32 $0x0, s20;
	[sflag:s22] =	ssyncset.done $0x0  }
0xa0: {  	[sflag:s22] =	ssyncadd.s32 s3;
	_ =	sdelay $0x1  }
0xa1: {  	s23 =	simm.s32 $0x1B8B  }
0xa2: {  	_ =	swait.ge [sflag:s23], $0x1  }
0xa3: {  	[sflag:s23] =	ssyncset.done $0x0  }
0xa4: {  	s25 =	simm.s32 $0x1B8E;
	s24 =	sld [smem:$0x3FFE];
	[sflag:s23] =	ssyncadd.s32 $0xFFFFFFFF  }
0xa5: {  	s26 =	simm.s32 $execute0_lowered;
	[smem:$0x3FD2] =	sst s25  }
0xa6: {  	s4 =	sshll.u32 s26, $0x1;
	_ =	strace $0x80000046;
	[dreg:$0x1] =	wrdreg $0xFFFFFFFF  }
0xa7: {  	s28 =	simm.s32 $_size_execute0_lowered;
	s2 =	sadd.s32 s2, s4;
	[dreg:$0x0] =	wrdreg $0x0  }
0xa8: {  	s4 =	sshll.u32 s28, $0x1;
	[dreg:$0x2] =	wrdreg s2  }
0xa9: {  	[dreg:$0x3] =	wrdreg s4  }
0xaa: {  	[dreg:$0x4] =	wrdreg $0xC0  }
0xab: {  	_ =	task [dreg:s6], $0x5FFFF  }
0xac: {  	[dreg:$0x1] =	wrdreg $0xFFFFFFFF  }
0xad: {  	[dreg:$0x0] =	wrdreg $0x60  }
0xae: {  	[dreg:$0x2] =	wrdreg s24  }
0xaf: {  	[dreg:$0x3] =	wrdreg $0x9  }
0xb0: {  	_ =	task.clear_ibuf [dreg:s6], $0x4FFFF;
	_ =	strace $0x90000046  }
0xb1: {  	s29 =	simm.s32 $0x9;
	_ =	strace $0x80000048  }
0xb2: {  	_ =	swait.ge [sflag:s29], $0x1  }
0xb3: {  	[sflag:s29] =	ssyncadd.s32 $0xFFFFFFFF  }
0xb4: {  	_ =	strace $0x90000048  }
0xb5: {  	_ =	sfence  }
0xb6: {  	s30 =	sld [smem:$0x0];
	_ =	sdelay $0x2  }
0xb7: {  	s31 =	sshll.u32 s1, $0xD;
	s1 =	sshrl.u32 s1, $0x2  }
0xb8: {  	s3 =	sand.u32 $0x4000, s31;
	s1 =	sadd.s32 s1, s30  }
0xb9: {  	s0 =	sor.u32 s3, s0;
	s1 =	sshll.u32 s1, $0x11  }
0xba: {  	s0 =	sor.u32 s1, s0  }
0xbb: {  	s0 =	sadd.s32 $0x8F2B, s0  }
0xbc: {  	[sflag:s0] =	ssyncadd.remote.s32 $0x1  }
0xbd: {  	_ =	sfence.sel $0xFFFF  }
0xbe: {  	[dreg:$0x0] =	wrdreg $0xFFFFFFFF;
	(pc) =	sbr.abs _section_cstart, $3  }
0xbf: {  	[dreg:$0x1] =	wrdreg $0xFFFFFFFF  }
0xc0: {  	_ =	task.clear_ibuf [dreg:s6], $0x2FFFF;
	_ =	strace $0x9FFFFFFF  }
0xc1: {  	(tm) =	ssettm $0x7FFFFFFF  }
tec
execute0_lowered:
.L_overlay_start_1:
0x0: {  	(tag) =	ssettag $0x1  }
0x1: {  	s0 =	rddreg [dreg:$0x0];
	s1 =	srdreg.scid;
	s2 =	simm.s32 $0x0  }
0x2: {  	s3 =	stileid.u32;
	s10 =	simm.s32 $0x3;
	s11 =	simm.s32 $0x80  }
0x3: {  	s12 =	simm.s32 $0x4000;
	s24 =	simm.s32 $0x380;
	s25 =	simm.s32 $0x12000  }
0x4: {  	s28 =	simm.s32 $0x14000;
	s29 =	simm.s32 $0x480;
	s30 =	simm.s32 $0x16000  }
0x5: {  	s31 =	simm.s32 $0x500;
	s9 =	simm.s32 $0x1A000;
	s13 =	simm.s32 $0x1  }
0x6: {  	s14 =	simm.s32 $0x2;
	s15 =	simm.s32 $0x0;
	s23 =	simm.s32 $0x20  }
0x7: {  	s1 =	sand.u32 $0x1, s1;
	[smem:$0x7FF] =	sst s2;
	s4 =	sshll.u32 s3, $0x6  }
0x8: {  	s3 =	sadd.s32 $0xF48200, s0;
	s5 =	sshll.u32 s1, $0x5;
	s1 =	ssub.s32 $0x2, s1  }
0x9: {  	_ =	strace $0x80000047;
	s4 =	sor.u32 s5, s4;
	s8 =	sshrl.u32 s1, $0x1  }
0xa: {  	v0 =	vlaneseq.u32;
	s5 =	sshll.u32 s4, $0x6;
	s6 =	sshll.u32 s4, $0x3;
	s26 =	ssub.s32 s1, s8  }
0xb: {  	v10 =	vmul.u32 $0x40, v0;
	s1 =	simm.s32 $0x580;
	s7 =	sadd.s32 s5, s0;
	s6 =	sadd.s32 s6, s0  }
0xc: {  	s5 =	sadd.s32 $0x15E00, s0;
	s8 =	smax.u32 s26, $0x1;
	s26 =	simm.s32 $0x400  }
0xd: {  	[tilespmem:$0x1FFF0] =	vst v10;
	s0 =	simm.s32 $0x18000;
	s6 =	sadd.s32 $0x1600, s6;
	s7 =	sadd.s32 $0x5E00, s7  }
.LBB2_1:
0xe: {  	s16 =	simm.s32 $0x1C400  }
0xf: {  	[tilespmem:s16], [sflag:$0x3] =	stream.linear.gather [hbm4b:s6+s2], $0x800, $0x38;
	[tilespmem:$0x1CC00] =	vst v63  }
0x10: {  	_ =	swait.ge [sflag:s10], $0x800  }
0x11: {  	[sflag:s10] =	ssyncset.done $0x0  }
0x12: {  	[sflag:s10] =	ssyncadd.s32 $0xFFFFF800  }
0x13: {  	[tilespmem:s2], [sflag:$0x3] =	stream.linear.gather [hbm4b:s7+s2], $0x4000, $0x38;
	[tilespmem:$0x1CC00] =	vst v63  }
0x14: {  	_ =	swait.ge [sflag:s10], $0x4000  }
0x15: {  	[sflag:s10] =	ssyncset.done $0x0  }
0x16: {  	[sflag:s10] =	ssyncadd.s32 $0xFFFFC000  }
0x17: {  	[tilespmem:s12], [sflag:$0x1] =	stream.indirect.gather [hbm4b:s3+s11], $0x40, s2, s11, $0xb8;
	[tilespmem:$0x1CC00] =	vst v63  }
0x18: {  	s19 =	simm.s32 $0x6000  }
0x19: {  	[tilespmem:s19], [sflag:$0x1] =	stream.indirect.gather [hbm4b:s3+s11], $0x40, s11, s11, $0xb8;
	[tilespmem:$0x1CC00] =	vst v63  }
0x1a: {  	s20 =	simm.s32 $0x100;
	s17 =	simm.s32 $0x8000  }
0x1b: {  	[tilespmem:s17], [sflag:$0x1] =	stream.indirect.gather [hbm4b:s3+s11], $0x40, s20, s11, $0xb8;
	[tilespmem:$0x1CC00] =	vst v63  }
0x1c: {  	s21 =	simm.s32 $0x180;
	s22 =	simm.s32 $0xA000  }
0x1d: {  	[tilespmem:s22], [sflag:$0x1] =	stream.indirect.gather [hbm4b:s3+s11], $0x40, s21, s11, $0xb8;
	[tilespmem:$0x1CC00] =	vst v63  }
0x1e: {  	s18 =	simm.s32 $0xC000;
	s17 =	simm.s32 $0x200  }
0x1f: {  	[tilespmem:s18], [sflag:$0x1] =	stream.indirect.gather [hbm4b:s3+s11], $0x40, s17, s11, $0xb8;
	[tilespmem:$0x1CC00] =	vst v63  }
0x20: {  	s19 =	simm.s32 $0x280;
	s20 =	simm.s32 $0xE000  }
0x21: {  	[tilespmem:s20], [sflag:$0x1] =	stream.indirect.gather [hbm4b:s3+s11], $0x40, s19, s11, $0xb8;
	[tilespmem:$0x1CC00] =	vst v63  }
0x22: {  	s21 =	simm.s32 $0x300;
	s22 =	simm.s32 $0x10000  }
0x23: {  	[tilespmem:s22], [sflag:$0x1] =	stream.indirect.gather [hbm4b:s3+s11], $0x40, s21, s11, $0xb8;
	[tilespmem:$0x1CC00] =	vst v63  }
0x24: {  	_ = 	snop  }
0x25: {  	[tilespmem:s25], [sflag:$0x1] =	stream.indirect.gather [hbm4b:s3+s11], $0x40, s24, s11, $0xb8;
	[tilespmem:$0x1CC00] =	vst v63  }
0x26: {  	_ = 	snop  }
0x27: {  	[tilespmem:s28], [sflag:$0x1] =	stream.indirect.gather [hbm4b:s3+s11], $0x40, s26, s11, $0xb8;
	[tilespmem:$0x1CC00] =	vst v63  }
0x28: {  	_ = 	snop  }
0x29: {  	[tilespmem:s30], [sflag:$0x1] =	stream.indirect.gather [hbm4b:s3+s11], $0x40, s29, s11, $0xb8;
	[tilespmem:$0x1CC00] =	vst v63  }
0x2a: {  	_ = 	snop  }
0x2b: {  	[tilespmem:s0], [sflag:$0x1] =	stream.indirect.gather [hbm4b:s3+s11], $0x40, s31, s11, $0xb8;
	[tilespmem:$0x1CC00] =	vst v63  }
0x2c: {  	p0 =	por $0x0, $0x0;
	s16 =	simm.s32 $0x0  }
0x2d: {  	[tilespmem:s9], [sflag:$0x1] =	stream.indirect.gather [hbm4b:s3+s11], $0x40, s1, s11, $0xb8;
	[tilespmem:$0x1CC00] =	vst v63  }
.LBB2_2:
0x2e: {  	_ =	swait.ge [sflag:s13], $0x2000  }
0x2f: {  	s17 =	smul.u32 $0xAB, s16;
	[sflag:s13] =	ssyncset.done $0x0  }
0x30: {  	[sflag:s13] =	ssyncadd.s32 $0xFFFFE000  }
0x31: {  	s17 =	sshrl.u32 s17, $0x9;
	_ =	swait.ge [sflag:s13], $0x2000  }
0x32: {  	s17 =	sand.u32 $0x7F, s17;
	[sflag:s13] =	ssyncset.done $0x0  }
0x33: {  	s17 =	smul.u32 $0x3, s17;
	[sflag:s13] =	ssyncadd.s32 $0xFFFFE000  }
0x34: {  	_ =	swait.ge [sflag:s13], $0x2000  }
0x35: {  	s17 =	ssub.s32 s16, s17;
	[sflag:s13] =	ssyncset.done $0x0  }
0x36: {  	s18 =	simm.s32 $0x0;
	s17 =	sand.u32 $0xFF, s17;
	[sflag:s13] =	ssyncadd.s32 $0xFFFFE000  }
0x37: {  	v0 =	vmov s18;
	s22 =	sshll.u32 s17, $0xF;
	_ =	swait.ge [sflag:s13], $0x2000  }
0x38: {  	p1 =	slt.u32 s16, $0x2;
	v0 =	vshll.u32 v0, $0x6;
	v1 =	vmov s22;
	[sflag:s13] =	ssyncset.done $0x0  }
0x39: {  	s19 =	simm.s32 @!p1 $0x2;
	v0 =	vor.u32 v10, v0;
	[tilespmem:$0x1FAF0] =	vst v1;
	[sflag:s13] =	ssyncadd.s32 $0xFFFFE000  }
0x3a: {  	v0 =	vadd.s32 v1, v0;
	_ =	swait.ge @!p1 [sflag:s19], $0x200  }
0x3b: {  	s20 =	sshll.u32 s16, $0x6;
	[sflag:s19] =	ssyncset.done @!p1 $0x0  }
0x3c: {  	s18 =	sand.u32 $0x3FFFFFC0, s20;
	v1 =	vor.u32 $0x1, v0;
	[sflag:s19] =	ssyncadd.s32 @!p1 $0xFFFFFE00  }
0x3d: {  	v2 =	vld [tilespmem:s18+$0x1C400]  }
0x3e: {  	v3 =	vor.u32 $0x2, v0  }
0x3f: {  	v4 =	vld.idx.msk [tilespmem:v0+s12+$0x0], $0xffff  }
0x40: {  	v5 =	vor.u32 $0x3, v0  }
0x41: {  	v1 =	vld.idx.msk [tilespmem:v1+s12+$0x0], $0xffff  }
0x42: {  	v6 =	vor.u32 $0x4, v0;
	v8 =	vbroadcast v2, $0x0  }
0x43: {  	v3 =	vld.idx.msk [tilespmem:v3+s12+$0x0], $0xffff  }
0x44: {  	v7 =	vor.u32 $0x5, v0;
	v9 =	vbroadcast v2, $0x1;
	v4 =	vmul.f32 v4, v8  }
0x45: {  	v5 =	vld.idx.msk [tilespmem:v5+s12+$0x0], $0xffff;
	v11 =	vbroadcast v2, $0x2  }
0x46: {  	[tilespmem:$0x1FB00] =	vst v8;
	v8 =	vor.u32 $0x6, v0;
	v1 =	vmul.f32 v1, v9;
	v4 =	vadd.f32 $0.0e+00, v4  }
0x47: {  	v10 =	vor.u32 $0x7, v0;
	[tilespmem:$0x1FB10] =	vst v9;
	v9 =	vld.idx.msk [tilespmem:v6+s12+$0x0], $0xffff  }
0x48: {  	v12 =	vbroadcast v2, $0x3;
	v3 =	vmul.f32 v3, v11;
	v1 =	vadd.f32 v1, v4  }
0x49: {  	[tilespmem:$0x1FB20] =	vst v11;
	v11 =	vbroadcast v2, $0x4;
	v4 =	vld.idx.msk [tilespmem:v7+s12+$0x0], $0xffff  }
0x4a: {  	v6 =	vor.u32 $0x8, v0;
	v1 =	vadd.f32 v3, v1;
	v3 =	vmul.f32 v5, v12  }
0x4b: {  	v7 =	vbroadcast v2, $0x5;
	v5 =	vld.idx.msk [tilespmem:v8+s12+$0x0], $0xffff  }
0x4c: {  	[tilespmem:$0x1FB30] =	vst v12;
	v12 =	vor.u32 $0x9, v0;
	v1 =	vadd.f32 v3, v1;
	v3 =	vmul.f32 v9, v11  }
0x4d: {  	v14 =	vor.u32 $0xA, v0;
	v13 =	vld.idx.msk [tilespmem:v10+s12+$0x0], $0xffff  }
0x4e: {  	v8 =	vbroadcast v2, $0x6;
	v1 =	vadd.f32 v3, v1;
	v3 =	vmul.f32 v4, v7  }
0x4f: {  	v15 =	vor.u32 $0xB, v0;
	v4 =	vld.idx.msk [tilespmem:v6+s12+$0x0], $0xffff  }
0x50: {  	[tilespmem:$0x1FB50] =	vst v7;
	v7 =	vbroadcast v2, $0x7;
	v1 =	vadd.f32 v3, v1;
	v3 =	vmul.f32 v5, v8  }
0x51: {  	v16 =	vor.u32 $0xC, v0;
	v5 =	vld.idx.msk [tilespmem:v12+s12+$0x0], $0xffff  }
0x52: {  	v6 =	vbroadcast v2, $0x8;
	v1 =	vadd.f32 v3, v1;
	v3 =	vmul.f32 v13, v7  }
0x53: {  	v17 =	vor.u32 $0xD, v0;
	v14 =	vld.idx.msk [tilespmem:v14+s12+$0x0], $0xffff  }
0x54: {  	[tilespmem:$0x1FB70] =	vst v7;
	v7 =	vbroadcast v2, $0x9;
	v1 =	vadd.f32 v3, v1;
	v3 =	vmul.f32 v4, v6  }
0x55: {  	v18 =	vor.u32 $0xE, v0;
	v4 =	vld.idx.msk [tilespmem:v15+s12+$0x0], $0xffff  }
0x56: {  	[tilespmem:$0x1FB80] =	vst v6;
	v6 =	vbroadcast v2, $0xA;
	v1 =	vadd.f32 v3, v1;
	v3 =	vmul.f32 v5, v7  }
0x57: {  	v19 =	vor.u32 $0xF, v0;
	v5 =	vld.idx.msk [tilespmem:v16+s12+$0x0], $0xffff  }
0x58: {  	[tilespmem:$0x1FB90] =	vst v7;
	v7 =	vbroadcast v2, $0xB;
	v1 =	vadd.f32 v3, v1;
	v3 =	vmul.f32 v14, v6  }
0x59: {  	v20 =	vor.u32 $0x10, v0;
	v17 =	vld.idx.msk [tilespmem:v17+s12+$0x0], $0xffff  }
0x5a: {  	[tilespmem:$0x1FBA0] =	vst v6;
	v6 =	vbroadcast v2, $0xC;
	v1 =	vadd.f32 v3, v1;
	v3 =	vmul.f32 v4, v7  }
0x5b: {  	v21 =	vor.u32 $0x11, v0;
	v4 =	vld.idx.msk [tilespmem:v18+s12+$0x0], $0xffff  }
0x5c: {  	v33 =	vld [tilespmem:s18+$0x1C410];
	[tilespmem:$0x1FBB0] =	vst v7;
	v7 =	vbroadcast v2, $0xD;
	v1 =	vadd.f32 v3, v1;
	v3 =	vmul.f32 v5, v6  }
0x5d: {  	v22 =	vor.u32 $0x12, v0;
	v5 =	vld.idx.msk [tilespmem:v19+s12+$0x0], $0xffff  }
0x5e: {  	[tilespmem:$0x1FBC0] =	vst v6;
	v6 =	vbroadcast v2, $0xE;
	v1 =	vadd.f32 v3, v1;
	v3 =	vmul.f32 v17, v7  }
0x5f: {  	[tilespmem:$0x1FBD0] =	vst v7;
	v7 =	vbroadcast v2, $0xF;
	v2 =	vld.idx.msk [tilespmem:v20+s12+$0x0], $0xffff  }
0x60: {  	v23 =	vor.u32 $0x13, v0;
	v1 =	vadd.f32 v3, v1;
	v3 =	vmul.f32 v4, v6  }
0x61: {  	v24 =	vor.u32 $0x14, v0;
	v4 =	vld.idx.msk [tilespmem:v21+s12+$0x0], $0xffff  }
0x62: {  	[tilespmem:$0x1FBE0] =	vst v6;
	v6 =	vbroadcast v33, $0x0;
	v1 =	vadd.f32 v3, v1;
	v3 =	vmul.f32 v5, v7  }
0x63: {  	v25 =	vor.u32 $0x15, v0;
	v5 =	vld.idx.msk [tilespmem:v22+s12+$0x0], $0xffff  }
0x64: {  	[tilespmem:$0x1FBF0] =	vst v7;
	v7 =	vbroadcast v33, $0x1;
	v2 =	vmul.f32 v2, v6;
	v1 =	vadd.f32 v3, v1  }
0x65: {  	v26 =	vor.u32 $0x16, v0;
	v3 =	vld.idx.msk [tilespmem:v23+s12+$0x0], $0xffff  }
0x66: {  	[tilespmem:$0x1FC00] =	vst v6;
	v6 =	vbroadcast v33, $0x2;
	v1 =	vadd.f32 v2, v1;
	v2 =	vmul.f32 v4, v7  }
0x67: {  	v27 =	vor.u32 $0x17, v0;
	v4 =	vld.idx.msk [tilespmem:v24+s12+$0x0], $0xffff  }
0x68: {  	[tilespmem:$0x1FC10] =	vst v7;
	v7 =	vbroadcast v33, $0x3;
	v1 =	vadd.f32 v2, v1;
	v2 =	vmul.f32 v5, v6  }
0x69: {  	v28 =	vor.u32 $0x18, v0;
	v5 =	vld.idx.msk [tilespmem:v25+s12+$0x0], $0xffff  }
0x6a: {  	[tilespmem:$0x1FC20] =	vst v6;
	v6 =	vbroadcast v33, $0x4;
	v1 =	vadd.f32 v2, v1;
	v2 =	vmul.f32 v3, v7  }
0x6b: {  	v29 =	vor.u32 $0x19, v0;
	v3 =	vld.idx.msk [tilespmem:v26+s12+$0x0], $0xffff  }
0x6c: {  	[tilespmem:$0x1FC30] =	vst v7;
	v7 =	vbroadcast v33, $0x5;
	v1 =	vadd.f32 v2, v1;
	v2 =	vmul.f32 v4, v6  }
0x6d: {  	v30 =	vor.u32 $0x1A, v0;
	v4 =	vld.idx.msk [tilespmem:v27+s12+$0x0], $0xffff  }
0x6e: {  	[tilespmem:$0x1FC40] =	vst v6;
	v6 =	vbroadcast v33, $0x6;
	v1 =	vadd.f32 v2, v1;
	v2 =	vmul.f32 v5, v7  }
0x6f: {  	v31 =	vor.u32 $0x1B, v0;
	v5 =	vld.idx.msk [tilespmem:v28+s12+$0x0], $0xffff  }
0x70: {  	[tilespmem:$0x1FC50] =	vst v7;
	v7 =	vbroadcast v33, $0x7;
	v1 =	vadd.f32 v2, v1;
	v2 =	vmul.f32 v3, v6  }
0x71: {  	v32 =	vor.u32 $0x1C, v0;
	v3 =	vld.idx.msk [tilespmem:v29+s12+$0x0], $0xffff  }
0x72: {  	[tilespmem:$0x1FC60] =	vst v6;
	v6 =	vbroadcast v33, $0x8;
	v1 =	vadd.f32 v2, v1;
	v2 =	vmul.f32 v4, v7  }
0x73: {  	v34 =	vor.u32 $0x1D, v0;
	v4 =	vld.idx.msk [tilespmem:v30+s12+$0x0], $0xffff  }
0x74: {  	[tilespmem:$0x1FC70] =	vst v7;
	v7 =	vbroadcast v33, $0x9;
	v1 =	vadd.f32 v2, v1;
	v2 =	vmul.f32 v5, v6  }
0x75: {  	v35 =	vor.u32 $0x1E, v0;
	v5 =	vld.idx.msk [tilespmem:v31+s12+$0x0], $0xffff  }
0x76: {  	[tilespmem:$0x1FC80] =	vst v6;
	v6 =	vbroadcast v33, $0xA;
	v1 =	vadd.f32 v2, v1;
	v2 =	vmul.f32 v3, v7  }
0x77: {  	v36 =	vor.u32 $0x1F, v0;
	v3 =	vld.idx.msk [tilespmem:v32+s12+$0x0], $0xffff  }
0x78: {  	[tilespmem:$0x1FC90] =	vst v7;
	v7 =	vbroadcast v33, $0xB;
	v1 =	vadd.f32 v2, v1;
	v2 =	vmul.f32 v4, v6  }
0x79: {  	v41 =	vor.u32 $0x20, v0;
	v4 =	vld.idx.msk [tilespmem:v34+s12+$0x0], $0xffff  }
0x7a: {  	[tilespmem:$0x1FB40] =	vst v11;
	v11 =	vbroadcast v33, $0xC;
	v1 =	vadd.f32 v2, v1;
	v2 =	vmul.f32 v5, v7  }
0x7b: {  	v42 =	vor.u32 $0x21, v0;
	v5 =	vld.idx.msk [tilespmem:v35+s12+$0x0], $0xffff  }
0x7c: {  	v49 =	vld [tilespmem:s18+$0x1C420];
	[tilespmem:$0x1FCA0] =	vst v6;
	v6 =	vbroadcast v33, $0xD;
	v1 =	vadd.f32 v2, v1;
	v2 =	vmul.f32 v3, v11  }
0x7d: {  	v43 =	vor.u32 $0x22, v0;
	v3 =	vld.idx.msk [tilespmem:v36+s12+$0x0], $0xffff  }
0x7e: {  	[tilespmem:$0x1FCB0] =	vst v7;
	v7 =	vbroadcast v33, $0xE;
	v1 =	vadd.f32 v2, v1;
	v2 =	vmul.f32 v4, v6  }
0x7f: {  	v37 =	vor.u32 $0x23, v0;
	v4 =	vld.idx.msk [tilespmem:v41+s12+$0x0], $0xffff  }
0x80: {  	[tilespmem:$0x1FCC0] =	vst v6;
	v6 =	vbroadcast v33, $0xF;
	v1 =	vadd.f32 v2, v1;
	v2 =	vmul.f32 v5, v7  }
0x81: {  	v38 =	vor.u32 $0x24, v0;
	v5 =	vld.idx.msk [tilespmem:v42+s12+$0x0], $0xffff  }
0x82: {  	[tilespmem:$0x1FCD0] =	vst v7;
	v7 =	vbroadcast v49, $0x0;
	v1 =	vadd.f32 v2, v1;
	v2 =	vmul.f32 v3, v6  }
0x83: {  	v39 =	vor.u32 $0x25, v0;
	v3 =	vld.idx.msk [tilespmem:v43+s12+$0x0], $0xffff  }
0x84: {  	[tilespmem:$0x1FCE0] =	vst v6;
	v6 =	vbroadcast v49, $0x1;
	v1 =	vadd.f32 v2, v1;
	v2 =	vmul.f32 v4, v7  }
0x85: {  	v40 =	vor.u32 $0x26, v0;
	v4 =	vld.idx.msk [tilespmem:v37+s12+$0x0], $0xffff  }
0x86: {  	[tilespmem:$0x1FCF0] =	vst v7;
	v7 =	vbroadcast v49, $0x2;
	v1 =	vadd.f32 v2, v1;
	v2 =	vmul.f32 v5, v6  }
0x87: {  	v41 =	vor.u32 $0x27, v0;
	v5 =	vld.idx.msk [tilespmem:v38+s12+$0x0], $0xffff  }
0x88: {  	[tilespmem:$0x1FD00] =	vst v6;
	v6 =	vbroadcast v49, $0x3;
	v1 =	vadd.f32 v2, v1;
	v2 =	vmul.f32 v3, v7  }
0x89: {  	v42 =	vor.u32 $0x28, v0;
	v3 =	vld.idx.msk [tilespmem:v39+s12+$0x0], $0xffff  }
0x8a: {  	[tilespmem:$0x1FD10] =	vst v7;
	v7 =	vbroadcast v49, $0x4;
	v1 =	vadd.f32 v2, v1;
	v2 =	vmul.f32 v4, v6  }
0x8b: {  	v43 =	vor.u32 $0x29, v0;
	v4 =	vld.idx.msk [tilespmem:v40+s12+$0x0], $0xffff  }
0x8c: {  	[tilespmem:$0x1FD20] =	vst v6;
	v6 =	vbroadcast v49, $0x5;
	v1 =	vadd.f32 v2, v1;
	v2 =	vmul.f32 v5, v7  }
0x8d: {  	v44 =	vor.u32 $0x2A, v0;
	v5 =	vld.idx.msk [tilespmem:v41+s12+$0x0], $0xffff  }
0x8e: {  	[tilespmem:$0x1FD30] =	vst v7;
	v7 =	vbroadcast v49, $0x6;
	v1 =	vadd.f32 v2, v1;
	v2 =	vmul.f32 v3, v6  }
0x8f: {  	v45 =	vor.u32 $0x2B, v0;
	v3 =	vld.idx.msk [tilespmem:v42+s12+$0x0], $0xffff  }
0x90: {  	[tilespmem:$0x1FD40] =	vst v6;
	v6 =	vbroadcast v49, $0x7;
	v1 =	vadd.f32 v2, v1;
	v2 =	vmul.f32 v4, v7  }
0x91: {  	v46 =	vor.u32 $0x2C, v0;
	v4 =	vld.idx.msk [tilespmem:v43+s12+$0x0], $0xffff  }
0x92: {  	[tilespmem:$0x1FD50] =	vst v7;
	v7 =	vbroadcast v49, $0x8;
	v1 =	vadd.f32 v2, v1;
	v2 =	vmul.f32 v5, v6  }
0x93: {  	v47 =	vor.u32 $0x2D, v0;
	v5 =	vld.idx.msk [tilespmem:v44+s12+$0x0], $0xffff  }
0x94: {  	[tilespmem:$0x1FD60] =	vst v6;
	v6 =	vbroadcast v49, $0x9;
	v1 =	vadd.f32 v2, v1;
	v2 =	vmul.f32 v3, v7  }
0x95: {  	v48 =	vor.u32 $0x2E, v0;
	v3 =	vld.idx.msk [tilespmem:v45+s12+$0x0], $0xffff  }
0x96: {  	[tilespmem:$0x1FD70] =	vst v7;
	v7 =	vbroadcast v49, $0xA;
	v1 =	vadd.f32 v2, v1;
	v2 =	vmul.f32 v4, v6  }
0x97: {  	v50 =	vor.u32 $0x2F, v0;
	v4 =	vld.idx.msk [tilespmem:v46+s12+$0x0], $0xffff  }
0x98: {  	[tilespmem:$0x1FD80] =	vst v6;
	v6 =	vbroadcast v49, $0xB;
	v1 =	vadd.f32 v2, v1;
	v2 =	vmul.f32 v5, v7  }
0x99: {  	v51 =	vor.u32 $0x30, v0;
	v5 =	vld.idx.msk [tilespmem:v47+s12+$0x0], $0xffff  }
0x9a: {  	[tilespmem:$0x1FD90] =	vst v7;
	v7 =	vbroadcast v49, $0xC;
	v1 =	vadd.f32 v2, v1;
	v2 =	vmul.f32 v3, v6  }
0x9b: {  	v53 =	vor.u32 $0x31, v0;
	v52 =	vld.idx.msk [tilespmem:v48+s12+$0x0], $0xffff  }
0x9c: {  	[tilespmem:$0x1FDA0] =	vst v6;
	v6 =	vbroadcast v49, $0xD;
	v3 =	vld [tilespmem:s18+$0x1C430];
	v1 =	vadd.f32 v2, v1;
	v2 =	vmul.f32 v4, v7  }
0x9d: {  	v54 =	vor.u32 $0x32, v0;
	v4 =	vld.idx.msk [tilespmem:v50+s12+$0x0], $0xffff  }
0x9e: {  	[tilespmem:$0x1FDB0] =	vst v7;
	v7 =	vbroadcast v49, $0xE;
	v1 =	vadd.f32 v2, v1;
	v2 =	vmul.f32 v5, v6  }
0x9f: {  	v55 =	vor.u32 $0x33, v0;
	v5 =	vld.idx.msk [tilespmem:v51+s12+$0x0], $0xffff  }
0xa0: {  	[tilespmem:$0x1FDC0] =	vst v6;
	v6 =	vbroadcast v49, $0xF;
	v1 =	vadd.f32 v2, v1;
	v2 =	vmul.f32 v52, v7  }
0xa1: {  	v56 =	vor.u32 $0x34, v0;
	v53 =	vld.idx.msk [tilespmem:v53+s12+$0x0], $0xffff  }
0xa2: {  	[tilespmem:$0x1FDD0] =	vst v7;
	v7 =	vbroadcast v3, $0x0;
	v1 =	vadd.f32 v2, v1;
	v2 =	vmul.f32 v4, v6  }
0xa3: {  	v57 =	vor.u32 $0x35, v0;
	v4 =	vld.idx.msk [tilespmem:v54+s12+$0x0], $0xffff  }
0xa4: {  	[tilespmem:$0x1FDE0] =	vst v6;
	v6 =	vbroadcast v3, $0x1;
	v1 =	vadd.f32 v2, v1;
	v2 =	vmul.f32 v5, v7  }
0xa5: {  	v58 =	vor.u32 $0x36, v0;
	v5 =	vld.idx.msk [tilespmem:v55+s12+$0x0], $0xffff  }
0xa6: {  	[tilespmem:$0x1FDF0] =	vst v7;
	v7 =	vbroadcast v3, $0x2;
	v1 =	vadd.f32 v2, v1;
	v2 =	vmul.f32 v53, v6  }
0xa7: {  	v59 =	vor.u32 $0x37, v0;
	v56 =	vld.idx.msk [tilespmem:v56+s12+$0x0], $0xffff  }
0xa8: {  	[tilespmem:$0x1FE10] =	vst v6;
	v6 =	vbroadcast v3, $0x3;
	v1 =	vadd.f32 v2, v1;
	v2 =	vmul.f32 v4, v7  }
0xa9: {  	v4 =	vld.idx.msk [tilespmem:v57+s12+$0x0], $0xffff  }
0xaa: {  	[tilespmem:$0x1FE20] =	vst v7;
	v7 =	vbroadcast v3, $0x4;
	v1 =	vadd.f32 v2, v1;
	v2 =	vmul.f32 v5, v6  }
0xab: {  	v44 =	vor.u32 $0x38, v0;
	v5 =	vld.idx.msk [tilespmem:v58+s12+$0x0], $0xffff  }
0xac: {  	v12 =	vbroadcast v3, $0x5;
	v56 =	vmul.f32 v56, v7;
	v1 =	vadd.f32 v2, v1  }
0xad: {  	v45 =	vld.idx.msk [tilespmem:v59+s12+$0x0], $0xffff;
	v2 =	vor.u32 $0x39, v0  }
0xae: {  	[tilespmem:$0x1FE40] =	vst v6;
	v6 =	vbroadcast v3, $0x6;
	v4 =	vmul.f32 v4, v12;
	v1 =	vadd.f32 v56, v1  }
0xaf: {  	v60 =	vor.u32 $0x3A, v0  }
0xb0: {  	v46 =	vld.idx.msk [tilespmem:v44+s12+$0x0], $0xffff;
	[tilespmem:$0x1FEB0] =	vst v6;
	v1 =	vadd.f32 v4, v1;
	v4 =	vmul.f32 v5, v6;
	v6 =	vbroadcast v3, $0x7  }
0xb1: {  	v5 =	vor.u32 $0x3B, v0  }
0xb2: {  	v2 =	vld.idx.msk [tilespmem:v2+s12+$0x0], $0xffff;
	v1 =	vadd.f32 v4, v1;
	v4 =	vmul.f32 v45, v6  }
0xb3: {  	[tilespmem:$0x1FEE0] =	vst v6;
	v6 =	vbroadcast v3, $0x8  }
0xb4: {  	v61 =	vor.u32 $0x3C, v0;
	v1 =	vadd.f32 v4, v1;
	v4 =	vld.idx.msk [tilespmem:v60+s12+$0x0], $0xffff  }
0xb5: {  	[tilespmem:$0x1FF00] =	vst v6;
	v47 =	vmul.f32 v46, v6;
	v6 =	vbroadcast v3, $0x9  }
0xb6: {  	v62 =	vor.u32 $0x3D, v0;
	v5 =	vld.idx.msk [tilespmem:v5+s12+$0x0], $0xffff  }
0xb7: {  	v9 =	vbroadcast v3, $0xA;
	v1 =	vadd.f32 v47, v1;
	v2 =	vmul.f32 v2, v6  }
0xb8: {  	v63 =	vor.u32 $0x3E, v0;
	v13 =	vor.u32 $0x3F, v0  }
0xb9: {  	[tilespmem:$0x1FB60] =	vst v8;
	v8 =	vbroadcast v3, $0xB;
	v1 =	vadd.f32 v2, v1;
	v2 =	vld.idx.msk [tilespmem:v61+s12+$0x0], $0xffff;
	v4 =	vmul.f32 v4, v9;
	_ =	sdelay $0x1  }
0xba: {  	v0 =	vld.idx.msk [tilespmem:v62+s12+$0x0], $0xffff;
	v1 =	vadd.f32 v4, v1;
	v4 =	vmul.f32 v5, v8  }
0xbb: {  	[tilespmem:$0x1FE60] =	vst v7;
	v7 =	vbroadcast v3, $0xC  }
0xbc: {  	v1 =	vadd.f32 v4, v1;
	v4 =	vld.idx.msk [tilespmem:v13+s12+$0x0], $0xffff  }
0xbd: {  	[tilespmem:$0x1FF30] =	vst v6;
	v6 =	vbroadcast v3, $0xD;
	v5 =	vld.idx.msk [tilespmem:v63+s12+$0x0], $0xffff;
	v2 =	vmul.f32 v2, v7;
	_ =	sdelay $0x1  }
0xbe: {  	v1 =	vadd.f32 v2, v1;
	v2 =	vmul.f32 v0, v6;
	v0 =	vbroadcast v3, $0xF  }
0xbf: {  	v10 =	vld [tilespmem:$0x1FFF0];
	v13 =	vbroadcast v3, $0xE  }
0xc0: {  	[tilespmem:$0x1FAE0] =	vst v0;
	v4 =	vmul.f32 v4, v0;
	v0 =	vld [tilespmem:$0x1FAF0]  }
0xc1: {  	s21 =	simm.s32 $0x10;
	v3 =	vmul.f32 v5, v13;
	v2 =	vadd.f32 v2, v1  }
0xc2: {  	v5 =	vmov s21  }
0xc3: {  	v2 =	vadd.f32 v3, v2;
	v3 =	vshll.u32 v5, $0x6  }
0xc4: {  	v3 =	vor.u32 v10, v3  }
0xc5: {  	s18 =	simm.s32 $0x1;
	v4 =	vadd.f32 v4, v2;
	v2 =	vadd.s32 v0, v3  }
0xc6: {  	s18 =	simm.s32 @!p0 $0x0  }
0xc7: {  	s18 =	sshll.u32 s18, $0x9;
	v3 =	vmul.f32 $1.428571410e+01, v4  }
0xc8: {  	s21 =	sor.u32 $0x1C000, s18  }
0xc9: {  	v0 =	vld [tilespmem:$0x1FB00];
	v4 =	vor.u32 $0x1, v2;
	[tilespmem:s21+$0x0] =	vst v3  }
0xca: {  	v5 =	vld.idx.msk [tilespmem:v2+s12+$0x0], $0xffff;
	_ =	sdelay $0x3  }
0xcb: {  	v3 =	vor.u32 $0x2, v2;
	v4 =	vld.idx.msk [tilespmem:v4+s12+$0x0], $0xffff  }
0xcc: {  	v15 =	vmov v0;
	v5 =	vmul.f32 v5, v0;
	v0 =	vld [tilespmem:$0x1FB10];
	_ =	sdelay $0x2  }
0xcd: {  	v1 =	vor.u32 $0x3, v2  }
0xce: {  	[tilespmem:$0x1FFE0] =	vst v13;
	v13 =	vor.u32 $0x4, v2;
	v3 =	vld.idx.msk [tilespmem:v3+s12+$0x0], $0xffff  }
0xcf: {  	v16 =	vmov v0;
	v4 =	vmul.f32 v4, v0;
	v0 =	vld [tilespmem:$0x1FB20];
	_ =	sdelay $0x2  }
0xd0: {  	v1 =	vld.idx.msk [tilespmem:v1+s12+$0x0], $0xffff  }
0xd1: {  	v14 =	vor.u32 $0x5, v2;
	v18 =	vld.idx.msk [tilespmem:v13+s12+$0x0], $0xffff  }
0xd2: {  	v13 =	vmov v0;
	v3 =	vmul.f32 v3, v0;
	v0 =	vld [tilespmem:$0x1FB30]  }
0xd3: {  	v5 =	vadd.f32 $0.0e+00, v5;
	_ =	sdelay $0x1  }
0xd4: {  	v4 =	vadd.f32 v4, v5  }
0xd5: {  	v17 =	vor.u32 $0x6, v2;
	v19 =	vld.idx.msk [tilespmem:v14+s12+$0x0], $0xffff  }
0xd6: {  	v3 =	vadd.f32 v3, v4;
	v14 =	vmov v0;
	v4 =	vmul.f32 v1, v0;
	v0 =	vld [tilespmem:$0x1FB40];
	_ =	sdelay $0x3  }
0xd7: {  	v1 =	vld.idx.msk [tilespmem:v17+s12+$0x0], $0xffff  }
0xd8: {  	v3 =	vadd.f32 v4, v3;
	v17 =	vmov v0;
	v4 =	vmul.f32 v18, v0;
	v0 =	vld [tilespmem:$0x1FB50];
	_ =	sdelay $0x3  }
0xd9: {  	v5 =	vor.u32 $0x7, v2  }
0xda: {  	v3 =	vadd.f32 v4, v3;
	v18 =	vmov v0;
	v4 =	vmul.f32 v19, v0;
	v0 =	vld [tilespmem:$0x1FB60];
	_ =	sdelay $0x3  }
0xdb: {  	v20 =	vor.u32 $0x8, v2;
	v21 =	vld.idx.msk [tilespmem:v5+s12+$0x0], $0xffff  }
0xdc: {  	v3 =	vadd.f32 v4, v3;
	v19 =	vmov v0;
	v4 =	vmul.f32 v1, v0;
	v0 =	vld [tilespmem:$0x1FB70];
	_ =	sdelay $0x3  }
0xdd: {  	v23 =	vor.u32 $0x9, v2;
	v22 =	vld.idx.msk [tilespmem:v20+s12+$0x0], $0xffff  }
0xde: {  	v3 =	vadd.f32 v4, v3;
	v20 =	vmov v0;
	v4 =	vmul.f32 v21, v0;
	v0 =	vld [tilespmem:$0x1FB80];
	_ =	sdelay $0x3  }
0xdf: {  	v5 =	vor.u32 $0xA, v2;
	v1 =	vld.idx.msk [tilespmem:v23+s12+$0x0], $0xffff  }
0xe0: {  	v3 =	vadd.f32 v4, v3;
	v21 =	vmov v0;
	v4 =	vmul.f32 v22, v0;
	v0 =	vld [tilespmem:$0x1FB90];
	_ =	sdelay $0x2  }
0xe1: {  	v25 =	vor.u32 $0xB, v2  }
0xe2: {  	v24 =	vld.idx.msk [tilespmem:v5+s12+$0x0], $0xffff;
	v23 =	vor.u32 $0xC, v2  }
0xe3: {  	v3 =	vadd.f32 v4, v3;
	v22 =	vmov v0;
	v4 =	vmul.f32 v1, v0;
	v0 =	vld [tilespmem:$0x1FBA0];
	_ =	sdelay $0x2  }
0xe4: {  	v25 =	vld.idx.msk [tilespmem:v25+s12+$0x0], $0xffff  }
0xe5: {  	v1 =	vld.idx.msk [tilespmem:v23+s12+$0x0], $0xffff  }
0xe6: {  	v3 =	vadd.f32 v4, v3;
	v23 =	vmov v0;
	v4 =	vmul.f32 v24, v0;
	v0 =	vld [tilespmem:$0x1FBB0];
	_ =	sdelay $0x3  }
0xe7: {  	v5 =	vor.u32 $0xD, v2  }
0xe8: {  	v3 =	vadd.f32 v4, v3;
	v24 =	vmov v0;
	v4 =	vmul.f32 v25, v0;
	v0 =	vld [tilespmem:$0x1FBC0];
	_ =	sdelay $0x3  }
0xe9: {  	v26 =	vor.u32 $0xE, v2;
	v27 =	vld.idx.msk [tilespmem:v5+s12+$0x0], $0xffff  }
0xea: {  	v3 =	vadd.f32 v4, v3;
	v25 =	vmov v0;
	v4 =	vmul.f32 v1, v0;
	v0 =	vld [tilespmem:$0x1FBD0];
	_ =	sdelay $0x3  }
0xeb: {  	v29 =	vor.u32 $0xF, v2;
	v28 =	vld.idx.msk [tilespmem:v26+s12+$0x0], $0xffff  }
0xec: {  	v3 =	vadd.f32 v4, v3;
	v26 =	vmov v0;
	v4 =	vmul.f32 v27, v0;
	v0 =	vld [tilespmem:$0x1FBE0];
	_ =	sdelay $0x3  }
0xed: {  	v5 =	vor.u32 $0x10, v2;
	v1 =	vld.idx.msk [tilespmem:v29+s12+$0x0], $0xffff  }
0xee: {  	v3 =	vadd.f32 v4, v3;
	v27 =	vmov v0;
	v4 =	vmul.f32 v28, v0;
	v0 =	vld [tilespmem:$0x1FBF0];
	_ =	sdelay $0x2  }
0xef: {  	v31 =	vor.u32 $0x11, v2  }
0xf0: {  	v30 =	vld.idx.msk [tilespmem:v5+s12+$0x0], $0xffff;
	v29 =	vor.u32 $0x12, v2  }
0xf1: {  	v3 =	vadd.f32 v4, v3;
	v28 =	vmov v0;
	v4 =	vmul.f32 v1, v0;
	v0 =	vld [tilespmem:$0x1FC00];
	_ =	sdelay $0x2  }
0xf2: {  	v31 =	vld.idx.msk [tilespmem:v31+s12+$0x0], $0xffff  }
0xf3: {  	v1 =	vld.idx.msk [tilespmem:v29+s12+$0x0], $0xffff  }
0xf4: {  	v3 =	vadd.f32 v4, v3;
	v29 =	vmov v0;
	v4 =	vmul.f32 v30, v0;
	v0 =	vld [tilespmem:$0x1FC10];
	_ =	sdelay $0x3  }
0xf5: {  	v5 =	vor.u32 $0x13, v2  }
0xf6: {  	v3 =	vadd.f32 v4, v3;
	v30 =	vmov v0;
	v4 =	vmul.f32 v31, v0;
	v0 =	vld [tilespmem:$0x1FC20];
	_ =	sdelay $0x3  }
0xf7: {  	v48 =	vor.u32 $0x14, v2;
	v50 =	vld.idx.msk [tilespmem:v5+s12+$0x0], $0xffff  }
0xf8: {  	v3 =	vadd.f32 v4, v3;
	v31 =	vmov v0;
	v4 =	vmul.f32 v1, v0;
	v0 =	vld [tilespmem:$0x1FC30];
	_ =	sdelay $0x3  }
0xf9: {  	v49 =	vor.u32 $0x15, v2;
	v51 =	vld.idx.msk [tilespmem:v48+s12+$0x0], $0xffff  }
0xfa: {  	v3 =	vadd.f32 v4, v3;
	v32 =	vmov v0;
	v4 =	vmul.f32 v50, v0;
	v0 =	vld [tilespmem:$0x1FC40];
	_ =	sdelay $0x3  }
0xfb: {  	v5 =	vor.u32 $0x16, v2;
	v1 =	vld.idx.msk [tilespmem:v49+s12+$0x0], $0xffff  }
0xfc: {  	v3 =	vadd.f32 v4, v3;
	v33 =	vmov v0;
	v4 =	vmul.f32 v51, v0;
	v0 =	vld [tilespmem:$0x1FC50];
	_ =	sdelay $0x3  }
0xfd: {  	v52 =	vor.u32 $0x17, v2;
	v54 =	vld.idx.msk [tilespmem:v5+s12+$0x0], $0xffff  }
0xfe: {  	v3 =	vadd.f32 v4, v3;
	v34 =	vmov v0;
	v4 =	vmul.f32 v1, v0;
	v0 =	vld [tilespmem:$0x1FC60];
	_ =	sdelay $0x3  }
0xff: {  	v53 =	vor.u32 $0x18, v2;
	v37 =	vld.idx.msk [tilespmem:v52+s12+$0x0], $0xffff  }
0x100: {  	v3 =	vadd.f32 v4, v3;
	v35 =	vmov v0;
	v4 =	vmul.f32 v54, v0;
	v0 =	vld [tilespmem:$0x1FC70];
	_ =	sdelay $0x3  }
0x101: {  	v5 =	vor.u32 $0x19, v2;
	v1 =	vld.idx.msk [tilespmem:v53+s12+$0x0], $0xffff  }
0x102: {  	v3 =	vadd.f32 v4, v3;
	v36 =	vmov v0;
	v4 =	vmul.f32 v37, v0;
	v0 =	vld [tilespmem:$0x1FC80];
	_ =	sdelay $0x3  }
0x103: {  	v55 =	vor.u32 $0x1A, v2;
	v57 =	vld.idx.msk [tilespmem:v5+s12+$0x0], $0xffff  }
0x104: {  	v3 =	vadd.f32 v4, v3;
	v37 =	vmov v0;
	v4 =	vmul.f32 v1, v0;
	v0 =	vld [tilespmem:$0x1FC90];
	_ =	sdelay $0x3  }
0x105: {  	v56 =	vor.u32 $0x1B, v2;
	v58 =	vld.idx.msk [tilespmem:v55+s12+$0x0], $0xffff  }
0x106: {  	v3 =	vadd.f32 v4, v3;
	v38 =	vmov v0;
	v4 =	vmul.f32 v57, v0;
	v0 =	vld [tilespmem:$0x1FCA0];
	_ =	sdelay $0x2  }
0x107: {  	v5 =	vor.u32 $0x1C, v2  }
0x108: {  	v59 =	vor.u32 $0x1D, v2;
	v1 =	vld.idx.msk [tilespmem:v56+s12+$0x0], $0xffff  }
0x109: {  	v3 =	vadd.f32 v4, v3;
	v39 =	vmov v0;
	v4 =	vmul.f32 v58, v0;
	v0 =	vld [tilespmem:$0x1FCB0];
	_ =	sdelay $0x2  }
0x10a: {  	v61 =	vld.idx.msk [tilespmem:v5+s12+$0x0], $0xffff  }
0x10b: {  	v60 =	vor.u32 $0x1E, v2;
	v43 =	vld.idx.msk [tilespmem:v59+s12+$0x0], $0xffff  }
0x10c: {  	v3 =	vadd.f32 v4, v3;
	v40 =	vmov v0;
	v4 =	vmul.f32 v1, v0;
	v0 =	vld [tilespmem:$0x1FCC0];
	_ =	sdelay $0x2  }
0x10d: {  	v3 =	vadd.f32 v4, v3;
	v4 =	vmul.f32 v61, v11  }
0x10e: {  	v5 =	vor.u32 $0x1F, v2;
	v1 =	vld.idx.msk [tilespmem:v60+s12+$0x0], $0xffff  }
0x10f: {  	v41 =	vmovc v11;
	v3 =	vadd.f32 v4, v3;
	v11 =	vmov v0;
	v4 =	vmul.f32 v43, v0;
	v0 =	vld [tilespmem:$0x1FCD0];
	_ =	sdelay $0x3  }
0x110: {  	v62 =	vor.u32 $0x20, v2;
	v52 =	vld.idx.msk [tilespmem:v5+s12+$0x0], $0xffff  }
0x111: {  	v3 =	vadd.f32 v4, v3;
	v42 =	vmov v0;
	v4 =	vmul.f32 v1, v0;
	v0 =	vld [tilespmem:$0x1FCE0];
	_ =	sdelay $0x3  }
0x112: {  	v63 =	vor.u32 $0x21, v2;
	v45 =	vld.idx.msk [tilespmem:v62+s12+$0x0], $0xffff  }
0x113: {  	v3 =	vadd.f32 v4, v3;
	v43 =	vmov v0;
	v4 =	vmul.f32 v52, v0;
	v0 =	vld [tilespmem:$0x1FCF0];
	_ =	sdelay $0x3  }
0x114: {  	v5 =	vor.u32 $0x22, v2;
	v1 =	vld.idx.msk [tilespmem:v63+s12+$0x0], $0xffff  }
0x115: {  	v3 =	vadd.f32 v4, v3;
	v44 =	vmov v0;
	v4 =	vmul.f32 v45, v0;
	v0 =	vld [tilespmem:$0x1FD00];
	_ =	sdelay $0x3  }
0x116: {  	v55 =	vld.idx.msk [tilespmem:v5+s12+$0x0], $0xffff;
	v53 =	vor.u32 $0x23, v2  }
0x117: {  	v3 =	vadd.f32 v4, v3;
	v45 =	vmov v0;
	v4 =	vmul.f32 v1, v0;
	v0 =	vld [tilespmem:$0x1FD10];
	_ =	sdelay $0x3  }
0x118: {  	v54 =	vor.u32 $0x24, v2;
	v48 =	vld.idx.msk [tilespmem:v53+s12+$0x0], $0xffff  }
0x119: {  	v3 =	vadd.f32 v4, v3;
	v46 =	vmov v0;
	v4 =	vmul.f32 v55, v0;
	v0 =	vld [tilespmem:$0x1FD20];
	_ =	sdelay $0x3  }
0x11a: {  	v5 =	vor.u32 $0x25, v2;
	v1 =	vld.idx.msk [tilespmem:v54+s12+$0x0], $0xffff  }
0x11b: {  	v3 =	vadd.f32 v4, v3;
	v47 =	vmov v0;
	v4 =	vmul.f32 v48, v0;
	v0 =	vld [tilespmem:$0x1FD30];
	_ =	sdelay $0x3  }
0x11c: {  	v56 =	vor.u32 $0x26, v2;
	v58 =	vld.idx.msk [tilespmem:v5+s12+$0x0], $0xffff  }
0x11d: {  	v3 =	vadd.f32 v4, v3;
	v48 =	vmov v0;
	v4 =	vmul.f32 v1, v0;
	v0 =	vld [tilespmem:$0x1FD40];
	_ =	sdelay $0x3  }
0x11e: {  	v57 =	vor.u32 $0x27, v2;
	v59 =	vld.idx.msk [tilespmem:v56+s12+$0x0], $0xffff  }
0x11f: {  	v3 =	vadd.f32 v4, v3;
	v49 =	vmov v0;
	v4 =	vmul.f32 v58, v0;
	v0 =	vld [tilespmem:$0x1FD50];
	_ =	sdelay $0x3  }
0x120: {  	v5 =	vor.u32 $0x28, v2;
	v1 =	vld.idx.msk [tilespmem:v57+s12+$0x0], $0xffff  }
0x121: {  	v3 =	vadd.f32 v4, v3;
	v50 =	vmov v0;
	v4 =	vmul.f32 v59, v0;
	v0 =	vld [tilespmem:$0x1FD60];
	_ =	sdelay $0x3  }
0x122: {  	v60 =	vor.u32 $0x29, v2;
	v62 =	vld.idx.msk [tilespmem:v5+s12+$0x0], $0xffff  }
0x123: {  	v3 =	vadd.f32 v4, v3;
	v51 =	vmov v0;
	v4 =	vmul.f32 v1, v0;
	v0 =	vld [tilespmem:$0x1FD70];
	_ =	sdelay $0x3  }
0x124: {  	v61 =	vor.u32 $0x2A, v2;
	v54 =	vld.idx.msk [tilespmem:v60+s12+$0x0], $0xffff  }
0x125: {  	v3 =	vadd.f32 v4, v3;
	v52 =	vmov v0;
	v4 =	vmul.f32 v62, v0;
	v0 =	vld [tilespmem:$0x1FD80];
	_ =	sdelay $0x3  }
0x126: {  	v5 =	vor.u32 $0x2B, v2;
	v1 =	vld.idx.msk [tilespmem:v61+s12+$0x0], $0xffff  }
0x127: {  	v3 =	vadd.f32 v4, v3;
	v53 =	vmov v0;
	v4 =	vmul.f32 v54, v0;
	v0 =	vld [tilespmem:$0x1FD90];
	_ =	sdelay $0x3  }
0x128: {  	v56 =	vld.idx.msk [tilespmem:v5+s12+$0x0], $0xffff;
	v63 =	vor.u32 $0x2C, v2  }
0x129: {  	v3 =	vadd.f32 v4, v3;
	v54 =	vmov v0;
	v4 =	vmul.f32 v1, v0;
	v0 =	vld [tilespmem:$0x1FDA0];
	_ =	sdelay $0x3  }
0x12a: {  	v57 =	vld.idx.msk [tilespmem:v63+s12+$0x0], $0xffff;
	v58 =	vor.u32 $0x2D, v2  }
0x12b: {  	v3 =	vadd.f32 v4, v3;
	v55 =	vmov v0;
	v4 =	vmul.f32 v56, v0;
	v0 =	vld [tilespmem:$0x1FDB0];
	_ =	sdelay $0x3  }
0x12c: {  	v5 =	vor.u32 $0x2E, v2;
	v1 =	vld.idx.msk [tilespmem:v58+s12+$0x0], $0xffff  }
0x12d: {  	v3 =	vadd.f32 v4, v3;
	v56 =	vmov v0;
	v4 =	vmul.f32 v57, v0;
	v0 =	vld [tilespmem:$0x1FDC0];
	_ =	sdelay $0x3  }
0x12e: {  	v60 =	vor.u32 $0x2F, v2;
	v59 =	vld.idx.msk [tilespmem:v5+s12+$0x0], $0xffff  }
0x12f: {  	v58 =	vor.u32 $0x30, v2;
	v3 =	vadd.f32 v4, v3;
	v57 =	vmovc v0;
	v4 =	vmul.f32 v1, v0;
	v0 =	vld [tilespmem:$0x1FDD0];
	_ =	sdelay $0x3  }
0x130: {  	v60 =	vld.idx.msk [tilespmem:v60+s12+$0x0], $0xffff  }
0x131: {  	v1 =	vld.idx.msk [tilespmem:v58+s12+$0x0], $0xffff;
	v3 =	vadd.f32 v4, v3;
	v58 =	vmovc v0;
	v4 =	vmul.f32 v59, v0;
	v0 =	vor.u32 $0x33, v2  }
0x132: {  	[tilespmem:$0x1FE00] =	vst v0;
	v0 =	vld [tilespmem:$0x1FDE0];
	_ =	sdelay $0x4  }
0x133: {  	v3 =	vadd.f32 v4, v3;
	v59 =	vmov v0;
	v4 =	vmul.f32 v60, v0;
	v0 =	vld [tilespmem:$0x1FDF0];
	_ =	sdelay $0x4  }
0x134: {  	v3 =	vadd.f32 v4, v3;
	v60 =	vmovc v0;
	v4 =	vmul.f32 v1, v0;
	v0 =	vor.u32 $0x35, v2  }
0x135: {  	[tilespmem:$0x1FE30] =	vst v0;
	v0 =	vld [tilespmem:$0x1FE00];
	_ =	sdelay $0x1  }
0x136: {  	v5 =	vor.u32 $0x31, v2;
	_ =	sdelay $0x4  }
0x137: {  	v62 =	vld.idx.msk [tilespmem:v5+s12+$0x0], $0xffff  }
0x138: {  	v1 =	vld.idx.msk [tilespmem:v0+s12+$0x0], $0xffff  }
0x139: {  	v61 =	vor.u32 $0x32, v2;
	v0 =	vld [tilespmem:$0x1FE10]  }
0x13a: {  	v5 =	vor.u32 $0x34, v2;
	_ =	sdelay $0x3  }
0x13b: {  	v63 =	vld.idx.msk [tilespmem:v61+s12+$0x0], $0xffff;
	v3 =	vadd.f32 v4, v3;
	v61 =	vmovc v0;
	v4 =	vmul.f32 v62, v0;
	v0 =	vor.u32 $0x36, v2  }
0x13c: {  	[tilespmem:$0x1FE50] =	vst v0;
	v0 =	vld.idx.msk [tilespmem:v5+s12+$0x0], $0xffff;
	_ =	sdelay $0x4  }
0x13d: {  	[tilespmem:$0x1FE70] =	vst v0;
	v0 =	vld [tilespmem:$0x1FE20];
	_ =	sdelay $0x4  }
0x13e: {  	v3 =	vadd.f32 v4, v3;
	v62 =	vmov v0;
	v4 =	vmul.f32 v63, v0;
	v0 =	vld [tilespmem:$0x1FE30];
	_ =	sdelay $0x7  }
0x13f: {  	v0 =	vld.idx.msk [tilespmem:v0+s12+$0x0], $0xffff;
	_ =	sdelay $0x4  }
0x140: {  	[tilespmem:$0x1FE90] =	vst v0;
	v0 =	vld [tilespmem:$0x1FE40];
	_ =	sdelay $0x4  }
0x141: {  	v3 =	vadd.f32 v4, v3;
	v63 =	vmovc v0;
	v4 =	vmul.f32 v1, v0;
	v0 =	vor.u32 $0x38, v2  }
0x142: {  	[tilespmem:$0x1FEA0] =	vst v0;
	v0 =	vld [tilespmem:$0x1FE50];
	_ =	sdelay $0x5  }
0x143: {  	v1 =	vld [tilespmem:$0x1FE60]  }
0x144: {  	v3 =	vadd.f32 v4, v3;
	v4 =	vld [tilespmem:$0x1FE70]  }
0x145: {  	v0 =	vld.idx.msk [tilespmem:v0+s12+$0x0], $0xffff  }
0x146: {  	v5 =	vor.u32 $0x37, v2;
	_ =	sdelay $0x3  }
0x147: {  	v4 =	vmul.f32 v4, v1;
	[tilespmem:$0x1FEC0] =	vst v0;
	v0 =	vmov v1;
	v1 =	vor.u32 $0x39, v2  }
0x148: {  	[tilespmem:$0x1FED0] =	vst v1;
	v1 =	vld.idx.msk [tilespmem:v5+s12+$0x0], $0xffff;
	_ =	sdelay $0x4  }
0x149: {  	[tilespmem:$0x1FEF0] =	vst v1;
	v1 =	vld [tilespmem:$0x1FE90];
	_ =	sdelay $0x4  }
0x14a: {  	v3 =	vadd.f32 v4, v3;
	v4 =	vmul.f32 v1, v12;
	v1 =	vld [tilespmem:$0x1FEA0];
	_ =	sdelay $0x7  }
0x14b: {  	v1 =	vld.idx.msk [tilespmem:v1+s12+$0x0], $0xffff;
	_ =	sdelay $0x3  }
0x14c: {  	v3 =	vadd.f32 v4, v3;
	v4 =	vld [tilespmem:$0x1FEC0]  }
0x14d: {  	[tilespmem:$0x1FF10] =	vst v1;
	v1 =	vld [tilespmem:$0x1FEB0];
	_ =	sdelay $0x4  }
0x14e: {  	[tilespmem:$0x1FE80] =	vst v12;
	v12 =	vmov v1;
	v4 =	vmul.f32 v4, v1;
	v1 =	vor.u32 $0x3B, v2  }
0x14f: {  	[tilespmem:$0x1FF20] =	vst v1;
	v1 =	vld [tilespmem:$0x1FED0];
	_ =	sdelay $0x7  }
0x150: {  	v1 =	vld.idx.msk [tilespmem:v1+s12+$0x0], $0xffff;
	_ =	sdelay $0x3  }
0x151: {  	v3 =	vadd.f32 v4, v3;
	v4 =	vld [tilespmem:$0x1FEF0]  }
0x152: {  	[tilespmem:$0x1FF40] =	vst v1;
	v1 =	vld [tilespmem:$0x1FEE0]  }
0x153: {  	v5 =	vor.u32 $0x3A, v2;
	_ =	sdelay $0x3  }
0x154: {  	v4 =	vmul.f32 v4, v1;
	v1 =	vor.u32 $0x3C, v2  }
0x155: {  	[tilespmem:$0x1FF50] =	vst v1;
	v1 =	vld.idx.msk [tilespmem:v5+s12+$0x0], $0xffff;
	_ =	sdelay $0x3  }
0x156: {  	v3 =	vadd.f32 v4, v3;
	v4 =	vld [tilespmem:$0x1FF10]  }
0x157: {  	[tilespmem:$0x1FF70] =	vst v1;
	v1 =	vld [tilespmem:$0x1FF00];
	_ =	sdelay $0x4  }
0x158: {  	v4 =	vmul.f32 v4, v1;
	v1 =	vld [tilespmem:$0x1FF20];
	_ =	sdelay $0x7  }
0x159: {  	v1 =	vld.idx.msk [tilespmem:v1+s12+$0x0], $0xffff;
	_ =	sdelay $0x3  }
0x15a: {  	v3 =	vadd.f32 v4, v3;
	v4 =	vld [tilespmem:$0x1FF40]  }
0x15b: {  	[tilespmem:$0x1FF90] =	vst v1;
	v1 =	vld [tilespmem:$0x1FF30];
	_ =	sdelay $0x4  }
0x15c: {  	v4 =	vmul.f32 v4, v1;
	v1 =	vor.u32 $0x3E, v2  }
0x15d: {  	[tilespmem:$0x1FFA0] =	vst v1;
	v1 =	vld [tilespmem:$0x1FF50];
	_ =	sdelay $0x7  }
0x15e: {  	v1 =	vld.idx.msk [tilespmem:v1+s12+$0x0], $0xffff;
	_ =	sdelay $0x4  }
0x15f: {  	[tilespmem:$0x1FFC0] =	vst v1;
	v1 =	vld [tilespmem:$0x1FF70];
	_ =	sdelay $0x4  }
0x160: {  	v3 =	vadd.f32 v4, v3;
	v4 =	vmul.f32 v1, v9;
	v1 =	vld [tilespmem:$0x1FF90];
	_ =	sdelay $0x4  }
0x161: {  	v3 =	vadd.f32 v4, v3;
	v4 =	vmul.f32 v1, v8;
	v1 =	vld [tilespmem:$0x1FFA0];
	_ =	sdelay $0x5  }
0x162: {  	v5 =	vor.u32 $0x3D, v2;
	_ =	sdelay $0x1  }
0x163: {  	[tilespmem:$0x1FF80] =	vst v8;
	v8 =	vld.idx.msk [tilespmem:v1+s12+$0x0], $0xffff  }
0x164: {  	v1 =	vld [tilespmem:$0x1FFC0];
	_ =	sdelay $0x1  }
0x165: {  	v5 =	vld.idx.msk [tilespmem:v5+s12+$0x0], $0xffff;
	_ =	sdelay $0x2  }
0x166: {  	v3 =	vadd.f32 v4, v3;
	v4 =	vmul.f32 v1, v7;
	_ =	sdelay $0x1  }
0x167: {  	v3 =	vadd.f32 v4, v3;
	v4 =	vmul.f32 v5, v6;
	_ =	sdelay $0x1  }
0x168: {  	v2 =	vor.u32 $0x3F, v2;
	v3 =	vadd.f32 v4, v3;
	v4 =	vld [tilespmem:$0x1FFE0];
	_ =	sdelay $0x2  }
0x169: {  	s22 =	sshll.u32 s16, $0x9;
	[tilespmem:$0x1FF60] =	vst v9  }
0x16a: {  	s20 =	sand.u32 $0x200, s22;
	s22 =	simm.s32 $0x30;
	[tilespmem:$0x1FFB0] =	vst v7  }
0x16b: {  	s20 =	sor.u32 $0x1C000, s20;
	s19 =	sadd.s32 s4, s16;
	[tilespmem:$0x1FFD0] =	vst v6;
	s18 =	sshll.u32 s16, $0xB;
	v2 =	vld.idx.msk [tilespmem:v2+s12+$0x0], $0xffff;
	v5 =	vmov s23;
	v1 =	vmov v4;
	v4 =	vmul.f32 v8, v4  }
.LBB2_3:
0x16c: {  	_ = 	snop  }
0x16d: {  	v3 =	vadd.f32 v4, v3;
	v4 =	vld [tilespmem:$0x1FAE0];
	_ =	sdelay $0x3  }
0x16e: {  	v5 =	vshll.u32 v5, $0x6  }
0x16f: {  	v4 =	vmul.f32 v2, v4;
	v2 =	vor.u32 v10, v5;
	v5 =	vld [tilespmem:$0x1FAF0];
	_ =	sdelay $0x4  }
0x170: {  	v3 =	vadd.f32 v4, v3;
	v2 =	vadd.s32 v5, v2;
	_ =	sdelay $0x1  }
0x171: {  	v3 =	vmul.f32 $1.428571410e+01, v3;
	v4 =	vor.u32 $0x1, v2  }
0x172: {  	s21 =	sadd.s32 $0x10, s21  }
0x173: {  	v5 =	vor.u32 $0x2, v2;
	[tilespmem:s21+$0x0] =	vst v3  }
0x174: {  	v3 =	vld.idx.msk [tilespmem:v2+s12+$0x0], $0xffff  }
0x175: {  	v6 =	vor.u32 $0x3, v2  }
0x176: {  	v4 =	vld.idx.msk [tilespmem:v4+s12+$0x0], $0xffff  }
0x177: {  	v7 =	vor.u32 $0x4, v2  }
0x178: {  	v5 =	vld.idx.msk [tilespmem:v5+s12+$0x0], $0xffff  }
0x179: {  	v8 =	vor.u32 $0x5, v2;
	v3 =	vmul.f32 v3, v15  }
0x17a: {  	v6 =	vld.idx.msk [tilespmem:v6+s12+$0x0], $0xffff  }
0x17b: {  	v9 =	vor.u32 $0x6, v2;
	v4 =	vmul.f32 v4, v16;
	v3 =	vadd.f32 $0.0e+00, v3  }
0x17c: {  	v7 =	vld.idx.msk [tilespmem:v7+s12+$0x0], $0xffff  }
0x17d: {  	v10 =	vor.u32 $0x7, v2;
	v3 =	vadd.f32 v4, v3;
	v4 =	vmul.f32 v5, v13  }
0x17e: {  	v5 =	vld.idx.msk [tilespmem:v8+s12+$0x0], $0xffff  }
0x17f: {  	v8 =	vor.u32 $0x8, v2;
	v3 =	vadd.f32 v4, v3;
	v4 =	vmul.f32 v6, v14  }
0x180: {  	v6 =	vld.idx.msk [tilespmem:v9+s12+$0x0], $0xffff  }
0x181: {  	v9 =	vor.u32 $0x9, v2;
	v3 =	vadd.f32 v4, v3;
	v4 =	vmul.f32 v7, v17  }
0x182: {  	v7 =	vld.idx.msk [tilespmem:v10+s12+$0x0], $0xffff  }
0x183: {  	v10 =	vor.u32 $0xA, v2;
	v3 =	vadd.f32 v4, v3;
	v4 =	vmul.f32 v5, v18  }
0x184: {  	v5 =	vld.idx.msk [tilespmem:v8+s12+$0x0], $0xffff  }
0x185: {  	v8 =	vor.u32 $0xB, v2;
	v3 =	vadd.f32 v4, v3;
	v4 =	vmul.f32 v6, v19  }
0x186: {  	v6 =	vld.idx.msk [tilespmem:v9+s12+$0x0], $0xffff  }
0x187: {  	v9 =	vor.u32 $0xC, v2;
	v3 =	vadd.f32 v4, v3;
	v4 =	vmul.f32 v7, v20  }
0x188: {  	v7 =	vld.idx.msk [tilespmem:v10+s12+$0x0], $0xffff  }
0x189: {  	v10 =	vor.u32 $0xD, v2;
	v3 =	vadd.f32 v4, v3;
	v4 =	vmul.f32 v5, v21  }
0x18a: {  	v5 =	vld.idx.msk [tilespmem:v8+s12+$0x0], $0xffff  }
0x18b: {  	v8 =	vor.u32 $0xE, v2;
	v3 =	vadd.f32 v4, v3;
	v4 =	vmul.f32 v6, v22  }
0x18c: {  	v6 =	vld.idx.msk [tilespmem:v9+s12+$0x0], $0xffff  }
0x18d: {  	v9 =	vor.u32 $0xF, v2;
	v3 =	vadd.f32 v4, v3;
	v4 =	vmul.f32 v7, v23  }
0x18e: {  	v7 =	vld.idx.msk [tilespmem:v10+s12+$0x0], $0xffff  }
0x18f: {  	v10 =	vor.u32 $0x10, v2;
	v3 =	vadd.f32 v4, v3;
	v4 =	vmul.f32 v5, v24  }
0x190: {  	v5 =	vld.idx.msk [tilespmem:v8+s12+$0x0], $0xffff  }
0x191: {  	v8 =	vor.u32 $0x11, v2;
	v3 =	vadd.f32 v4, v3;
	v4 =	vmul.f32 v6, v25  }
0x192: {  	v6 =	vld.idx.msk [tilespmem:v9+s12+$0x0], $0xffff  }
0x193: {  	v9 =	vor.u32 $0x12, v2;
	v3 =	vadd.f32 v4, v3;
	v4 =	vmul.f32 v7, v26  }
0x194: {  	v7 =	vld.idx.msk [tilespmem:v10+s12+$0x0], $0xffff  }
0x195: {  	v10 =	vor.u32 $0x13, v2;
	v3 =	vadd.f32 v4, v3;
	v4 =	vmul.f32 v5, v27  }
0x196: {  	v5 =	vld.idx.msk [tilespmem:v8+s12+$0x0], $0xffff  }
0x197: {  	v8 =	vor.u32 $0x14, v2;
	v3 =	vadd.f32 v4, v3;
	v4 =	vmul.f32 v6, v28  }
0x198: {  	v6 =	vld.idx.msk [tilespmem:v9+s12+$0x0], $0xffff  }
0x199: {  	v9 =	vor.u32 $0x15, v2;
	v3 =	vadd.f32 v4, v3;
	v4 =	vmul.f32 v7, v29  }
0x19a: {  	v7 =	vld.idx.msk [tilespmem:v10+s12+$0x0], $0xffff  }
0x19b: {  	v10 =	vor.u32 $0x16, v2;
	v3 =	vadd.f32 v4, v3;
	v4 =	vmul.f32 v5, v30  }
0x19c: {  	v5 =	vld.idx.msk [tilespmem:v8+s12+$0x0], $0xffff  }
0x19d: {  	v8 =	vor.u32 $0x17, v2;
	v3 =	vadd.f32 v4, v3;
	v4 =	vmul.f32 v6, v31  }
0x19e: {  	v6 =	vld.idx.msk [tilespmem:v9+s12+$0x0], $0xffff  }
0x19f: {  	v9 =	vor.u32 $0x18, v2;
	v3 =	vadd.f32 v4, v3;
	v4 =	vmul.f32 v7, v32  }
0x1a0: {  	v7 =	vld.idx.msk [tilespmem:v10+s12+$0x0], $0xffff  }
0x1a1: {  	v10 =	vor.u32 $0x19, v2;
	v3 =	vadd.f32 v4, v3;
	v4 =	vmul.f32 v5, v33  }
0x1a2: {  	v5 =	vld.idx.msk [tilespmem:v8+s12+$0x0], $0xffff  }
0x1a3: {  	v8 =	vor.u32 $0x1A, v2;
	v3 =	vadd.f32 v4, v3;
	v4 =	vmul.f32 v6, v34  }
0x1a4: {  	v6 =	vld.idx.msk [tilespmem:v9+s12+$0x0], $0xffff  }
0x1a5: {  	v9 =	vor.u32 $0x1B, v2;
	v3 =	vadd.f32 v4, v3;
	v4 =	vmul.f32 v7, v35  }
0x1a6: {  	v7 =	vld.idx.msk [tilespmem:v10+s12+$0x0], $0xffff  }
0x1a7: {  	v10 =	vor.u32 $0x1C, v2;
	v3 =	vadd.f32 v4, v3;
	v4 =	vmul.f32 v5, v36  }
0x1a8: {  	v5 =	vld.idx.msk [tilespmem:v8+s12+$0x0], $0xffff  }
0x1a9: {  	v8 =	vor.u32 $0x1D, v2;
	v3 =	vadd.f32 v4, v3;
	v4 =	vmul.f32 v6, v37  }
0x1aa: {  	v6 =	vld.idx.msk [tilespmem:v9+s12+$0x0], $0xffff  }
0x1ab: {  	v9 =	vor.u32 $0x1E, v2;
	v3 =	vadd.f32 v4, v3;
	v4 =	vmul.f32 v7, v38  }
0x1ac: {  	v7 =	vld.idx.msk [tilespmem:v10+s12+$0x0], $0xffff  }
0x1ad: {  	v10 =	vor.u32 $0x1F, v2;
	v3 =	vadd.f32 v4, v3;
	v4 =	vmul.f32 v5, v39  }
0x1ae: {  	v5 =	vld.idx.msk [tilespmem:v8+s12+$0x0], $0xffff  }
0x1af: {  	v8 =	vor.u32 $0x20, v2;
	v3 =	vadd.f32 v4, v3;
	v4 =	vmul.f32 v6, v40  }
0x1b0: {  	v6 =	vld.idx.msk [tilespmem:v9+s12+$0x0], $0xffff  }
0x1b1: {  	v9 =	vor.u32 $0x21, v2;
	v3 =	vadd.f32 v4, v3;
	v4 =	vmul.f32 v7, v41  }
0x1b2: {  	v7 =	vld.idx.msk [tilespmem:v10+s12+$0x0], $0xffff  }
0x1b3: {  	v10 =	vor.u32 $0x22, v2;
	v3 =	vadd.f32 v4, v3;
	v4 =	vmul.f32 v5, v11  }
0x1b4: {  	v5 =	vld.idx.msk [tilespmem:v8+s12+$0x0], $0xffff  }
0x1b5: {  	v8 =	vor.u32 $0x23, v2;
	v3 =	vadd.f32 v4, v3;
	v4 =	vmul.f32 v6, v42  }
0x1b6: {  	v6 =	vld.idx.msk [tilespmem:v9+s12+$0x0], $0xffff  }
0x1b7: {  	v9 =	vor.u32 $0x24, v2;
	v3 =	vadd.f32 v4, v3;
	v4 =	vmul.f32 v7, v43  }
0x1b8: {  	v7 =	vld.idx.msk [tilespmem:v10+s12+$0x0], $0xffff  }
0x1b9: {  	v10 =	vor.u32 $0x25, v2;
	v3 =	vadd.f32 v4, v3;
	v4 =	vmul.f32 v5, v44  }
0x1ba: {  	v5 =	vld.idx.msk [tilespmem:v8+s12+$0x0], $0xffff  }
0x1bb: {  	v8 =	vor.u32 $0x26, v2;
	v3 =	vadd.f32 v4, v3;
	v4 =	vmul.f32 v6, v45  }
0x1bc: {  	v6 =	vld.idx.msk [tilespmem:v9+s12+$0x0], $0xffff  }
0x1bd: {  	v9 =	vor.u32 $0x27, v2;
	v3 =	vadd.f32 v4, v3;
	v4 =	vmul.f32 v7, v46  }
0x1be: {  	v7 =	vld.idx.msk [tilespmem:v10+s12+$0x0], $0xffff  }
0x1bf: {  	v10 =	vor.u32 $0x28, v2;
	v3 =	vadd.f32 v4, v3;
	v4 =	vmul.f32 v5, v47  }
0x1c0: {  	v5 =	vld.idx.msk [tilespmem:v8+s12+$0x0], $0xffff  }
0x1c1: {  	v8 =	vor.u32 $0x29, v2;
	v3 =	vadd.f32 v4, v3;
	v4 =	vmul.f32 v6, v48  }
0x1c2: {  	v6 =	vld.idx.msk [tilespmem:v9+s12+$0x0], $0xffff  }
0x1c3: {  	v9 =	vor.u32 $0x2A, v2;
	v3 =	vadd.f32 v4, v3;
	v4 =	vmul.f32 v7, v49  }
0x1c4: {  	v7 =	vld.idx.msk [tilespmem:v10+s12+$0x0], $0xffff  }
0x1c5: {  	v10 =	vor.u32 $0x2B, v2;
	v3 =	vadd.f32 v4, v3;
	v4 =	vmul.f32 v5, v50  }
0x1c6: {  	v5 =	vld.idx.msk [tilespmem:v8+s12+$0x0], $0xffff  }
0x1c7: {  	v8 =	vor.u32 $0x2C, v2;
	v3 =	vadd.f32 v4, v3;
	v4 =	vmul.f32 v6, v51  }
0x1c8: {  	v6 =	vld.idx.msk [tilespmem:v9+s12+$0x0], $0xffff  }
0x1c9: {  	v9 =	vor.u32 $0x2D, v2;
	v3 =	vadd.f32 v4, v3;
	v4 =	vmul.f32 v7, v52  }
0x1ca: {  	v7 =	vld.idx.msk [tilespmem:v10+s12+$0x0], $0xffff  }
0x1cb: {  	v10 =	vor.u32 $0x2E, v2;
	v3 =	vadd.f32 v4, v3;
	v4 =	vmul.f32 v5, v53  }
0x1cc: {  	v5 =	vld.idx.msk [tilespmem:v8+s12+$0x0], $0xffff  }
0x1cd: {  	v8 =	vor.u32 $0x2F, v2;
	v3 =	vadd.f32 v4, v3;
	v4 =	vmul.f32 v6, v54  }
0x1ce: {  	v6 =	vld.idx.msk [tilespmem:v9+s12+$0x0], $0xffff  }
0x1cf: {  	v9 =	vor.u32 $0x30, v2;
	v3 =	vadd.f32 v4, v3;
	v4 =	vmul.f32 v7, v55  }
0x1d0: {  	v7 =	vld.idx.msk [tilespmem:v10+s12+$0x0], $0xffff  }
0x1d1: {  	v10 =	vor.u32 $0x31, v2;
	v3 =	vadd.f32 v4, v3;
	v4 =	vmul.f32 v5, v56  }
0x1d2: {  	v5 =	vld.idx.msk [tilespmem:v8+s12+$0x0], $0xffff  }
0x1d3: {  	v8 =	vor.u32 $0x32, v2;
	v3 =	vadd.f32 v4, v3;
	v4 =	vmul.f32 v6, v57  }
0x1d4: {  	v6 =	vld.idx.msk [tilespmem:v9+s12+$0x0], $0xffff  }
0x1d5: {  	v9 =	vor.u32 $0x33, v2;
	v3 =	vadd.f32 v4, v3;
	v4 =	vmul.f32 v7, v58  }
0x1d6: {  	v7 =	vld.idx.msk [tilespmem:v10+s12+$0x0], $0xffff  }
0x1d7: {  	v10 =	vor.u32 $0x34, v2;
	v3 =	vadd.f32 v4, v3;
	v4 =	vmul.f32 v5, v59  }
0x1d8: {  	v5 =	vld.idx.msk [tilespmem:v8+s12+$0x0], $0xffff  }
0x1d9: {  	v3 =	vadd.f32 v4, v3;
	v4 =	vmul.f32 v6, v60  }
0x1da: {  	v6 =	vld.idx.msk [tilespmem:v9+s12+$0x0], $0xffff  }
0x1db: {  	v3 =	vadd.f32 v4, v3;
	v4 =	vmul.f32 v7, v61  }
0x1dc: {  	v7 =	vld.idx.msk [tilespmem:v10+s12+$0x0], $0xffff  }
0x1dd: {  	v8 =	vor.u32 $0x35, v2;
	v3 =	vadd.f32 v4, v3;
	v4 =	vmul.f32 v5, v62;
	_ =	sdelay $0x1  }
0x1de: {  	v3 =	vadd.f32 v4, v3;
	v4 =	vmul.f32 v6, v63  }
0x1df: {  	v9 =	vor.u32 $0x36, v2  }
0x1e0: {  	v3 =	vadd.f32 v4, v3;
	v4 =	vmul.f32 v7, v0  }
0x1e1: {  	v5 =	vld.idx.msk [tilespmem:v8+s12+$0x0], $0xffff  }
0x1e2: {  	v3 =	vadd.f32 v4, v3;
	v4 =	vld [tilespmem:$0x1FE80];
	_ =	sdelay $0x1  }
0x1e3: {  	v6 =	vld.idx.msk [tilespmem:v9+s12+$0x0], $0xffff  }
0x1e4: {  	v10 =	vor.u32 $0x37, v2;
	_ =	sdelay $0x1  }
0x1e5: {  	v4 =	vmul.f32 v5, v4;
	_ =	sdelay $0x1  }
0x1e6: {  	v3 =	vadd.f32 v4, v3;
	v4 =	vmul.f32 v6, v12  }
0x1e7: {  	v7 =	vld.idx.msk [tilespmem:v10+s12+$0x0], $0xffff  }
0x1e8: {  	v3 =	vadd.f32 v4, v3;
	v4 =	vld [tilespmem:$0x1FEE0]  }
0x1e9: {  	v8 =	vor.u32 $0x38, v2;
	_ =	sdelay $0x3  }
0x1ea: {  	v4 =	vmul.f32 v7, v4  }
0x1eb: {  	v5 =	vld.idx.msk [tilespmem:v8+s12+$0x0], $0xffff  }
0x1ec: {  	v3 =	vadd.f32 v4, v3;
	v4 =	vld [tilespmem:$0x1FF00]  }
0x1ed: {  	v9 =	vor.u32 $0x39, v2;
	_ =	sdelay $0x3  }
0x1ee: {  	v4 =	vmul.f32 v5, v4  }
0x1ef: {  	v6 =	vld.idx.msk [tilespmem:v9+s12+$0x0], $0xffff  }
0x1f0: {  	v3 =	vadd.f32 v4, v3;
	v4 =	vld [tilespmem:$0x1FF30]  }
0x1f1: {  	v10 =	vor.u32 $0x3A, v2;
	_ =	sdelay $0x3  }
0x1f2: {  	v4 =	vmul.f32 v6, v4  }
0x1f3: {  	v7 =	vld.idx.msk [tilespmem:v10+s12+$0x0], $0xffff  }
0x1f4: {  	v3 =	vadd.f32 v4, v3;
	v4 =	vld [tilespmem:$0x1FF60]  }
0x1f5: {  	v8 =	vor.u32 $0x3B, v2;
	_ =	sdelay $0x3  }
0x1f6: {  	v4 =	vmul.f32 v7, v4  }
0x1f7: {  	v5 =	vld.idx.msk [tilespmem:v8+s12+$0x0], $0xffff  }
0x1f8: {  	v3 =	vadd.f32 v4, v3;
	v4 =	vld [tilespmem:$0x1FF80]  }
0x1f9: {  	v9 =	vor.u32 $0x3C, v2;
	_ =	sdelay $0x3  }
0x1fa: {  	v4 =	vmul.f32 v5, v4  }
0x1fb: {  	v6 =	vld.idx.msk [tilespmem:v9+s12+$0x0], $0xffff  }
0x1fc: {  	v3 =	vadd.f32 v4, v3;
	v4 =	vld [tilespmem:$0x1FFB0]  }
0x1fd: {  	v10 =	vor.u32 $0x3D, v2;
	_ =	sdelay $0x2  }
0x1fe: {  	v8 =	vor.u32 $0x3E, v2  }
0x1ff: {  	v4 =	vmul.f32 v6, v4  }
0x200: {  	v7 =	vld.idx.msk [tilespmem:v10+s12+$0x0], $0xffff  }
0x201: {  	v3 =	vadd.f32 v4, v3;
	v4 =	vld [tilespmem:$0x1FFD0]  }
0x202: {  	v2 =	vor.u32 $0x3F, v2  }
0x203: {  	p1 =	sne.s32 s22, $0x1F0;
	v5 =	vld.idx.msk [tilespmem:v8+s12+$0x0], $0xffff  }
.Ltmp0:
0x204: {  	_ = 	snop;
	(pc) =	sbr.rel @p1 .LBB2_3-.Ltmp0, $4  }
0x205: {  	_ = 	snop  }
0x206: {  	v4 =	vmul.f32 v7, v4  }
0x207: {  	v2 =	vld.idx.msk [tilespmem:v2+s12+$0x0], $0xffff  }
0x208: {  	v10 =	vld [tilespmem:$0x1FFF0];
	v3 =	vadd.f32 v4, v3;
	v4 =	vmul.f32 v5, v1;
	v5 =	vmov s22;
	s22 =	sadd.s32 $0x10, s22  }
0x209: {  	_ = 	snop  }
0x20a: {  	v3 =	vadd.f32 v4, v3;
	v4 =	vshll.u32 v5, $0x6;
	v5 =	vld [tilespmem:$0x1FAE0];
	_ =	sdelay $0x4  }
0x20b: {  	v5 =	vmul.f32 v2, v5;
	v2 =	vor.u32 v10, v4;
	v4 =	vld [tilespmem:$0x1FAF0];
	_ =	sdelay $0x4  }
0x20c: {  	v3 =	vadd.f32 v5, v3;
	v2 =	vadd.s32 v4, v2;
	_ =	sdelay $0x1  }
0x20d: {  	v3 =	vmul.f32 $1.428571410e+01, v3;
	v4 =	vor.u32 $0x1, v2  }
0x20e: {  	s21 =	sadd.s32 $0x10, s21  }
0x20f: {  	[tilespmem:s21+$0x0] =	vst v3;
	v3 =	vor.u32 $0x2, v2  }
0x210: {  	v5 =	vld.idx.msk [tilespmem:v2+s12+$0x0], $0xffff  }
0x211: {  	v6 =	vor.u32 $0x3, v2  }
0x212: {  	v4 =	vld.idx.msk [tilespmem:v4+s12+$0x0], $0xffff  }
0x213: {  	v7 =	vor.u32 $0x4, v2  }
0x214: {  	v3 =	vld.idx.msk [tilespmem:v3+s12+$0x0], $0xffff  }
0x215: {  	v8 =	vor.u32 $0x5, v2;
	v5 =	vmul.f32 v5, v15  }
0x216: {  	v6 =	vld.idx.msk [tilespmem:v6+s12+$0x0], $0xffff  }
0x217: {  	v9 =	vor.u32 $0x6, v2;
	v4 =	vmul.f32 v4, v16;
	v5 =	vadd.f32 $0.0e+00, v5  }
0x218: {  	v7 =	vld.idx.msk [tilespmem:v7+s12+$0x0], $0xffff  }
0x219: {  	v3 =	vmul.f32 v3, v13;
	v13 =	vor.u32 $0x7, v2;
	v4 =	vadd.f32 v4, v5  }
0x21a: {  	v8 =	vld.idx.msk [tilespmem:v8+s12+$0x0], $0xffff  }
0x21b: {  	v15 =	vor.u32 $0x8, v2;
	v14 =	vmul.f32 v6, v14;
	v3 =	vadd.f32 v3, v4  }
0x21c: {  	v9 =	vld.idx.msk [tilespmem:v9+s12+$0x0], $0xffff  }
0x21d: {  	v16 =	vmul.f32 v7, v17;
	v17 =	vor.u32 $0x9, v2;
	v3 =	vadd.f32 v14, v3  }
0x21e: {  	v5 =	vld.idx.msk [tilespmem:v13+s12+$0x0], $0xffff  }
0x21f: {  	v13 =	vmul.f32 v8, v18;
	v8 =	vor.u32 $0xA, v2;
	v3 =	vadd.f32 v16, v3  }
0x220: {  	v6 =	vld.idx.msk [tilespmem:v15+s12+$0x0], $0xffff  }
0x221: {  	v14 =	vmul.f32 v9, v19;
	v9 =	vor.u32 $0xB, v2;
	v3 =	vadd.f32 v13, v3  }
0x222: {  	v7 =	vld.idx.msk [tilespmem:v17+s12+$0x0], $0xffff  }
0x223: {  	v16 =	vor.u32 $0xC, v2;
	v15 =	vmul.f32 v5, v20;
	v3 =	vadd.f32 v14, v3  }
0x224: {  	v8 =	vld.idx.msk [tilespmem:v8+s12+$0x0], $0xffff  }
0x225: {  	v18 =	vor.u32 $0xD, v2;
	v17 =	vmul.f32 v6, v21;
	v3 =	vadd.f32 v15, v3  }
0x226: {  	v9 =	vld.idx.msk [tilespmem:v9+s12+$0x0], $0xffff  }
0x227: {  	v19 =	vmul.f32 v7, v22;
	v20 =	vor.u32 $0xE, v2;
	v3 =	vadd.f32 v17, v3  }
0x228: {  	v5 =	vld.idx.msk [tilespmem:v16+s12+$0x0], $0xffff  }
0x229: {  	v21 =	vmul.f32 v8, v23;
	v8 =	vor.u32 $0xF, v2;
	v3 =	vadd.f32 v19, v3  }
0x22a: {  	v6 =	vld.idx.msk [tilespmem:v18+s12+$0x0], $0xffff  }
0x22b: {  	v22 =	vmul.f32 v9, v24;
	v9 =	vor.u32 $0x10, v2;
	v3 =	vadd.f32 v21, v3  }
0x22c: {  	v7 =	vld.idx.msk [tilespmem:v20+s12+$0x0], $0xffff  }
0x22d: {  	v24 =	vor.u32 $0x11, v2;
	v23 =	vmul.f32 v5, v25;
	v3 =	vadd.f32 v22, v3  }
0x22e: {  	v8 =	vld.idx.msk [tilespmem:v8+s12+$0x0], $0xffff  }
0x22f: {  	v25 =	vmul.f32 v6, v26;
	v26 =	vor.u32 $0x12, v2;
	v3 =	vadd.f32 v23, v3  }
0x230: {  	v9 =	vld.idx.msk [tilespmem:v9+s12+$0x0], $0xffff  }
0x231: {  	v14 =	vor.u32 $0x13, v2;
	v13 =	vmul.f32 v7, v27;
	v3 =	vadd.f32 v25, v3  }
0x232: {  	v5 =	vld.idx.msk [tilespmem:v24+s12+$0x0], $0xffff  }
0x233: {  	v15 =	vmul.f32 v8, v28;
	v8 =	vor.u32 $0x14, v2;
	v3 =	vadd.f32 v13, v3  }
0x234: {  	v6 =	vld.idx.msk [tilespmem:v26+s12+$0x0], $0xffff  }
0x235: {  	v16 =	vmul.f32 v9, v29;
	v9 =	vor.u32 $0x15, v2;
	v3 =	vadd.f32 v15, v3  }
0x236: {  	v7 =	vld.idx.msk [tilespmem:v14+s12+$0x0], $0xffff  }
0x237: {  	v18 =	vor.u32 $0x16, v2;
	v17 =	vmul.f32 v5, v30;
	v3 =	vadd.f32 v16, v3  }
0x238: {  	v8 =	vld.idx.msk [tilespmem:v8+s12+$0x0], $0xffff  }
0x239: {  	v20 =	vor.u32 $0x17, v2;
	v19 =	vmul.f32 v6, v31;
	v3 =	vadd.f32 v17, v3  }
0x23a: {  	v9 =	vld.idx.msk [tilespmem:v9+s12+$0x0], $0xffff  }
0x23b: {  	v22 =	vor.u32 $0x18, v2;
	v21 =	vmul.f32 v7, v32;
	v3 =	vadd.f32 v19, v3  }
0x23c: {  	v5 =	vld.idx.msk [tilespmem:v18+s12+$0x0], $0xffff  }
0x23d: {  	v23 =	vmul.f32 v8, v33;
	v8 =	vor.u32 $0x19, v2;
	v3 =	vadd.f32 v21, v3  }
0x23e: {  	v6 =	vld.idx.msk [tilespmem:v20+s12+$0x0], $0xffff  }
0x23f: {  	v24 =	vmul.f32 v9, v34;
	v9 =	vor.u32 $0x1A, v2;
	v3 =	vadd.f32 v23, v3  }
0x240: {  	v7 =	vld.idx.msk [tilespmem:v22+s12+$0x0], $0xffff  }
0x241: {  	v26 =	vor.u32 $0x1B, v2;
	v25 =	vmul.f32 v5, v35;
	v3 =	vadd.f32 v24, v3  }
0x242: {  	v8 =	vld.idx.msk [tilespmem:v8+s12+$0x0], $0xffff  }
0x243: {  	v28 =	vor.u32 $0x1C, v2;
	v27 =	vmul.f32 v6, v36;
	v3 =	vadd.f32 v25, v3  }
0x244: {  	v9 =	vld.idx.msk [tilespmem:v9+s12+$0x0], $0xffff  }
0x245: {  	v30 =	vor.u32 $0x1D, v2;
	v29 =	vmul.f32 v7, v37;
	v3 =	vadd.f32 v27, v3  }
0x246: {  	v5 =	vld.idx.msk [tilespmem:v26+s12+$0x0], $0xffff  }
0x247: {  	v31 =	vmul.f32 v8, v38;
	v8 =	vor.u32 $0x1E, v2;
	v3 =	vadd.f32 v29, v3  }
0x248: {  	v6 =	vld.idx.msk [tilespmem:v28+s12+$0x0], $0xffff  }
0x249: {  	v32 =	vmul.f32 v9, v39;
	v9 =	vor.u32 $0x1F, v2;
	v3 =	vadd.f32 v31, v3  }
0x24a: {  	v7 =	vld.idx.msk [tilespmem:v30+s12+$0x0], $0xffff  }
0x24b: {  	v33 =	vmul.f32 v5, v40;
	v34 =	vor.u32 $0x20, v2;
	v3 =	vadd.f32 v32, v3  }
0x24c: {  	v8 =	vld.idx.msk [tilespmem:v8+s12+$0x0], $0xffff  }
0x24d: {  	v36 =	vor.u32 $0x21, v2;
	v35 =	vmul.f32 v6, v41;
	v3 =	vadd.f32 v33, v3  }
0x24e: {  	v9 =	vld.idx.msk [tilespmem:v9+s12+$0x0], $0xffff  }
0x24f: {  	v37 =	vmul.f32 v7, v11;
	v38 =	vor.u32 $0x22, v2;
	v3 =	vadd.f32 v35, v3  }
0x250: {  	v5 =	vld.idx.msk [tilespmem:v34+s12+$0x0], $0xffff  }
0x251: {  	v39 =	vmul.f32 v8, v42;
	v8 =	vor.u32 $0x23, v2;
	v3 =	vadd.f32 v37, v3  }
0x252: {  	v6 =	vld.idx.msk [tilespmem:v36+s12+$0x0], $0xffff  }
0x253: {  	v40 =	vmul.f32 v9, v43;
	v9 =	vor.u32 $0x24, v2;
	v3 =	vadd.f32 v39, v3  }
0x254: {  	v7 =	vld.idx.msk [tilespmem:v38+s12+$0x0], $0xffff  }
0x255: {  	v41 =	vmul.f32 v5, v44;
	v42 =	vor.u32 $0x25, v2;
	v3 =	vadd.f32 v40, v3  }
0x256: {  	v8 =	vld.idx.msk [tilespmem:v8+s12+$0x0], $0xffff  }
0x257: {  	v44 =	vor.u32 $0x26, v2;
	v43 =	vmul.f32 v6, v45;
	v3 =	vadd.f32 v41, v3  }
0x258: {  	v9 =	vld.idx.msk [tilespmem:v9+s12+$0x0], $0xffff  }
0x259: {  	v45 =	vmul.f32 v7, v46;
	v46 =	vor.u32 $0x27, v2;
	v3 =	vadd.f32 v43, v3  }
0x25a: {  	v5 =	vld.idx.msk [tilespmem:v42+s12+$0x0], $0xffff  }
0x25b: {  	v13 =	vmul.f32 v8, v47;
	v8 =	vor.u32 $0x28, v2;
	v3 =	vadd.f32 v45, v3  }
0x25c: {  	v6 =	vld.idx.msk [tilespmem:v44+s12+$0x0], $0xffff  }
0x25d: {  	v14 =	vmul.f32 v9, v48;
	v9 =	vor.u32 $0x29, v2;
	v3 =	vadd.f32 v13, v3  }
0x25e: {  	v7 =	vld.idx.msk [tilespmem:v46+s12+$0x0], $0xffff  }
0x25f: {  	v16 =	vor.u32 $0x2A, v2;
	v15 =	vmul.f32 v5, v49;
	v3 =	vadd.f32 v14, v3  }
0x260: {  	v8 =	vld.idx.msk [tilespmem:v8+s12+$0x0], $0xffff  }
0x261: {  	v18 =	vor.u32 $0x2B, v2;
	v17 =	vmul.f32 v6, v50;
	v3 =	vadd.f32 v15, v3  }
0x262: {  	v9 =	vld.idx.msk [tilespmem:v9+s12+$0x0], $0xffff  }
0x263: {  	v20 =	vor.u32 $0x2C, v2;
	v19 =	vmul.f32 v7, v51;
	v3 =	vadd.f32 v17, v3  }
0x264: {  	v5 =	vld.idx.msk [tilespmem:v16+s12+$0x0], $0xffff  }
0x265: {  	v21 =	vmul.f32 v8, v52;
	v8 =	vor.u32 $0x2D, v2;
	v3 =	vadd.f32 v19, v3  }
0x266: {  	v6 =	vld.idx.msk [tilespmem:v18+s12+$0x0], $0xffff  }
0x267: {  	v22 =	vmul.f32 v9, v53;
	v9 =	vor.u32 $0x2E, v2;
	v3 =	vadd.f32 v21, v3  }
0x268: {  	v7 =	vld.idx.msk [tilespmem:v20+s12+$0x0], $0xffff  }
0x269: {  	v24 =	vor.u32 $0x2F, v2;
	v23 =	vmul.f32 v5, v54;
	v3 =	vadd.f32 v22, v3  }
0x26a: {  	v8 =	vld.idx.msk [tilespmem:v8+s12+$0x0], $0xffff  }
0x26b: {  	v26 =	vor.u32 $0x30, v2;
	v25 =	vmul.f32 v6, v55;
	v3 =	vadd.f32 v23, v3  }
0x26c: {  	v9 =	vld.idx.msk [tilespmem:v9+s12+$0x0], $0xffff  }
0x26d: {  	v28 =	vor.u32 $0x31, v2;
	v27 =	vmul.f32 v7, v56;
	v3 =	vadd.f32 v25, v3  }
0x26e: {  	v5 =	vld.idx.msk [tilespmem:v24+s12+$0x0], $0xffff  }
0x26f: {  	v29 =	vmul.f32 v8, v57;
	v8 =	vor.u32 $0x32, v2;
	v3 =	vadd.f32 v27, v3  }
0x270: {  	v6 =	vld.idx.msk [tilespmem:v26+s12+$0x0], $0xffff  }
0x271: {  	v30 =	vmul.f32 v9, v58;
	v9 =	vor.u32 $0x33, v2;
	v3 =	vadd.f32 v29, v3  }
0x272: {  	v7 =	vld.idx.msk [tilespmem:v28+s12+$0x0], $0xffff  }
0x273: {  	v32 =	vor.u32 $0x34, v2;
	v31 =	vmul.f32 v5, v59;
	v3 =	vadd.f32 v30, v3  }
0x274: {  	v8 =	vld.idx.msk [tilespmem:v8+s12+$0x0], $0xffff  }
0x275: {  	v34 =	vor.u32 $0x35, v2;
	v33 =	vmul.f32 v6, v60;
	v3 =	vadd.f32 v31, v3  }
0x276: {  	v9 =	vld.idx.msk [tilespmem:v9+s12+$0x0], $0xffff  }
0x277: {  	v36 =	vor.u32 $0x36, v2;
	v35 =	vmul.f32 v7, v61;
	v3 =	vadd.f32 v33, v3  }
0x278: {  	v5 =	vld.idx.msk [tilespmem:v32+s12+$0x0], $0xffff  }
0x279: {  	v41 =	vld [tilespmem:$0x1FE80];
	v37 =	vmul.f32 v8, v62;
	v8 =	vor.u32 $0x37, v2;
	v3 =	vadd.f32 v35, v3  }
0x27a: {  	v6 =	vld.idx.msk [tilespmem:v34+s12+$0x0], $0xffff  }
0x27b: {  	v38 =	vmul.f32 v9, v63;
	v9 =	vor.u32 $0x38, v2;
	v3 =	vadd.f32 v37, v3  }
0x27c: {  	v7 =	vld.idx.msk [tilespmem:v36+s12+$0x0], $0xffff  }
0x27d: {  	v46 =	vld [tilespmem:$0x1FEE0];
	v40 =	vor.u32 $0x39, v2;
	v39 =	vmul.f32 v5, v0;
	v3 =	vadd.f32 v38, v3  }
0x27e: {  	v43 =	vor.u32 $0x3A, v2;
	v8 =	vld.idx.msk [tilespmem:v8+s12+$0x0], $0xffff  }
0x27f: {  	v48 =	vld [tilespmem:$0x1FF00];
	v42 =	vmul.f32 v6, v41;
	v3 =	vadd.f32 v39, v3  }
0x280: {  	v9 =	vld.idx.msk [tilespmem:v9+s12+$0x0], $0xffff  }
0x281: {  	v50 =	vld [tilespmem:$0x1FF30];
	v45 =	vor.u32 $0x3B, v2;
	v44 =	vmul.f32 v7, v12;
	v3 =	vadd.f32 v42, v3  }
0x282: {  	v5 =	vld.idx.msk [tilespmem:v40+s12+$0x0], $0xffff  }
0x283: {  	v6 =	vld.idx.msk [tilespmem:v43+s12+$0x0], $0xffff;
	v47 =	vmul.f32 v8, v46;
	v8 =	vor.u32 $0x3C, v2;
	v3 =	vadd.f32 v44, v3  }
0x284: {  	v53 =	vld [tilespmem:$0x1FF60]  }
0x285: {  	v56 =	vld [tilespmem:$0x1FF80];
	v49 =	vmul.f32 v9, v48;
	v9 =	vor.u32 $0x3D, v2;
	v3 =	vadd.f32 v47, v3  }
0x286: {  	v7 =	vld.idx.msk [tilespmem:v45+s12+$0x0], $0xffff  }
0x287: {  	v52 =	vor.u32 $0x3E, v2;
	v51 =	vmul.f32 v5, v50;
	v58 =	vld [tilespmem:$0x1FFB0];
	v3 =	vadd.f32 v49, v3  }
0x288: {  	v8 =	vld.idx.msk [tilespmem:v8+s12+$0x0], $0xffff  }
0x289: {  	v60 =	vld [tilespmem:$0x1FFD0];
	v54 =	vmul.f32 v6, v53;
	v2 =	vor.u32 $0x3F, v2;
	v3 =	vadd.f32 v51, v3  }
0x28a: {  	v55 =	vld.idx.msk [tilespmem:v9+s12+$0x0], $0xffff  }
0x28b: {  	v57 =	vmul.f32 v7, v56;
	v3 =	vadd.f32 v54, v3  }
0x28c: {  	v5 =	vld.idx.msk [tilespmem:v52+s12+$0x0], $0xffff  }
0x28d: {  	v63 =	vld [tilespmem:$0x1FAE0];
	v59 =	vmul.f32 v8, v58;
	v3 =	vadd.f32 v57, v3  }
0x28e: {  	v2 =	vld.idx.msk [tilespmem:v2+s12+$0x0], $0xffff  }
0x28f: {  	v61 =	vmul.f32 v55, v60;
	v3 =	vadd.f32 v59, v3;
	_ =	sdelay $0x1  }
0x290: {  	v62 =	vmul.f32 v5, v1;
	v3 =	vadd.f32 v61, v3;
	_ =	sdelay $0x1  }
0x291: {  	v1 =	vmul.f32 v2, v63;
	v0 =	vadd.f32 v62, v3;
	_ =	sdelay $0x1  }
0x292: {  	v0 =	vadd.f32 v1, v0;
	_ =	sdelay $0x1  }
0x293: {  	v0 =	vmul.f32 $1.428571410e+01, v0  }
0x294: {  	s19 =	sshll.u32 s19, $0x6;
	p1 =	sgt.u32 s16, $0x1C;
	s21 =	sadd.s32 $0x10, s21  }
0x295: {  	s19 =	sadd.s32 s5, s19;
	s17 =	sshll.u32 @!p1 s17, $0xF;
	s18 =	sshra.s32 @!p1 s18, $0x2;
	[tilespmem:s21+$0x0] =	vst v0  }
0x296: {  	[hbm4b:s19+s2] =	stream.linear.scatter [tilespmem:s20], [sflag:$0x2], $0x200, $0x38;
	[tilespmem:$0x1CC00] =	vst v63  }
0x297: {  	s21 =	simm.s32 @!p1 $0x80;
	s19 =	sor.u32 @!p1 $0x4000, s17;
	s20 =	sadd.s32 @!p1 $0x600, s18  }
0x298: {  	[tilespmem:s19], [sflag:$0x1] =	stream.indirect.gather @!p1 [hbm4b:s3+s21], $0x40, s20, s21, $0xb8;
	[tilespmem:$0x1CC00] =	vst v63  }
0x299: {  	s19 =	sor.u32 @!p1 $0x6000, s17;
	s20 =	sadd.s32 @!p1 $0x680, s18  }
0x29a: {  	[tilespmem:s19], [sflag:$0x1] =	stream.indirect.gather @!p1 [hbm4b:s3+s21], $0x40, s20, s21, $0xb8;
	[tilespmem:$0x1CC00] =	vst v63  }
0x29b: {  	s19 =	sadd.s32 @!p1 $0x8000, s17;
	s20 =	sadd.s32 @!p1 $0x700, s18  }
0x29c: {  	[tilespmem:s19], [sflag:$0x1] =	stream.indirect.gather @!p1 [hbm4b:s3+s21], $0x40, s20, s21, $0xb8;
	[tilespmem:$0x1CC00] =	vst v63  }
0x29d: {  	s16 =	sadd.s32 $0x1, s16;
	s17 =	sadd.s32 @!p1 $0xA000, s17;
	s18 =	sadd.s32 @!p1 $0x780, s18  }
0x29e: {  	[tilespmem:s17], [sflag:$0x1] =	stream.indirect.gather @!p1 [hbm4b:s3+s21], $0x40, s18, s21, $0xb8;
	[tilespmem:$0x1CC00] =	vst v63  }
0x29f: {  	p1 =	sne.s32 s16, $0x20  }
.Ltmp1:
0x2a0: {  	_ = 	snop;
	(pc) =	sbr.rel @p1 .LBB2_2-.Ltmp1, $2  }
0x2a1: {  	_ =	sdelay $0x2  }
0x2a2: {  	p0 =	por !p0, !p0  }
0x2a3: {  	s15 =	sadd.s32 $0x1, s15  }
0x2a4: {  	_ =	swait.ge [sflag:s14], $0x200;
	p0 =	sne.s32 s15, s8  }
.Ltmp2:
0x2a5: {  	[sflag:s14] =	ssyncset.done $0x0;
	(pc) =	sbr.rel @p0 .LBB2_1-.Ltmp2, $4  }
0x2a6: {  	[sflag:s14] =	ssyncadd.s32 $0xFFFFFE00  }
0x2a7: {  	_ =	swait.ge [sflag:s14], $0x200  }
0x2a8: {  	[sflag:s14] =	ssyncset.done $0x0  }
0x2a9: {  	[sflag:s14] =	ssyncadd.s32 $0xFFFFFE00  }
0x2aa: {  	_ =	sfence.sel $0x180000  }
0x2ab: {  	[bflag:$0x0] =	sbarrier.arrive $0xFFFF  }
0x2ac: {  	_ =	strace $0x90000047  }
0x2ad: {  	s0 =	stileid.u32;
	[bflag:$0x2] =	sbarrier.arrive $0xFFFF  }
0x2ae: {  	p0 =	sne.s32 s0, $0x0;
	s0 =	rddreg [dreg:$0x1]  }
0x2af: {  	s0 =	sadd.s32 @!p0 $0x100000, s0  }
0x2b0: {  	[sflag:s0] =	ssyncadd.tile.s32 @!p0 $0x1;
	_ =	shalt  }
.Lfunc_end2:
_tile_overlayer_lowered:
.L_overlay_start_2:
0x2b1: {  	(tag) =	ssettag $0x2  }
0x2b2: {  	s0 =	rddreg [dreg:$0x0];
	s2 =	stileid.u32  }
0x2b3: {  	s1 =	rddreg [dreg:$0x1];
	p0 =	sne.s32 s2, $0x0  }
0x2b4: {  	s3 =	rddreg [dreg:$0x2];
	[bflag:$0x3] =	sbarrier.arrive $0xFFFF;
	s2 =	simm.s32 @!p0 $0x1C03  }
0x2b5: {  	[timem:s3], [sflag:s2] =	dma.local @!p0 [hbm:s0], s1  }
0x2b6: {  	s0 =	simm.s32 @!p0 $0x3  }
0x2b7: {  	_ =	swait.ge @!p0 [sflag:s0], s1  }
0x2b8: {  	s1 =	ssub.s32 @!p0 $0x0, s1;
	[sflag:s0] =	ssyncset.done @!p0 $0x0  }
0x2b9: {  	[sflag:s0] =	ssyncadd.s32 @!p0 s1  }
0x2ba: {  	[bflag:$0x3] =	sbarrier.arrive $0xFFFF  }
0x2bb: {  	_ =	shalt  }

</sc_bundles>
